<compile_context>
chip_gen: v7x
topology: tpu7x:2x2x1
jax: 0.10.2.dev20260603
libtpu: 0.0.44.dev20260713+nightly
codegen_flags: <defaults>
</compile_context>

<pallas_src>
import functools

import jax
import jax.numpy as jnp
from jax import lax
from jax.experimental import pallas as pl
from jax.experimental.pallas import tpu as pltpu
import jax.experimental.pallas.tpu_sc as plsc

B, P, C_IN = 4, 4096, 128
S, K = 1024, 64
HID, C_OUT = 256, 256
R2 = 0.2 * 0.2
TS = 128



def _fps_body(pos_ref, sel_ref):
    px = pos_ref[:, 0, :]
    py = pos_ref[:, 1, :]
    pz = pos_ref[:, 2, :]
    lane = jax.lax.broadcasted_iota(jnp.int32, (B, P), 1).astype(jnp.float32)

    c0x = px[:, 0:1]
    c0y = py[:, 0:1]
    c0z = pz[:, 0:1]
    dx = px - c0x
    dy = py - c0y
    dz = pz - c0z
    mind = dx * dx + dy * dy + dz * dz
    lane_s = jax.lax.broadcasted_iota(jnp.int32, (3 * B, S), 1)
    acc = jnp.where(lane_s == 0, jnp.concatenate([c0x, c0y, c0z], axis=0),
                    0.0)

    def body(s, carry):
        mind, acc = carry
        m = jnp.max(mind, axis=1, keepdims=True)
        nxt = jnp.min(jnp.where(mind == m, lane, float(P)), axis=1,
                      keepdims=True)
        oh = lane == nxt
        cx = jnp.sum(jnp.where(oh, px, 0.0), axis=1, keepdims=True)
        cy = jnp.sum(jnp.where(oh, py, 0.0), axis=1, keepdims=True)
        cz = jnp.sum(jnp.where(oh, pz, 0.0), axis=1, keepdims=True)
        ddx = px - cx
        ddy = py - cy
        ddz = pz - cz
        d = ddx * ddx + ddy * ddy + ddz * ddz
        acc = jnp.where(lane_s == s, jnp.concatenate([cx, cy, cz], axis=0),
                        acc)
        return jnp.minimum(mind, d), acc

    _, acc = jax.lax.fori_loop(1, S, body, (mind, acc))
    sel_ref[:, :] = acc


def _run_fps(pos_t):
    return pl.pallas_call(
        _fps_body,
        out_shape=jax.ShapeDtypeStruct((3 * B, S), jnp.float32),
    )(pos_t)


def _topk_body(pos_ref, sel_ref, nbr_ref):
    px = pos_ref[0, 0, :][None, :]
    py = pos_ref[0, 1, :][None, :]
    pz = pos_ref[0, 2, :][None, :]
    sx = sel_ref[0, :, 0:1]
    sy = sel_ref[0, :, 1:2]
    sz = sel_ref[0, :, 2:3]
    ss = sx * sx + sy * sy + sz * sz
    pp = px * px + py * py + pz * pz
    bxl = lambda v: v.astype(jnp.bfloat16).astype(jnp.float32)
    dot = (bxl(sx) * bxl(px) + bxl(sy) * bxl(py) + bxl(sz) * bxl(pz))
    d = jnp.maximum(ss + pp - 2.0 * dot, 0.0)

    lane = jax.lax.broadcasted_iota(jnp.int32, (TS, P), 1).astype(jnp.float32)
    inf = jnp.float32(jnp.inf)
    ik0 = None
    for k in range(K):
        m = jnp.min(d, axis=1, keepdims=True)
        ik = jnp.min(jnp.where(d == m, lane, float(P)), axis=1,
                     keepdims=True)
        if k == 0:
            ik0 = ik
            nbr_ref[0, :, 0:1] = ik.astype(jnp.int32)
        else:
            sel = jnp.where(m <= R2, ik, ik0)
            nbr_ref[0, :, k:k + 1] = sel.astype(jnp.int32)
        d = jnp.where(lane == ik, inf, d)


def _run_topk(pos_t, sel_t):
    return pl.pallas_call(
        _topk_body,
        grid=(B, S // TS),
        in_specs=[
            pl.BlockSpec((1, 3, P), lambda b, t: (b, 0, 0)),
            pl.BlockSpec((1, TS, 3), lambda b, t: (b, t, 0)),
        ],
        out_specs=pl.BlockSpec((1, TS, K), lambda b, t: (b, t, 0)),
        out_shape=jax.ShapeDtypeStruct((B, S, K), jnp.int32),
    )(pos_t, sel_t)


D_PAD = 256
ROWS = B * S * K
NW = 32
RPW = ROWS // NW
CH = 128
NCH = RPW // CH


def _run_gather_sc(table_pad, idx_resh):
    mesh = plsc.VectorSubcoreMesh(core_axis_name="c", subcore_axis_name="s")

    @functools.partial(
        pl.kernel, mesh=mesh,
        out_type=jax.ShapeDtypeStruct((ROWS, D_PAD), jnp.float32),
        scratch_types=[
            pltpu.VMEM((NCH, CH), jnp.int32),
            pltpu.VMEM((CH, D_PAD), jnp.float32),
            pltpu.VMEM((CH, D_PAD), jnp.float32),
            pltpu.SemaphoreType.DMA,
            pltpu.SemaphoreType.DMA,
        ],
    )
    def k(table_hbm, idx_hbm, out_hbm, idx_v, rows0, rows1, sem0, sem1):
        wid = lax.axis_index("s") * 2 + lax.axis_index("c")
        base = wid * RPW
        pltpu.sync_copy(idx_hbm.at[wid], idx_v)
        bufs = (rows0, rows1)
        sems = (sem0, sem1)
        pltpu.make_async_copy(table_hbm.at[idx_v.at[0]], rows0, sem0).start()

        def pair(p, carry):
            i = p * 2
            for par in range(2):
                buf, sem = bufs[par], sems[par]
                nbuf, nsem = bufs[1 - par], sems[1 - par]
                nxt = i + par + 1

                @pl.when(nxt < NCH)
                def _():
                    pltpu.make_async_copy(
                        table_hbm.at[idx_v.at[nxt]], nbuf, nsem).start()

                pltpu.make_async_copy(
                    table_hbm.at[idx_v.at[i + par]], buf, sem).wait()
                pltpu.sync_copy(
                    buf, out_hbm.at[pl.ds(base + (i + par) * CH, CH)])
            return carry

        lax.fori_loop(0, NCH // 2, pair, 0)

    return k(table_pad, idx_resh)


GD = 32


def _dconv_body(gath_ref, sel_ref, w1_ref, b1_ref, w2_ref, b2_ref,
                out_ref, feat):
    feat[:, :] = gath_ref[:, :]
    for r in range(GD):
        sel_row = sel_ref[r:r + 1, :]
        blk = feat[pl.ds(r * K, K), C_IN:C_IN + 3]
        feat[pl.ds(r * K, K), C_IN:C_IN + 3] = blk - sel_row
    h = jnp.dot(feat[:, :], w1_ref[:, :],
                preferred_element_type=jnp.float32) + b1_ref[:, :]
    h = jnp.maximum(h, 0.0)
    g = jnp.dot(h, w2_ref[:, :],
                preferred_element_type=jnp.float32) + b2_ref[:, :]
    g = jnp.maximum(g, 0.0)
    out_ref[0, :, :] = jnp.max(g.reshape(GD, K, C_OUT), axis=1)


def _run_dense_conv(gathered, sel_flat, W1p, b1, W2, b2):
    nch = B * S // GD
    return pl.pallas_call(
        _dconv_body,
        grid=(nch,),
        in_specs=[
            pl.BlockSpec((GD * K, D_PAD), lambda c: (c, 0)),
            pl.BlockSpec((GD, 3), lambda c: (c, 0)),
            pl.BlockSpec((D_PAD, HID), lambda c: (0, 0)),
            pl.BlockSpec((1, HID), lambda c: (0, 0)),
            pl.BlockSpec((HID, C_OUT), lambda c: (0, 0)),
            pl.BlockSpec((1, C_OUT), lambda c: (0, 0)),
        ],
        out_specs=pl.BlockSpec((1, GD, C_OUT), lambda c: (c, 0, 0)),
        out_shape=jax.ShapeDtypeStruct((nch, GD, C_OUT), jnp.float32),
        scratch_shapes=[pltpu.VMEM((GD * K, D_PAD), jnp.float32)],
    )(gathered, sel_flat, W1p, b1, W2, b2)


def kernel(x, pos, batch, W1, b1, W2, b2):
    pos_r = pos.reshape(B, P, 3)
    pos_t = pos_r.transpose(0, 2, 1)
    sel = _run_fps(pos_t)
    sel_t = sel.reshape(3, B, S).transpose(1, 2, 0)
    nbr = _run_topk(pos_t, sel_t)
    table_pad = jnp.concatenate(
        [x, pos, jnp.zeros((B * P, D_PAD - C_IN - 3), jnp.float32)], axis=1)
    idx_resh = (nbr + jnp.arange(B, dtype=jnp.int32)[:, None, None] * P
                ).reshape(NW, NCH, CH)
    gathered = _run_gather_sc(table_pad, idx_resh)
    W1p = jnp.concatenate(
        [W1, jnp.zeros((D_PAD - C_IN - 3, HID), jnp.float32)], axis=0)
    out = _run_dense_conv(gathered, sel_t.reshape(B * S, 3), W1p,
                          b1.reshape(1, HID), W2, b2.reshape(1, C_OUT))
    out = out.reshape(B * S, C_OUT)
    sel_pos = sel_t.reshape(B * S, 3)
    sel_batch = jnp.repeat(jnp.arange(B, dtype=batch.dtype), S)
    return out, sel_pos, sel_batch

# --- scband reference (transcript-rebuilt; emitter-appended) ---
"""Pipeline reference for scband-samodule-60043642798272 (READ-ONLY COPY).

The authoritative reference and input builder live on the scoring server;
editing this copy changes nothing except your own understanding.
"""

import jax, jax.numpy as jnp
import numpy as np

B, P, C_IN = 4, 4096, 128
RATIO = 0.25
S = int(P * RATIO)
R = 0.2
K = 64
HID, C_OUT = 256, 256


def setup_inputs(seed: int = 0) -> dict:
    key = jax.random.key(seed)
    k1, k2, k3, k4 = jax.random.split(key, 4)
    x = jax.random.normal(k1, (B * P, C_IN), dtype=jnp.float32)
    pos = jax.random.uniform(k2, (B * P, 3), dtype=jnp.float32)
    batch = jnp.repeat(jnp.arange(B, dtype=jnp.int32), P)
    W1 = jax.random.normal(k3, (C_IN + 3, HID), dtype=jnp.float32) * (1.0 / np.sqrt(C_IN + 3))
    b1 = jnp.zeros((HID,), dtype=jnp.float32)
    W2 = jax.random.normal(k4, (HID, C_OUT), dtype=jnp.float32) * (1.0 / np.sqrt(HID))
    b2 = jnp.zeros((C_OUT,), dtype=jnp.float32)
    return {"x": x, "pos": pos, "batch": batch, "W1": W1, "b1": b1, "W2": W2, "b2": b2}


def _fps_one(pos_b):
    # farthest point sampling within one cloud, deterministic start at index 0
    mind = jnp.sum((pos_b - pos_b[0]) ** 2, axis=-1)

    def body(mind, _):
        nxt = jnp.argmax(mind)
        d = jnp.sum((pos_b - pos_b[nxt]) ** 2, axis=-1)
        mind = jnp.minimum(mind, d)
        return mind, nxt

    _, nxts = jax.lax.scan(body, mind, None, length=S - 1)
    return jnp.concatenate([jnp.zeros((1,), dtype=nxts.dtype), nxts])


def reference(x, pos, batch, W1, b1, W2, b2):
    pos_r = pos.reshape(B, P, 3)
    x_r = x.reshape(B, P, C_IN)
    # 1) FPS per cloud
    sel_idx = jax.vmap(_fps_one)(pos_r)  # [B, S]
    sel_pos = jnp.take_along_axis(pos_r, sel_idx[:, :, None], axis=1)  # [B, S, 3]
    # 2) radius grouping: up to K neighbors within r of each centroid (same cloud)
    dist2 = (jnp.sum(sel_pos ** 2, -1)[:, :, None]
             + jnp.sum(pos_r ** 2, -1)[:, None, :]
             - 2.0 * jnp.einsum('bsd,bpd->bsp', sel_pos, pos_r))
    dist2 = jnp.maximum(dist2, 0.0)
    neg = jnp.where(dist2 <= R * R, -dist2, -jnp.inf)
    vals, nbr = jax.lax.top_k(neg, K)  # [B, S, K]
    valid = jnp.isfinite(vals)
    # 3) PointConv: local_nn MLP on [x_j, pos_j - pos_i], max aggregation
    bidx = jnp.arange(B)[:, None, None]
    x_j = x_r[bidx, nbr]      # [B, S, K, C_IN]
    pos_j = pos_r[bidx, nbr]  # [B, S, K, 3]
    rel = pos_j - sel_pos[:, :, None, :]
    feat = jnp.concatenate([x_j, rel], axis=-1)  # [B, S, K, C_IN+3]
    h = jax.nn.relu(feat @ W1 + b1)
    h = jax.nn.relu(h @ W2 + b2)
    h = jnp.where(valid[..., None], h, -jnp.inf)
    out = jnp.max(h, axis=2)
    out = jnp.where(jnp.isfinite(out), out, 0.0)
    sel_batch = jnp.repeat(jnp.arange(B, dtype=batch.dtype), S)
    return out.reshape(B * S, C_OUT), sel_pos.reshape(B * S, 3), sel_batch

if __name__ == "__main__":
    import jax
    _d = setup_inputs()
    print(jax.jit(kernel)(*tuple(_d.values())))

</pallas_src>

<mosaic_0001>
#map = affine_map<(d0, d1) -> (0, 0)>
#map1 = affine_map<(d0, d1) -> (0, 0, 0)>
module attributes {stable_mosaic.version = 14 : i64} {
  func.func @k(%arg0: i32, %arg1: i32, %arg2: memref<16384x256xf32, #tpu.memory_space<hbm>>, %arg3: memref<32x64x128xi32, #tpu.memory_space<hbm>>, %arg4: memref<262144x256xf32, #tpu.memory_space<hbm>>, %arg5: memref<64x128xi32, #tpu.memory_space<vmem>>, %arg6: memref<128x256xf32, #tpu.memory_space<vmem>>, %arg7: memref<128x256xf32, #tpu.memory_space<vmem>>, %arg8: memref<!tpu.dma_semaphore, #tpu.memory_space<semaphore_mem>>, %arg9: memref<!tpu.dma_semaphore, #tpu.memory_space<semaphore_mem>>) attributes {dimension_semantics = [#tpu.dimension_semantics<core_parallel>, #tpu.dimension_semantics<subcore_parallel>], iteration_bounds = array<i64: 2, 16>, scalar_prefetch = 0 : i64, scratch_operands = 5 : i64, tpu.core_type = #tpu.core_type<sc_vector_subcore>, window_params = [{transform_indices = #map}, {transform_indices = #map1}, {transform_indices = #map}]} {
    %mul3A = arith.constant 2 : i32
    %mul3A_0 = arith.muli %arg1, %mul3A : i32
    %add3A = arith.addi %mul3A_0, %arg0 : i32
    %mul3A_1 = arith.constant 8192 : i32
    %mul3A_2 = arith.muli %add3A, %mul3A_1 : i32
    "tpu.region"() ({
      %run_scoped3A = tpu.sem_alloc : memref<!tpu.dma_semaphore, #tpu.memory_space<semaphore_mem>>
      %dma_start3A_14 = arith.constant 0 : i32
      %dma_start3A_15 = arith.constant 0 : i32
      %dma_start3A_16 = tpu.memref_slice %arg3[%add3A, %dma_start3A_14, %dma_start3A_15] : memref<32x64x128xi32, #tpu.memory_space<hbm>> -> memref<1x64x128xi32, #tpu.memory_space<hbm>>
      %dma_start3A_17 = tpu.memref_squeeze %dma_start3A_16 : memref<1x64x128xi32, #tpu.memory_space<hbm>> -> memref<64x128xi32, #tpu.memory_space<hbm>>
      %dma_start3A_18 = arith.constant 0 : i32
      %dma_start3A_19 = arith.constant 0 : i32
      %dma_start3A_20 = tpu.memref_slice %arg3[%add3A, %dma_start3A_18, %dma_start3A_19] : memref<32x64x128xi32, #tpu.memory_space<hbm>> -> memref<1x64x128xi32, #tpu.memory_space<hbm>>
      %dma_start3A_21 = tpu.memref_squeeze %dma_start3A_20 : memref<1x64x128xi32, #tpu.memory_space<hbm>> -> memref<64x128xi32, #tpu.memory_space<hbm>>
      tpu.enqueue_dma source(%dma_start3A_21 : memref<64x128xi32, #tpu.memory_space<hbm>>) target(%arg5 : memref<64x128xi32, #tpu.memory_space<vmem>>) target_semaphore(%run_scoped3A : memref<!tpu.dma_semaphore, #tpu.memory_space<semaphore_mem>>)
      %dma_wait3A = arith.constant 0 : i32
      %dma_wait3A_22 = arith.constant 0 : i32
      %dma_wait3A_23 = tpu.memref_slice %arg3[%add3A, %dma_wait3A, %dma_wait3A_22] : memref<32x64x128xi32, #tpu.memory_space<hbm>> -> memref<1x64x128xi32, #tpu.memory_space<hbm>>
      %dma_wait3A_24 = tpu.memref_squeeze %dma_wait3A_23 : memref<1x64x128xi32, #tpu.memory_space<hbm>> -> memref<64x128xi32, #tpu.memory_space<hbm>>
      %dma_wait3A_25 = arith.constant 0 : i32
      %dma_wait3A_26 = arith.constant 0 : i32
      %dma_wait3A_27 = tpu.memref_slice %arg3[%add3A, %dma_wait3A_25, %dma_wait3A_26] : memref<32x64x128xi32, #tpu.memory_space<hbm>> -> memref<1x64x128xi32, #tpu.memory_space<hbm>>
      %dma_wait3A_28 = tpu.memref_squeeze %dma_wait3A_27 : memref<1x64x128xi32, #tpu.memory_space<hbm>> -> memref<64x128xi32, #tpu.memory_space<hbm>>
      tpu.wait_dma2 semaphore(%run_scoped3A : memref<!tpu.dma_semaphore, #tpu.memory_space<semaphore_mem>>) src(%dma_wait3A_28 : memref<64x128xi32, #tpu.memory_space<hbm>>) dst(%arg5 : memref<64x128xi32, #tpu.memory_space<vmem>>)
      tpu.yield
    }) : () -> ()
    %dma_start3A = arith.constant 0 : i32
    %dma_start3A_3 = arith.constant 0 : i32
    %dma_start3A_4 = tpu.memref_slice %arg5[%dma_start3A, %dma_start3A_3] : memref<64x128xi32, #tpu.memory_space<vmem>> -> memref<1x128xi32, #tpu.memory_space<vmem>>
    %dma_start3A_5 = tpu.memref_squeeze %dma_start3A_4 : memref<1x128xi32, #tpu.memory_space<vmem>> -> memref<128xi32, #tpu.memory_space<vmem>>
    %dma_start3A_6 = arith.constant 0 : i32
    %dma_start3A_7 = arith.constant 0 : i32
    %dma_start3A_8 = tpu.memref_slice %arg2[%dma_start3A_6, %dma_start3A_7] : memref<16384x256xf32, #tpu.memory_space<hbm>> -> memref<16384x256xf32, #tpu.memory_space<hbm>>
    tpu.enqueue_indirect_dma source(%dma_start3A_8 : memref<16384x256xf32, #tpu.memory_space<hbm>>) target(%arg6 : memref<128x256xf32, #tpu.memory_space<vmem>>) offsets(%dma_start3A_5 : memref<128xi32, #tpu.memory_space<vmem>>) semaphore(%arg8 : memref<!tpu.dma_semaphore, #tpu.memory_space<semaphore_mem>>)
    %scan3A = arith.constant 0 : i32
    %scan3A_9 = arith.constant 0 : i32
    %scan3A_10 = arith.constant 32 : i32
    %scan3A_11 = arith.addi %scan3A_9, %scan3A_10 : i32
    %scan3A_12 = arith.constant 1 : i32
    scf.for %scan3A_14 = %scan3A_9 to %scan3A_11 step %scan3A_12  : i32 {
      %mul3A_15 = arith.constant 2 : i32
      %mul3A_16 = arith.muli %scan3A_14, %mul3A_15 : i32
      %add3A_17 = arith.constant 0 : i32
      %add3A_18 = arith.addi %mul3A_16, %add3A_17 : i32
      %add3A_19 = arith.constant 1 : i32
      %add3A_20 = arith.addi %add3A_18, %add3A_19 : i32
      %lt3A = arith.constant 64 : i32
      %lt3A_21 = arith.cmpi slt, %add3A_20, %lt3A : i32
      %convert_element_type3A = arith.extui %lt3A_21 : i1 to i32
      %cond3A = arith.constant 0 : i32
      %cond3A_22 = arith.cmpi ne, %convert_element_type3A, %cond3A : i32
      scf.if %cond3A_22 {
        %dma_start3A_57 = arith.constant 0 : i32
        %dma_start3A_58 = tpu.memref_slice %arg5[%add3A_20, %dma_start3A_57] : memref<64x128xi32, #tpu.memory_space<vmem>> -> memref<1x128xi32, #tpu.memory_space<vmem>>
        %dma_start3A_59 = tpu.memref_squeeze %dma_start3A_58 : memref<1x128xi32, #tpu.memory_space<vmem>> -> memref<128xi32, #tpu.memory_space<vmem>>
        %dma_start3A_60 = arith.constant 0 : i32
        %dma_start3A_61 = arith.constant 0 : i32
        %dma_start3A_62 = tpu.memref_slice %arg2[%dma_start3A_60, %dma_start3A_61] : memref<16384x256xf32, #tpu.memory_space<hbm>> -> memref<16384x256xf32, #tpu.memory_space<hbm>>
        tpu.enqueue_indirect_dma source(%dma_start3A_62 : memref<16384x256xf32, #tpu.memory_space<hbm>>) target(%arg7 : memref<128x256xf32, #tpu.memory_space<vmem>>) offsets(%dma_start3A_59 : memref<128xi32, #tpu.memory_space<vmem>>) semaphore(%arg9 : memref<!tpu.dma_semaphore, #tpu.memory_space<semaphore_mem>>)
      } else {
      }
      %add3A_23 = arith.constant 0 : i32
      %add3A_24 = arith.addi %mul3A_16, %add3A_23 : i32
      %dma_wait3A = arith.constant 0 : i32
      %dma_wait3A_25 = tpu.memref_slice %arg5[%add3A_24, %dma_wait3A] : memref<64x128xi32, #tpu.memory_space<vmem>> -> memref<1x128xi32, #tpu.memory_space<vmem>>
      %dma_wait3A_26 = tpu.memref_squeeze %dma_wait3A_25 : memref<1x128xi32, #tpu.memory_space<vmem>> -> memref<128xi32, #tpu.memory_space<vmem>>
      %dma_wait3A_27 = arith.constant 0 : i32
      %dma_wait3A_28 = arith.constant 0 : i32
      %dma_wait3A_29 = tpu.memref_slice %arg2[%dma_wait3A_27, %dma_wait3A_28] : memref<16384x256xf32, #tpu.memory_space<hbm>> -> memref<16384x256xf32, #tpu.memory_space<hbm>>
      tpu.wait_indirect_dma semaphore(%arg8 : memref<!tpu.dma_semaphore, #tpu.memory_space<semaphore_mem>>) src(%dma_wait3A_29 : memref<16384x256xf32, #tpu.memory_space<hbm>>) dst(%arg6 : memref<128x256xf32, #tpu.memory_space<vmem>>)
      %add3A_30 = arith.constant 0 : i32
      %add3A_31 = arith.addi %mul3A_16, %add3A_30 : i32
      %mul3A_32 = arith.constant 128 : i32
      %mul3A_33 = arith.muli %add3A_31, %mul3A_32 : i32
      %add3A_34 = arith.addi %mul3A_2, %mul3A_33 : i32
      "tpu.region"() ({
        %run_scoped3A = tpu.sem_alloc : memref<!tpu.dma_semaphore, #tpu.memory_space<semaphore_mem>>
        %dma_start3A_57 = arith.constant 0 : i32
        %dma_start3A_58 = tpu.memref_slice %arg4[%add3A_34, %dma_start3A_57] : memref<262144x256xf32, #tpu.memory_space<hbm>> -> memref<128x256xf32, #tpu.memory_space<hbm>>
        %dma_start3A_59 = arith.constant 0 : i32
        %dma_start3A_60 = tpu.memref_slice %arg4[%add3A_34, %dma_start3A_59] : memref<262144x256xf32, #tpu.memory_space<hbm>> -> memref<128x256xf32, #tpu.memory_space<hbm>>
        tpu.enqueue_dma source(%arg6 : memref<128x256xf32, #tpu.memory_space<vmem>>) target(%dma_start3A_60 : memref<128x256xf32, #tpu.memory_space<hbm>>) target_semaphore(%run_scoped3A : memref<!tpu.dma_semaphore, #tpu.memory_space<semaphore_mem>>)
        %dma_wait3A_61 = arith.constant 0 : i32
        %dma_wait3A_62 = tpu.memref_slice %arg4[%add3A_34, %dma_wait3A_61] : memref<262144x256xf32, #tpu.memory_space<hbm>> -> memref<128x256xf32, #tpu.memory_space<hbm>>
        %dma_wait3A_63 = arith.constant 0 : i32
        %dma_wait3A_64 = tpu.memref_slice %arg4[%add3A_34, %dma_wait3A_63] : memref<262144x256xf32, #tpu.memory_space<hbm>> -> memref<128x256xf32, #tpu.memory_space<hbm>>
        tpu.wait_dma2 semaphore(%run_scoped3A : memref<!tpu.dma_semaphore, #tpu.memory_space<semaphore_mem>>) src(%arg6 : memref<128x256xf32, #tpu.memory_space<vmem>>) dst(%dma_wait3A_64 : memref<128x256xf32, #tpu.memory_space<hbm>>)
        tpu.yield
      }) : () -> ()
      %add3A_35 = arith.constant 1 : i32
      %add3A_36 = arith.addi %mul3A_16, %add3A_35 : i32
      %add3A_37 = arith.constant 1 : i32
      %add3A_38 = arith.addi %add3A_36, %add3A_37 : i32
      %lt3A_39 = arith.constant 64 : i32
      %lt3A_40 = arith.cmpi slt, %add3A_38, %lt3A_39 : i32
      %convert_element_type3A_41 = arith.extui %lt3A_40 : i1 to i32
      %cond3A_42 = arith.constant 0 : i32
      %cond3A_43 = arith.cmpi ne, %convert_element_type3A_41, %cond3A_42 : i32
      scf.if %cond3A_43 {
        %dma_start3A_57 = arith.constant 0 : i32
        %dma_start3A_58 = tpu.memref_slice %arg5[%add3A_38, %dma_start3A_57] : memref<64x128xi32, #tpu.memory_space<vmem>> -> memref<1x128xi32, #tpu.memory_space<vmem>>
        %dma_start3A_59 = tpu.memref_squeeze %dma_start3A_58 : memref<1x128xi32, #tpu.memory_space<vmem>> -> memref<128xi32, #tpu.memory_space<vmem>>
        %dma_start3A_60 = arith.constant 0 : i32
        %dma_start3A_61 = arith.constant 0 : i32
        %dma_start3A_62 = tpu.memref_slice %arg2[%dma_start3A_60, %dma_start3A_61] : memref<16384x256xf32, #tpu.memory_space<hbm>> -> memref<16384x256xf32, #tpu.memory_space<hbm>>
        tpu.enqueue_indirect_dma source(%dma_start3A_62 : memref<16384x256xf32, #tpu.memory_space<hbm>>) target(%arg6 : memref<128x256xf32, #tpu.memory_space<vmem>>) offsets(%dma_start3A_59 : memref<128xi32, #tpu.memory_space<vmem>>) semaphore(%arg8 : memref<!tpu.dma_semaphore, #tpu.memory_space<semaphore_mem>>)
      } else {
      }
      %add3A_44 = arith.constant 1 : i32
      %add3A_45 = arith.addi %mul3A_16, %add3A_44 : i32
      %dma_wait3A_46 = arith.constant 0 : i32
      %dma_wait3A_47 = tpu.memref_slice %arg5[%add3A_45, %dma_wait3A_46] : memref<64x128xi32, #tpu.memory_space<vmem>> -> memref<1x128xi32, #tpu.memory_space<vmem>>
      %dma_wait3A_48 = tpu.memref_squeeze %dma_wait3A_47 : memref<1x128xi32, #tpu.memory_space<vmem>> -> memref<128xi32, #tpu.memory_space<vmem>>
      %dma_wait3A_49 = arith.constant 0 : i32
      %dma_wait3A_50 = arith.constant 0 : i32
      %dma_wait3A_51 = tpu.memref_slice %arg2[%dma_wait3A_49, %dma_wait3A_50] : memref<16384x256xf32, #tpu.memory_space<hbm>> -> memref<16384x256xf32, #tpu.memory_space<hbm>>
      tpu.wait_indirect_dma semaphore(%arg9 : memref<!tpu.dma_semaphore, #tpu.memory_space<semaphore_mem>>) src(%dma_wait3A_51 : memref<16384x256xf32, #tpu.memory_space<hbm>>) dst(%arg7 : memref<128x256xf32, #tpu.memory_space<vmem>>)
      %add3A_52 = arith.constant 1 : i32
      %add3A_53 = arith.addi %mul3A_16, %add3A_52 : i32
      %mul3A_54 = arith.constant 128 : i32
      %mul3A_55 = arith.muli %add3A_53, %mul3A_54 : i32
      %add3A_56 = arith.addi %mul3A_2, %mul3A_55 : i32
      "tpu.region"() ({
        %run_scoped3A = tpu.sem_alloc : memref<!tpu.dma_semaphore, #tpu.memory_space<semaphore_mem>>
        %dma_start3A_57 = arith.constant 0 : i32
        %dma_start3A_58 = tpu.memref_slice %arg4[%add3A_56, %dma_start3A_57] : memref<262144x256xf32, #tpu.memory_space<hbm>> -> memref<128x256xf32, #tpu.memory_space<hbm>>
        %dma_start3A_59 = arith.constant 0 : i32
        %dma_start3A_60 = tpu.memref_slice %arg4[%add3A_56, %dma_start3A_59] : memref<262144x256xf32, #tpu.memory_space<hbm>> -> memref<128x256xf32, #tpu.memory_space<hbm>>
        tpu.enqueue_dma source(%arg7 : memref<128x256xf32, #tpu.memory_space<vmem>>) target(%dma_start3A_60 : memref<128x256xf32, #tpu.memory_space<hbm>>) target_semaphore(%run_scoped3A : memref<!tpu.dma_semaphore, #tpu.memory_space<semaphore_mem>>)
        %dma_wait3A_61 = arith.constant 0 : i32
        %dma_wait3A_62 = tpu.memref_slice %arg4[%add3A_56, %dma_wait3A_61] : memref<262144x256xf32, #tpu.memory_space<hbm>> -> memref<128x256xf32, #tpu.memory_space<hbm>>
        %dma_wait3A_63 = arith.constant 0 : i32
        %dma_wait3A_64 = tpu.memref_slice %arg4[%add3A_56, %dma_wait3A_63] : memref<262144x256xf32, #tpu.memory_space<hbm>> -> memref<128x256xf32, #tpu.memory_space<hbm>>
        tpu.wait_dma2 semaphore(%run_scoped3A : memref<!tpu.dma_semaphore, #tpu.memory_space<semaphore_mem>>) src(%arg7 : memref<128x256xf32, #tpu.memory_space<vmem>>) dst(%dma_wait3A_64 : memref<128x256xf32, #tpu.memory_space<hbm>>)
        tpu.yield
      }) : () -> ()
    }
    %scan3A_13 = arith.constant 32 : i32
    return
  }
}

module attributes {stable_mosaic.version = 14 : i64} {
  func.func @_fps_body(%arg0: memref<4x3x4096xf32, #tpu.memory_space<vmem>>, %arg1: memref<12x1024xf32, #tpu.memory_space<vmem>>) attributes {dimension_semantics = [], scalar_prefetch = 0 : i64, scratch_operands = 0 : i64, tpu.core_type = #tpu.core_type<tc>} {
    %get3A = arith.constant 0 : index
    %get3A_0 = arith.constant 0 : index
    %get3A_1 = arith.constant 0 : index
    %get3A_2 = vector.load %arg0[%get3A, %get3A_0, %get3A_1] : memref<4x3x4096xf32, #tpu.memory_space<vmem>>, vector<4x1x4096xf32>
    %get3A_3 = vector.shape_cast %get3A_2 : vector<4x1x4096xf32> to vector<4x4096xf32>
    %get3A_4 = arith.constant 0 : index
    %get3A_5 = arith.constant 1 : index
    %get3A_6 = arith.constant 0 : index
    %get3A_7 = vector.load %arg0[%get3A_4, %get3A_5, %get3A_6] : memref<4x3x4096xf32, #tpu.memory_space<vmem>>, vector<4x1x4096xf32>
    %get3A_8 = vector.shape_cast %get3A_7 : vector<4x1x4096xf32> to vector<4x4096xf32>
    %get3A_9 = arith.constant 0 : index
    %get3A_10 = arith.constant 2 : index
    %get3A_11 = arith.constant 0 : index
    %get3A_12 = vector.load %arg0[%get3A_9, %get3A_10, %get3A_11] : memref<4x3x4096xf32, #tpu.memory_space<vmem>>, vector<4x1x4096xf32>
    %get3A_13 = vector.shape_cast %get3A_12 : vector<4x1x4096xf32> to vector<4x4096xf32>
    %iota3A = tpu.iota {dimensions = array<i32: 1>} : vector<4x4096xi32>
    %convert_element_type3A = arith.sitofp %iota3A : vector<4x4096xi32> to vector<4x4096xf32>
    %slice3A = vector.extract_strided_slice %get3A_3 {offsets = [0, 0], sizes = [4, 1], strides = [1, 1]} : vector<4x4096xf32> to vector<4x1xf32>
    %slice3A_14 = vector.extract_strided_slice %get3A_8 {offsets = [0, 0], sizes = [4, 1], strides = [1, 1]} : vector<4x4096xf32> to vector<4x1xf32>
    %slice3A_15 = vector.extract_strided_slice %get3A_13 {offsets = [0, 0], sizes = [4, 1], strides = [1, 1]} : vector<4x4096xf32> to vector<4x1xf32>
    %sub3A = vector.broadcast %slice3A : vector<4x1xf32> to vector<4x4096xf32>
    %sub3A_16 = arith.subf %get3A_3, %sub3A : vector<4x4096xf32>
    %sub3A_17 = vector.broadcast %slice3A_14 : vector<4x1xf32> to vector<4x4096xf32>
    %sub3A_18 = arith.subf %get3A_8, %sub3A_17 : vector<4x4096xf32>
    %sub3A_19 = vector.broadcast %slice3A_15 : vector<4x1xf32> to vector<4x4096xf32>
    %sub3A_20 = arith.subf %get3A_13, %sub3A_19 : vector<4x4096xf32>
    %mul3A = arith.mulf %sub3A_16, %sub3A_16 : vector<4x4096xf32>
    %mul3A_21 = arith.mulf %sub3A_18, %sub3A_18 : vector<4x4096xf32>
    %add3A = arith.addf %mul3A, %mul3A_21 : vector<4x4096xf32>
    %mul3A_22 = arith.mulf %sub3A_20, %sub3A_20 : vector<4x4096xf32>
    %add3A_23 = arith.addf %add3A, %mul3A_22 : vector<4x4096xf32>
    %iota3A_24 = tpu.iota {dimensions = array<i32: 1>} : vector<12x1024xi32>
    %eq3A = arith.constant 0 : i32
    %eq3A_25 = vector.broadcast %eq3A : i32 to vector<12x1024xi32>
    %eq3A_26 = arith.cmpi eq, %iota3A_24, %eq3A_25 : vector<12x1024xi32>
    %concatenate3A = tpu.concatenate %slice3A, %slice3A_14, %slice3A_15 in 0 : vector<4x1xf32>, vector<4x1xf32>, vector<4x1xf32> -> vector<12x1xf32>
    %jit3A = arith.constant 0.000000e+00 : f32
    %broadcast_in_dim3A = vector.shape_cast %concatenate3A : vector<12x1xf32> to vector<12x1xf32>
    %broadcast_in_dim3A_27 = vector.broadcast %broadcast_in_dim3A : vector<12x1xf32> to vector<12x1024xf32>
    %broadcast_in_dim3A_28 = vector.broadcast %jit3A : f32 to vector<12x1024xf32>
    %select_n3A = arith.select %eq3A_26, %broadcast_in_dim3A_27, %broadcast_in_dim3A_28 : vector<12x1024xi1>, vector<12x1024xf32>
    %scan3A = arith.constant 1 : i32
    %scan3A_29 = arith.constant 1023 : i32
    %scan3A_30 = arith.addi %scan3A, %scan3A_29 : i32
    %scan3A_31 = arith.constant 1 : i32
    %scan3A_32:2 = scf.for %scan3A_36 = %scan3A to %scan3A_30 step %scan3A_31 iter_args(%scan3A_37 = %add3A_23, %scan3A_38 = %select_n3A) -> (vector<4x4096xf32>, vector<12x1024xf32>)  : i32 {
      %reduce_max3A = arith.constant dense<0xFF800000> : vector<4xf32>
      %reduce_max3A_39 = vector.multi_reduction <maximumf>, %scan3A_37, %reduce_max3A [1] : vector<4x4096xf32> to vector<4xf32>
      %broadcast_in_dim3A_40 = vector.shape_cast %reduce_max3A_39 : vector<4xf32> to vector<4x1xf32>
      %eq3A_41 = vector.broadcast %broadcast_in_dim3A_40 : vector<4x1xf32> to vector<4x4096xf32>
      %eq3A_42 = arith.cmpf oeq, %scan3A_37, %eq3A_41 : vector<4x4096xf32>
      %jit3A_43 = arith.constant 4.096000e+03 : f32
      %broadcast_in_dim3A_44 = vector.broadcast %jit3A_43 : f32 to vector<4x4096xf32>
      %select_n3A_45 = arith.select %eq3A_42, %convert_element_type3A, %broadcast_in_dim3A_44 : vector<4x4096xi1>, vector<4x4096xf32>
      %reduce_min3A = arith.constant dense<0x7F800000> : vector<4xf32>
      %reduce_min3A_46 = vector.multi_reduction <minimumf>, %select_n3A_45, %reduce_min3A [1] : vector<4x4096xf32> to vector<4xf32>
      %broadcast_in_dim3A_47 = vector.shape_cast %reduce_min3A_46 : vector<4xf32> to vector<4x1xf32>
      %eq3A_48 = vector.broadcast %broadcast_in_dim3A_47 : vector<4x1xf32> to vector<4x4096xf32>
      %eq3A_49 = arith.cmpf oeq, %convert_element_type3A, %eq3A_48 : vector<4x4096xf32>
      %jit3A_50 = arith.constant 0.000000e+00 : f32
      %broadcast_in_dim3A_51 = vector.broadcast %jit3A_50 : f32 to vector<4x4096xf32>
      %select_n3A_52 = arith.select %eq3A_49, %get3A_3, %broadcast_in_dim3A_51 : vector<4x4096xi1>, vector<4x4096xf32>
      %reduce_sum3A = arith.constant dense<0.000000e+00> : vector<4xf32>
      %reduce_sum3A_53 = vector.multi_reduction <add>, %select_n3A_52, %reduce_sum3A [1] : vector<4x4096xf32> to vector<4xf32>
      %broadcast_in_dim3A_54 = vector.shape_cast %reduce_sum3A_53 : vector<4xf32> to vector<4x1xf32>
      %jit3A_55 = arith.constant 0.000000e+00 : f32
      %broadcast_in_dim3A_56 = vector.broadcast %jit3A_55 : f32 to vector<4x4096xf32>
      %select_n3A_57 = arith.select %eq3A_49, %get3A_8, %broadcast_in_dim3A_56 : vector<4x4096xi1>, vector<4x4096xf32>
      %reduce_sum3A_58 = arith.constant dense<0.000000e+00> : vector<4xf32>
      %reduce_sum3A_59 = vector.multi_reduction <add>, %select_n3A_57, %reduce_sum3A_58 [1] : vector<4x4096xf32> to vector<4xf32>
      %broadcast_in_dim3A_60 = vector.shape_cast %reduce_sum3A_59 : vector<4xf32> to vector<4x1xf32>
      %jit3A_61 = arith.constant 0.000000e+00 : f32
      %broadcast_in_dim3A_62 = vector.broadcast %jit3A_61 : f32 to vector<4x4096xf32>
      %select_n3A_63 = arith.select %eq3A_49, %get3A_13, %broadcast_in_dim3A_62 : vector<4x4096xi1>, vector<4x4096xf32>
      %reduce_sum3A_64 = arith.constant dense<0.000000e+00> : vector<4xf32>
      %reduce_sum3A_65 = vector.multi_reduction <add>, %select_n3A_63, %reduce_sum3A_64 [1] : vector<4x4096xf32> to vector<4xf32>
      %broadcast_in_dim3A_66 = vector.shape_cast %reduce_sum3A_65 : vector<4xf32> to vector<4x1xf32>
      %sub3A_67 = vector.broadcast %broadcast_in_dim3A_54 : vector<4x1xf32> to vector<4x4096xf32>
      %sub3A_68 = arith.subf %get3A_3, %sub3A_67 : vector<4x4096xf32>
      %sub3A_69 = vector.broadcast %broadcast_in_dim3A_60 : vector<4x1xf32> to vector<4x4096xf32>
      %sub3A_70 = arith.subf %get3A_8, %sub3A_69 : vector<4x4096xf32>
      %sub3A_71 = vector.broadcast %broadcast_in_dim3A_66 : vector<4x1xf32> to vector<4x4096xf32>
      %sub3A_72 = arith.subf %get3A_13, %sub3A_71 : vector<4x4096xf32>
      %mul3A_73 = arith.mulf %sub3A_68, %sub3A_68 : vector<4x4096xf32>
      %mul3A_74 = arith.mulf %sub3A_70, %sub3A_70 : vector<4x4096xf32>
      %add3A_75 = arith.addf %mul3A_73, %mul3A_74 : vector<4x4096xf32>
      %mul3A_76 = arith.mulf %sub3A_72, %sub3A_72 : vector<4x4096xf32>
      %add3A_77 = arith.addf %add3A_75, %mul3A_76 : vector<4x4096xf32>
      %eq3A_78 = vector.broadcast %scan3A_36 : i32 to vector<12x1024xi32>
      %eq3A_79 = arith.cmpi eq, %iota3A_24, %eq3A_78 : vector<12x1024xi32>
      %concatenate3A_80 = tpu.concatenate %broadcast_in_dim3A_54, %broadcast_in_dim3A_60, %broadcast_in_dim3A_66 in 0 : vector<4x1xf32>, vector<4x1xf32>, vector<4x1xf32> -> vector<12x1xf32>
      %broadcast_in_dim3A_81 = vector.shape_cast %concatenate3A_80 : vector<12x1xf32> to vector<12x1xf32>
      %broadcast_in_dim3A_82 = vector.broadcast %broadcast_in_dim3A_81 : vector<12x1xf32> to vector<12x1024xf32>
      %select_n3A_83 = arith.select %eq3A_79, %broadcast_in_dim3A_82, %scan3A_38 : vector<12x1024xi1>, vector<12x1024xf32>
      %min3A = arith.minimumf %scan3A_37, %add3A_77 : vector<4x4096xf32>
      scf.yield %min3A, %select_n3A_83 : vector<4x4096xf32>, vector<12x1024xf32>
    }
    %scan3A_33 = arith.constant 1023 : i32
    %swap3A = arith.constant 0 : index
    %swap3A_34 = arith.constant 0 : index
    %swap3A_35 = vector.load %arg1[%swap3A, %swap3A_34] : memref<12x1024xf32, #tpu.memory_space<vmem>>, vector<12x1024xf32>
    tpu.vector_store %arg1[%swap3A, %swap3A_34], %scan3A_32#1 {strides = array<i32>} : memref<12x1024xf32, #tpu.memory_space<vmem>>, vector<12x1024xf32>,
    return
  }
}

module attributes {stable_mosaic.version = 14 : i64} {
  func.func @_topk_body(%arg0: i32, %arg1: i32, %arg2: memref<1x3x4096xf32, #tpu.memory_space<vmem>>, %arg3: memref<1x128x3xf32, #tpu.memory_space<vmem>>, %arg4: memref<1x128x64xi32, #tpu.memory_space<vmem>>) attributes {dimension_semantics = [#tpu.dimension_semantics<arbitrary>, #tpu.dimension_semantics<arbitrary>], iteration_bounds = array<i64: 4, 8>, scalar_prefetch = 0 : i64, scratch_operands = 0 : i64, tpu.core_type = #tpu.core_type<tc>, window_params = [{transform_indices = @transform_0, window_bounds = array<i64: 1, 3, 4096>}, {transform_indices = @transform_1, window_bounds = array<i64: 1, 128, 3>}, {transform_indices = @transform_2, window_bounds = array<i64: 1, 128, 64>}]} {
    %get3A = arith.constant 0 : index
    %get3A_0 = arith.constant 0 : index
    %get3A_1 = arith.constant 0 : index
    %get3A_2 = vector.load %arg2[%get3A, %get3A_0, %get3A_1] : memref<1x3x4096xf32, #tpu.memory_space<vmem>>, vector<1x1x4096xf32>
    %get3A_3 = vector.shape_cast %get3A_2 : vector<1x1x4096xf32> to vector<4096xf32>
    %broadcast_in_dim3A = vector.shape_cast %get3A_3 : vector<4096xf32> to vector<1x4096xf32>
    %get3A_4 = arith.constant 0 : index
    %get3A_5 = arith.constant 1 : index
    %get3A_6 = arith.constant 0 : index
    %get3A_7 = vector.load %arg2[%get3A_4, %get3A_5, %get3A_6] : memref<1x3x4096xf32, #tpu.memory_space<vmem>>, vector<1x1x4096xf32>
    %get3A_8 = vector.shape_cast %get3A_7 : vector<1x1x4096xf32> to vector<4096xf32>
    %broadcast_in_dim3A_9 = vector.shape_cast %get3A_8 : vector<4096xf32> to vector<1x4096xf32>
    %get3A_10 = arith.constant 0 : index
    %get3A_11 = arith.constant 2 : index
    %get3A_12 = arith.constant 0 : index
    %get3A_13 = vector.load %arg2[%get3A_10, %get3A_11, %get3A_12] : memref<1x3x4096xf32, #tpu.memory_space<vmem>>, vector<1x1x4096xf32>
    %get3A_14 = vector.shape_cast %get3A_13 : vector<1x1x4096xf32> to vector<4096xf32>
    %broadcast_in_dim3A_15 = vector.shape_cast %get3A_14 : vector<4096xf32> to vector<1x4096xf32>
    %get3A_16 = arith.constant 0 : index
    %get3A_17 = arith.constant 0 : index
    %get3A_18 = arith.constant 0 : index
    %get3A_19 = vector.load %arg3[%get3A_16, %get3A_17, %get3A_18] : memref<1x128x3xf32, #tpu.memory_space<vmem>>, vector<1x128x1xf32>
    %get3A_20 = vector.shape_cast %get3A_19 : vector<1x128x1xf32> to vector<128x1xf32>
    %get3A_21 = arith.constant 0 : index
    %get3A_22 = arith.constant 0 : index
    %get3A_23 = arith.constant 1 : index
    %get3A_24 = vector.load %arg3[%get3A_21, %get3A_22, %get3A_23] : memref<1x128x3xf32, #tpu.memory_space<vmem>>, vector<1x128x1xf32>
    %get3A_25 = vector.shape_cast %get3A_24 : vector<1x128x1xf32> to vector<128x1xf32>
    %get3A_26 = arith.constant 0 : index
    %get3A_27 = arith.constant 0 : index
    %get3A_28 = arith.constant 2 : index
    %get3A_29 = vector.load %arg3[%get3A_26, %get3A_27, %get3A_28] : memref<1x128x3xf32, #tpu.memory_space<vmem>>, vector<1x128x1xf32>
    %get3A_30 = vector.shape_cast %get3A_29 : vector<1x128x1xf32> to vector<128x1xf32>
    %mul3A = arith.mulf %get3A_20, %get3A_20 : vector<128x1xf32>
    %mul3A_31 = arith.mulf %get3A_25, %get3A_25 : vector<128x1xf32>
    %add3A = arith.addf %mul3A, %mul3A_31 : vector<128x1xf32>
    %mul3A_32 = arith.mulf %get3A_30, %get3A_30 : vector<128x1xf32>
    %add3A_33 = arith.addf %add3A, %mul3A_32 : vector<128x1xf32>
    %mul3A_34 = arith.mulf %broadcast_in_dim3A, %broadcast_in_dim3A : vector<1x4096xf32>
    %mul3A_35 = arith.mulf %broadcast_in_dim3A_9, %broadcast_in_dim3A_9 : vector<1x4096xf32>
    %add3A_36 = arith.addf %mul3A_34, %mul3A_35 : vector<1x4096xf32>
    %mul3A_37 = arith.mulf %broadcast_in_dim3A_15, %broadcast_in_dim3A_15 : vector<1x4096xf32>
    %add3A_38 = arith.addf %add3A_36, %mul3A_37 : vector<1x4096xf32>
    %convert_element_type3A = arith.truncf %get3A_20 : vector<128x1xf32> to vector<128x1xbf16>
    %convert_element_type3A_39 = arith.extf %convert_element_type3A : vector<128x1xbf16> to vector<128x1xf32>
    %convert_element_type3A_40 = arith.truncf %broadcast_in_dim3A : vector<1x4096xf32> to vector<1x4096xbf16>
    %convert_element_type3A_41 = arith.extf %convert_element_type3A_40 : vector<1x4096xbf16> to vector<1x4096xf32>
    %mul3A_42 = vector.broadcast %convert_element_type3A_39 : vector<128x1xf32> to vector<128x4096xf32>
    %mul3A_43 = vector.broadcast %convert_element_type3A_41 : vector<1x4096xf32> to vector<128x4096xf32>
    %mul3A_44 = arith.mulf %mul3A_42, %mul3A_43 : vector<128x4096xf32>
    %convert_element_type3A_45 = arith.truncf %get3A_25 : vector<128x1xf32> to vector<128x1xbf16>
    %convert_element_type3A_46 = arith.extf %convert_element_type3A_45 : vector<128x1xbf16> to vector<128x1xf32>
    %convert_element_type3A_47 = arith.truncf %broadcast_in_dim3A_9 : vector<1x4096xf32> to vector<1x4096xbf16>
    %convert_element_type3A_48 = arith.extf %convert_element_type3A_47 : vector<1x4096xbf16> to vector<1x4096xf32>
    %mul3A_49 = vector.broadcast %convert_element_type3A_46 : vector<128x1xf32> to vector<128x4096xf32>
    %mul3A_50 = vector.broadcast %convert_element_type3A_48 : vector<1x4096xf32> to vector<128x4096xf32>
    %mul3A_51 = arith.mulf %mul3A_49, %mul3A_50 : vector<128x4096xf32>
    %add3A_52 = arith.addf %mul3A_44, %mul3A_51 : vector<128x4096xf32>
    %convert_element_type3A_53 = arith.truncf %get3A_30 : vector<128x1xf32> to vector<128x1xbf16>
    %convert_element_type3A_54 = arith.extf %convert_element_type3A_53 : vector<128x1xbf16> to vector<128x1xf32>
    %convert_element_type3A_55 = arith.truncf %broadcast_in_dim3A_15 : vector<1x4096xf32> to vector<1x4096xbf16>
    %convert_element_type3A_56 = arith.extf %convert_element_type3A_55 : vector<1x4096xbf16> to vector<1x4096xf32>
    %mul3A_57 = vector.broadcast %convert_element_type3A_54 : vector<128x1xf32> to vector<128x4096xf32>
    %mul3A_58 = vector.broadcast %convert_element_type3A_56 : vector<1x4096xf32> to vector<128x4096xf32>
    %mul3A_59 = arith.mulf %mul3A_57, %mul3A_58 : vector<128x4096xf32>
    %add3A_60 = arith.addf %add3A_52, %mul3A_59 : vector<128x4096xf32>
    %add3A_61 = vector.broadcast %add3A_33 : vector<128x1xf32> to vector<128x4096xf32>
    %add3A_62 = vector.broadcast %add3A_38 : vector<1x4096xf32> to vector<128x4096xf32>
    %add3A_63 = arith.addf %add3A_61, %add3A_62 : vector<128x4096xf32>
    %mul3A_64 = arith.constant 2.000000e+00 : f32
    %mul3A_65 = vector.broadcast %mul3A_64 : f32 to vector<128x4096xf32>
    %mul3A_66 = arith.mulf %mul3A_65, %add3A_60 : vector<128x4096xf32>
    %sub3A = arith.subf %add3A_63, %mul3A_66 : vector<128x4096xf32>
    %max3A = arith.constant 0.000000e+00 : f32
    %max3A_67 = vector.broadcast %max3A : f32 to vector<128x4096xf32>
    %max3A_68 = arith.maximumf %sub3A, %max3A_67 : vector<128x4096xf32>
    %iota3A = tpu.iota {dimensions = array<i32: 1>} : vector<128x4096xi32>
    %convert_element_type3A_69 = arith.sitofp %iota3A : vector<128x4096xi32> to vector<128x4096xf32>
    %reduce_min3A = arith.constant dense<0x7F800000> : vector<128xf32>
    %reduce_min3A_70 = vector.multi_reduction <minimumf>, %max3A_68, %reduce_min3A [1] : vector<128x4096xf32> to vector<128xf32>
    %broadcast_in_dim3A_71 = vector.shape_cast %reduce_min3A_70 : vector<128xf32> to vector<128x1xf32>
    %eq3A = vector.broadcast %broadcast_in_dim3A_71 : vector<128x1xf32> to vector<128x4096xf32>
    %eq3A_72 = arith.cmpf oeq, %max3A_68, %eq3A : vector<128x4096xf32>
    %jit3A = arith.constant 4.096000e+03 : f32
    %broadcast_in_dim3A_73 = vector.broadcast %jit3A : f32 to vector<128x4096xf32>
    %select_n3A = arith.select %eq3A_72, %convert_element_type3A_69, %broadcast_in_dim3A_73 : vector<128x4096xi1>, vector<128x4096xf32>
    %reduce_min3A_74 = arith.constant dense<0x7F800000> : vector<128xf32>
    %reduce_min3A_75 = vector.multi_reduction <minimumf>, %select_n3A, %reduce_min3A_74 [1] : vector<128x4096xf32> to vector<128xf32>
    %broadcast_in_dim3A_76 = vector.shape_cast %reduce_min3A_75 : vector<128xf32> to vector<128x1xf32>
    %convert_element_type3A_77 = arith.fptosi %broadcast_in_dim3A_76 : vector<128x1xf32> to vector<128x1xi32>
    %swap3A = arith.constant 0 : index
    %swap3A_78 = arith.constant 0 : index
    %swap3A_79 = arith.constant 0 : index
    %swap3A_80 = vector.load %arg4[%swap3A, %swap3A_78, %swap3A_79] : memref<1x128x64xi32, #tpu.memory_space<vmem>>, vector<1x128x1xi32>
    %swap3A_81 = vector.shape_cast %swap3A_80 : vector<1x128x1xi32> to vector<128x1xi32>
    %swap3A_82 = vector.shape_cast %convert_element_type3A_77 : vector<128x1xi32> to vector<1x128x1xi32>
    tpu.vector_store %arg4[%swap3A, %swap3A_78, %swap3A_79], %swap3A_82 {strides = array<i32>} : memref<1x128x64xi32, #tpu.memory_space<vmem>>, vector<1x128x1xi32>,
    %eq3A_83 = vector.broadcast %broadcast_in_dim3A_76 : vector<128x1xf32> to vector<128x4096xf32>
    %eq3A_84 = arith.cmpf oeq, %convert_element_type3A_69, %eq3A_83 : vector<128x4096xf32>
    %jit3A_85 = arith.constant 0x7F800000 : f32
    %broadcast_in_dim3A_86 = vector.broadcast %jit3A_85 : f32 to vector<128x4096xf32>
    %select_n3A_87 = arith.select %eq3A_84, %broadcast_in_dim3A_86, %max3A_68 : vector<128x4096xi1>, vector<128x4096xf32>
    %reduce_min3A_88 = arith.constant dense<0x7F800000> : vector<128xf32>
    %reduce_min3A_89 = vector.multi_reduction <minimumf>, %select_n3A_87, %reduce_min3A_88 [1] : vector<128x4096xf32> to vector<128xf32>
    %broadcast_in_dim3A_90 = vector.shape_cast %reduce_min3A_89 : vector<128xf32> to vector<128x1xf32>
    %eq3A_91 = vector.broadcast %broadcast_in_dim3A_90 : vector<128x1xf32> to vector<128x4096xf32>
    %eq3A_92 = arith.cmpf oeq, %select_n3A_87, %eq3A_91 : vector<128x4096xf32>
    %jit3A_93 = arith.constant 4.096000e+03 : f32
    %broadcast_in_dim3A_94 = vector.broadcast %jit3A_93 : f32 to vector<128x4096xf32>
    %select_n3A_95 = arith.select %eq3A_92, %convert_element_type3A_69, %broadcast_in_dim3A_94 : vector<128x4096xi1>, vector<128x4096xf32>
    %reduce_min3A_96 = arith.constant dense<0x7F800000> : vector<128xf32>
    %reduce_min3A_97 = vector.multi_reduction <minimumf>, %select_n3A_95, %reduce_min3A_96 [1] : vector<128x4096xf32> to vector<128xf32>
    %broadcast_in_dim3A_98 = vector.shape_cast %reduce_min3A_97 : vector<128xf32> to vector<128x1xf32>
    %le3A = arith.constant 4.000000e-02 : f32
    %le3A_99 = vector.broadcast %le3A : f32 to vector<128x1xf32>
    %le3A_100 = arith.cmpf ole, %broadcast_in_dim3A_90, %le3A_99 : vector<128x1xf32>
    %select_n3A_101 = arith.select %le3A_100, %broadcast_in_dim3A_98, %broadcast_in_dim3A_76 : vector<128x1xi1>, vector<128x1xf32>
    %convert_element_type3A_102 = arith.fptosi %select_n3A_101 : vector<128x1xf32> to vector<128x1xi32>
    %swap3A_103 = arith.constant 0 : index
    %swap3A_104 = arith.constant 0 : index
    %swap3A_105 = arith.constant 1 : index
    %swap3A_106 = vector.load %arg4[%swap3A_103, %swap3A_104, %swap3A_105] : memref<1x128x64xi32, #tpu.memory_space<vmem>>, vector<1x128x1xi32>
    %swap3A_107 = vector.shape_cast %swap3A_106 : vector<1x128x1xi32> to vector<128x1xi32>
    %swap3A_108 = vector.shape_cast %convert_element_type3A_102 : vector<128x1xi32> to vector<1x128x1xi32>
    tpu.vector_store %arg4[%swap3A_103, %swap3A_104, %swap3A_105], %swap3A_108 {strides = array<i32>} : memref<1x128x64xi32, #tpu.memory_space<vmem>>, vector<1x128x1xi32>,
    %eq3A_109 = vector.broadcast %broadcast_in_dim3A_98 : vector<128x1xf32> to vector<128x4096xf32>
    %eq3A_110 = arith.cmpf oeq, %convert_element_type3A_69, %eq3A_109 : vector<128x4096xf32>
    %jit3A_111 = arith.constant 0x7F800000 : f32
    %broadcast_in_dim3A_112 = vector.broadcast %jit3A_111 : f32 to vector<128x4096xf32>
    %select_n3A_113 = arith.select %eq3A_110, %broadcast_in_dim3A_112, %select_n3A_87 : vector<128x4096xi1>, vector<128x4096xf32>
    %reduce_min3A_114 = arith.constant dense<0x7F800000> : vector<128xf32>
    %reduce_min3A_115 = vector.multi_reduction <minimumf>, %select_n3A_113, %reduce_min3A_114 [1] : vector<128x4096xf32> to vector<128xf32>
    %broadcast_in_dim3A_116 = vector.shape_cast %reduce_min3A_115 : vector<128xf32> to vector<128x1xf32>
    %eq3A_117 = vector.broadcast %broadcast_in_dim3A_116 : vector<128x1xf32> to vector<128x4096xf32>
    %eq3A_118 = arith.cmpf oeq, %select_n3A_113, %eq3A_117 : vector<128x4096xf32>
    %jit3A_119 = arith.constant 4.096000e+03 : f32
    %broadcast_in_dim3A_120 = vector.broadcast %jit3A_119 : f32 to vector<128x4096xf32>
    %select_n3A_121 = arith.select %eq3A_118, %convert_element_type3A_69, %broadcast_in_dim3A_120 : vector<128x4096xi1>, vector<128x4096xf32>
    %reduce_min3A_122 = arith.constant dense<0x7F800000> : vector<128xf32>
    %reduce_min3A_123 = vector.multi_reduction <minimumf>, %select_n3A_121, %reduce_min3A_122 [1] : vector<128x4096xf32> to vector<128xf32>
    %broadcast_in_dim3A_124 = vector.shape_cast %reduce_min3A_123 : vector<128xf32> to vector<128x1xf32>
    %le3A_125 = arith.constant 4.000000e-02 : f32
    %le3A_126 = vector.broadcast %le3A_125 : f32 to vector<128x1xf32>
    %le3A_127 = arith.cmpf ole, %broadcast_in_dim3A_116, %le3A_126 : vector<128x1xf32>
    %select_n3A_128 = arith.select %le3A_127, %broadcast_in_dim3A_124, %broadcast_in_dim3A_76 : vector<128x1xi1>, vector<128x1xf32>
    %convert_element_type3A_129 = arith.fptosi %select_n3A_128 : vector<128x1xf32> to vector<128x1xi32>
    %swap3A_130 = arith.constant 0 : index
    %swap3A_131 = arith.constant 0 : index
    %swap3A_132 = arith.constant 2 : index
    %swap3A_133 = vector.load %arg4[%swap3A_130, %swap3A_131, %swap3A_132] : memref<1x128x64xi32, #tpu.memory_space<vmem>>, vector<1x128x1xi32>
    %swap3A_134 = vector.shape_cast %swap3A_133 : vector<1x128x1xi32> to vector<128x1xi32>
    %swap3A_135 = vector.shape_cast %convert_element_type3A_129 : vector<128x1xi32> to vector<1x128x1xi32>
    tpu.vector_store %arg4[%swap3A_130, %swap3A_131, %swap3A_132], %swap3A_135 {strides = array<i32>} : memref<1x128x64xi32, #tpu.memory_space<vmem>>, vector<1x128x1xi32>,
    %eq3A_136 = vector.broadcast %broadcast_in_dim3A_124 : vector<128x1xf32> to vector<128x4096xf32>
    %eq3A_137 = arith.cmpf oeq, %convert_element_type3A_69, %eq3A_136 : vector<128x4096xf32>
    %jit3A_138 = arith.constant 0x7F800000 : f32
    %broadcast_in_dim3A_139 = vector.broadcast %jit3A_138 : f32 to vector<128x4096xf32>
    %select_n3A_140 = arith.select %eq3A_137, %broadcast_in_dim3A_139, %select_n3A_113 : vector<128x4096xi1>, vector<128x4096xf32>
    %reduce_min3A_141 = arith.constant dense<0x7F800000> : vector<128xf32>
    %reduce_min3A_142 = vector.multi_reduction <minimumf>, %select_n3A_140, %reduce_min3A_141 [1] : vector<128x4096xf32> to vector<128xf32>
    %broadcast_in_dim3A_143 = vector.shape_cast %reduce_min3A_142 : vector<128xf32> to vector<128x1xf32>
    %eq3A_144 = vector.broadcast %broadcast_in_dim3A_143 : vector<128x1xf32> to vector<128x4096xf32>
    %eq3A_145 = arith.cmpf oeq, %select_n3A_140, %eq3A_144 : vector<128x4096xf32>
    %jit3A_146 = arith.constant 4.096000e+03 : f32
    %broadcast_in_dim3A_147 = vector.broadcast %jit3A_146 : f32 to vector<128x4096xf32>
    %select_n3A_148 = arith.select %eq3A_145, %convert_element_type3A_69, %broadcast_in_dim3A_147 : vector<128x4096xi1>, vector<128x4096xf32>
    %reduce_min3A_149 = arith.constant dense<0x7F800000> : vector<128xf32>
    %reduce_min3A_150 = vector.multi_reduction <minimumf>, %select_n3A_148, %reduce_min3A_149 [1] : vector<128x4096xf32> to vector<128xf32>
    %broadcast_in_dim3A_151 = vector.shape_cast %reduce_min3A_150 : vector<128xf32> to vector<128x1xf32>
    %le3A_152 = arith.constant 4.000000e-02 : f32
    %le3A_153 = vector.broadcast %le3A_152 : f32 to vector<128x1xf32>
    %le3A_154 = arith.cmpf ole, %broadcast_in_dim3A_143, %le3A_153 : vector<128x1xf32>
    %select_n3A_155 = arith.select %le3A_154, %broadcast_in_dim3A_151, %broadcast_in_dim3A_76 : vector<128x1xi1>, vector<128x1xf32>
    %convert_element_type3A_156 = arith.fptosi %select_n3A_155 : vector<128x1xf32> to vector<128x1xi32>
    %swap3A_157 = arith.constant 0 : index
    %swap3A_158 = arith.constant 0 : index
    %swap3A_159 = arith.constant 3 : index
    %swap3A_160 = vector.load %arg4[%swap3A_157, %swap3A_158, %swap3A_159] : memref<1x128x64xi32, #tpu.memory_space<vmem>>, vector<1x128x1xi32>
    %swap3A_161 = vector.shape_cast %swap3A_160 : vector<1x128x1xi32> to vector<128x1xi32>
    %swap3A_162 = vector.shape_cast %convert_element_type3A_156 : vector<128x1xi32> to vector<1x128x1xi32>
    tpu.vector_store %arg4[%swap3A_157, %swap3A_158, %swap3A_159], %swap3A_162 {strides = array<i32>} : memref<1x128x64xi32, #tpu.memory_space<vmem>>, vector<1x128x1xi32>,
    %eq3A_163 = vector.broadcast %broadcast_in_dim3A_151 : vector<128x1xf32> to vector<128x4096xf32>
    %eq3A_164 = arith.cmpf oeq, %convert_element_type3A_69, %eq3A_163 : vector<128x4096xf32>
    %jit3A_165 = arith.constant 0x7F800000 : f32
    %broadcast_in_dim3A_166 = vector.broadcast %jit3A_165 : f32 to vector<128x4096xf32>
    %select_n3A_167 = arith.select %eq3A_164, %broadcast_in_dim3A_166, %select_n3A_140 : vector<128x4096xi1>, vector<128x4096xf32>
    %reduce_min3A_168 = arith.constant dense<0x7F800000> : vector<128xf32>
    %reduce_min3A_169 = vector.multi_reduction <minimumf>, %select_n3A_167, %reduce_min3A_168 [1] : vector<128x4096xf32> to vector<128xf32>
    %broadcast_in_dim3A_170 = vector.shape_cast %reduce_min3A_169 : vector<128xf32> to vector<128x1xf32>
    %eq3A_171 = vector.broadcast %broadcast_in_dim3A_170 : vector<128x1xf32> to vector<128x4096xf32>
    %eq3A_172 = arith.cmpf oeq, %select_n3A_167, %eq3A_171 : vector<128x4096xf32>
    %jit3A_173 = arith.constant 4.096000e+03 : f32
    %broadcast_in_dim3A_174 = vector.broadcast %jit3A_173 : f32 to vector<128x4096xf32>
    %select_n3A_175 = arith.select %eq3A_172, %convert_element_type3A_69, %broadcast_in_dim3A_174 : vector<128x4096xi1>, vector<128x4096xf32>
    %reduce_min3A_176 = arith.constant dense<0x7F800000> : vector<128xf32>
    %reduce_min3A_177 = vector.multi_reduction <minimumf>, %select_n3A_175, %reduce_min3A_176 [1] : vector<128x4096xf32> to vector<128xf32>
    %broadcast_in_dim3A_178 = vector.shape_cast %reduce_min3A_177 : vector<128xf32> to vector<128x1xf32>
    %le3A_179 = arith.constant 4.000000e-02 : f32
    %le3A_180 = vector.broadcast %le3A_179 : f32 to vector<128x1xf32>
    %le3A_181 = arith.cmpf ole, %broadcast_in_dim3A_170, %le3A_180 : vector<128x1xf32>
    %select_n3A_182 = arith.select %le3A_181, %broadcast_in_dim3A_178, %broadcast_in_dim3A_76 : vector<128x1xi1>, vector<128x1xf32>
    %convert_element_type3A_183 = arith.fptosi %select_n3A_182 : vector<128x1xf32> to vector<128x1xi32>
    %swap3A_184 = arith.constant 0 : index
    %swap3A_185 = arith.constant 0 : index
    %swap3A_186 = arith.constant 4 : index
    %swap3A_187 = vector.load %arg4[%swap3A_184, %swap3A_185, %swap3A_186] : memref<1x128x64xi32, #tpu.memory_space<vmem>>, vector<1x128x1xi32>
    %swap3A_188 = vector.shape_cast %swap3A_187 : vector<1x128x1xi32> to vector<128x1xi32>
    %swap3A_189 = vector.shape_cast %convert_element_type3A_183 : vector<128x1xi32> to vector<1x128x1xi32>
    tpu.vector_store %arg4[%swap3A_184, %swap3A_185, %swap3A_186], %swap3A_189 {strides = array<i32>} : memref<1x128x64xi32, #tpu.memory_space<vmem>>, vector<1x128x1xi32>,
    %eq3A_190 = vector.broadcast %broadcast_in_dim3A_178 : vector<128x1xf32> to vector<128x4096xf32>
    %eq3A_191 = arith.cmpf oeq, %convert_element_type3A_69, %eq3A_190 : vector<128x4096xf32>
    %jit3A_192 = arith.constant 0x7F800000 : f32
    %broadcast_in_dim3A_193 = vector.broadcast %jit3A_192 : f32 to vector<128x4096xf32>
    %select_n3A_194 = arith.select %eq3A_191, %broadcast_in_dim3A_193, %select_n3A_167 : vector<128x4096xi1>, vector<128x4096xf32>
    %reduce_min3A_195 = arith.constant dense<0x7F800000> : vector<128xf32>
    %reduce_min3A_196 = vector.multi_reduction <minimumf>, %select_n3A_194, %reduce_min3A_195 [1] : vector<128x4096xf32> to vector<128xf32>
    %broadcast_in_dim3A_197 = vector.shape_cast %reduce_min3A_196 : vector<128xf32> to vector<128x1xf32>
    %eq3A_198 = vector.broadcast %broadcast_in_dim3A_197 : vector<128x1xf32> to vector<128x4096xf32>
    %eq3A_199 = arith.cmpf oeq, %select_n3A_194, %eq3A_198 : vector<128x4096xf32>
    %jit3A_200 = arith.constant 4.096000e+03 : f32
    %broadcast_in_dim3A_201 = vector.broadcast %jit3A_200 : f32 to vector<128x4096xf32>
    %select_n3A_202 = arith.select %eq3A_199, %convert_element_type3A_69, %broadcast_in_dim3A_201 : vector<128x4096xi1>, vector<128x4096xf32>
    %reduce_min3A_203 = arith.constant dense<0x7F800000> : vector<128xf32>
    %reduce_min3A_204 = vector.multi_reduction <minimumf>, %select_n3A_202, %reduce_min3A_203 [1] : vector<128x4096xf32> to vector<128xf32>
    %broadcast_in_dim3A_205 = vector.shape_cast %reduce_min3A_204 : vector<128xf32> to vector<128x1xf32>
    %le3A_206 = arith.constant 4.000000e-02 : f32
    %le3A_207 = vector.broadcast %le3A_206 : f32 to vector<128x1xf32>
    %le3A_208 = arith.cmpf ole, %broadcast_in_dim3A_197, %le3A_207 : vector<128x1xf32>
    %select_n3A_209 = arith.select %le3A_208, %broadcast_in_dim3A_205, %broadcast_in_dim3A_76 : vector<128x1xi1>, vector<128x1xf32>
    %convert_element_type3A_210 = arith.fptosi %select_n3A_209 : vector<128x1xf32> to vector<128x1xi32>
    %swap3A_211 = arith.constant 0 : index
    %swap3A_212 = arith.constant 0 : index
    %swap3A_213 = arith.constant 5 : index
    %swap3A_214 = vector.load %arg4[%swap3A_211, %swap3A_212, %swap3A_213] : memref<1x128x64xi32, #tpu.memory_space<vmem>>, vector<1x128x1xi32>
    %swap3A_215 = vector.shape_cast %swap3A_214 : vector<1x128x1xi32> to vector<128x1xi32>
    %swap3A_216 = vector.shape_cast %convert_element_type3A_210 : vector<128x1xi32> to vector<1x128x1xi32>
    tpu.vector_store %arg4[%swap3A_211, %swap3A_212, %swap3A_213], %swap3A_216 {strides = array<i32>} : memref<1x128x64xi32, #tpu.memory_space<vmem>>, vector<1x128x1xi32>,
    %eq3A_217 = vector.broadcast %broadcast_in_dim3A_205 : vector<128x1xf32> to vector<128x4096xf32>
    %eq3A_218 = arith.cmpf oeq, %convert_element_type3A_69, %eq3A_217 : vector<128x4096xf32>
    %jit3A_219 = arith.constant 0x7F800000 : f32
    %broadcast_in_dim3A_220 = vector.broadcast %jit3A_219 : f32 to vector<128x4096xf32>
    %select_n3A_221 = arith.select %eq3A_218, %broadcast_in_dim3A_220, %select_n3A_194 : vector<128x4096xi1>, vector<128x4096xf32>
    %reduce_min3A_222 = arith.constant dense<0x7F800000> : vector<128xf32>
    %reduce_min3A_223 = vector.multi_reduction <minimumf>, %select_n3A_221, %reduce_min3A_222 [1] : vector<128x4096xf32> to vector<128xf32>
    %broadcast_in_dim3A_224 = vector.shape_cast %reduce_min3A_223 : vector<128xf32> to vector<128x1xf32>
    %eq3A_225 = vector.broadcast %broadcast_in_dim3A_224 : vector<128x1xf32> to vector<128x4096xf32>
    %eq3A_226 = arith.cmpf oeq, %select_n3A_221, %eq3A_225 : vector<128x4096xf32>
    %jit3A_227 = arith.constant 4.096000e+03 : f32
    %broadcast_in_dim3A_228 = vector.broadcast %jit3A_227 : f32 to vector<128x4096xf32>
    %select_n3A_229 = arith.select %eq3A_226, %convert_element_type3A_69, %broadcast_in_dim3A_228 : vector<128x4096xi1>, vector<128x4096xf32>
    %reduce_min3A_230 = arith.constant dense<0x7F800000> : vector<128xf32>
    %reduce_min3A_231 = vector.multi_reduction <minimumf>, %select_n3A_229, %reduce_min3A_230 [1] : vector<128x4096xf32> to vector<128xf32>
    %broadcast_in_dim3A_232 = vector.shape_cast %reduce_min3A_231 : vector<128xf32> to vector<128x1xf32>
    %le3A_233 = arith.constant 4.000000e-02 : f32
    %le3A_234 = vector.broadcast %le3A_233 : f32 to vector<128x1xf32>
    %le3A_235 = arith.cmpf ole, %broadcast_in_dim3A_224, %le3A_234 : vector<128x1xf32>
    %select_n3A_236 = arith.select %le3A_235, %broadcast_in_dim3A_232, %broadcast_in_dim3A_76 : vector<128x1xi1>, vector<128x1xf32>
    %convert_element_type3A_237 = arith.fptosi %select_n3A_236 : vector<128x1xf32> to vector<128x1xi32>
    %swap3A_238 = arith.constant 0 : index
    %swap3A_239 = arith.constant 0 : index
    %swap3A_240 = arith.constant 6 : index
    %swap3A_241 = vector.load %arg4[%swap3A_238, %swap3A_239, %swap3A_240] : memref<1x128x64xi32, #tpu.memory_space<vmem>>, vector<1x128x1xi32>
    %swap3A_242 = vector.shape_cast %swap3A_241 : vector<1x128x1xi32> to vector<128x1xi32>
    %swap3A_243 = vector.shape_cast %convert_element_type3A_237 : vector<128x1xi32> to vector<1x128x1xi32>
    tpu.vector_store %arg4[%swap3A_238, %swap3A_239, %swap3A_240], %swap3A_243 {strides = array<i32>} : memref<1x128x64xi32, #tpu.memory_space<vmem>>, vector<1x128x1xi32>,
    %eq3A_244 = vector.broadcast %broadcast_in_dim3A_232 : vector<128x1xf32> to vector<128x4096xf32>
    %eq3A_245 = arith.cmpf oeq, %convert_element_type3A_69, %eq3A_244 : vector<128x4096xf32>
    %jit3A_246 = arith.constant 0x7F800000 : f32
    %broadcast_in_dim3A_247 = vector.broadcast %jit3A_246 : f32 to vector<128x4096xf32>
    %select_n3A_248 = arith.select %eq3A_245, %broadcast_in_dim3A_247, %select_n3A_221 : vector<128x4096xi1>, vector<128x4096xf32>
    %reduce_min3A_249 = arith.constant dense<0x7F800000> : vector<128xf32>
    %reduce_min3A_250 = vector.multi_reduction <minimumf>, %select_n3A_248, %reduce_min3A_249 [1] : vector<128x4096xf32> to vector<128xf32>
    %broadcast_in_dim3A_251 = vector.shape_cast %reduce_min3A_250 : vector<128xf32> to vector<128x1xf32>
    %eq3A_252 = vector.broadcast %broadcast_in_dim3A_251 : vector<128x1xf32> to vector<128x4096xf32>
    %eq3A_253 = arith.cmpf oeq, %select_n3A_248, %eq3A_252 : vector<128x4096xf32>
    %jit3A_254 = arith.constant 4.096000e+03 : f32
    %broadcast_in_dim3A_255 = vector.broadcast %jit3A_254 : f32 to vector<128x4096xf32>
    %select_n3A_256 = arith.select %eq3A_253, %convert_element_type3A_69, %broadcast_in_dim3A_255 : vector<128x4096xi1>, vector<128x4096xf32>
    %reduce_min3A_257 = arith.constant dense<0x7F800000> : vector<128xf32>
    %reduce_min3A_258 = vector.multi_reduction <minimumf>, %select_n3A_256, %reduce_min3A_257 [1] : vector<128x4096xf32> to vector<128xf32>
    %broadcast_in_dim3A_259 = vector.shape_cast %reduce_min3A_258 : vector<128xf32> to vector<128x1xf32>
    %le3A_260 = arith.constant 4.000000e-02 : f32
    %le3A_261 = vector.broadcast %le3A_260 : f32 to vector<128x1xf32>
    %le3A_262 = arith.cmpf ole, %broadcast_in_dim3A_251, %le3A_261 : vector<128x1xf32>
    %select_n3A_263 = arith.select %le3A_262, %broadcast_in_dim3A_259, %broadcast_in_dim3A_76 : vector<128x1xi1>, vector<128x1xf32>
    %convert_element_type3A_264 = arith.fptosi %select_n3A_263 : vector<128x1xf32> to vector<128x1xi32>
    %swap3A_265 = arith.constant 0 : index
    %swap3A_266 = arith.constant 0 : index
    %swap3A_267 = arith.constant 7 : index
    %swap3A_268 = vector.load %arg4[%swap3A_265, %swap3A_266, %swap3A_267] : memref<1x128x64xi32, #tpu.memory_space<vmem>>, vector<1x128x1xi32>
    %swap3A_269 = vector.shape_cast %swap3A_268 : vector<1x128x1xi32> to vector<128x1xi32>
    %swap3A_270 = vector.shape_cast %convert_element_type3A_264 : vector<128x1xi32> to vector<1x128x1xi32>
    tpu.vector_store %arg4[%swap3A_265, %swap3A_266, %swap3A_267], %swap3A_270 {strides = array<i32>} : memref<1x128x64xi32, #tpu.memory_space<vmem>>, vector<1x128x1xi32>,
    %eq3A_271 = vector.broadcast %broadcast_in_dim3A_259 : vector<128x1xf32> to vector<128x4096xf32>
    %eq3A_272 = arith.cmpf oeq, %convert_element_type3A_69, %eq3A_271 : vector<128x4096xf32>
    %jit3A_273 = arith.constant 0x7F800000 : f32
    %broadcast_in_dim3A_274 = vector.broadcast %jit3A_273 : f32 to vector<128x4096xf32>
    %select_n3A_275 = arith.select %eq3A_272, %broadcast_in_dim3A_274, %select_n3A_248 : vector<128x4096xi1>, vector<128x4096xf32>
    %reduce_min3A_276 = arith.constant dense<0x7F800000> : vector<128xf32>
    %reduce_min3A_277 = vector.multi_reduction <minimumf>, %select_n3A_275, %reduce_min3A_276 [1] : vector<128x4096xf32> to vector<128xf32>
    %broadcast_in_dim3A_278 = vector.shape_cast %reduce_min3A_277 : vector<128xf32> to vector<128x1xf32>
    %eq3A_279 = vector.broadcast %broadcast_in_dim3A_278 : vector<128x1xf32> to vector<128x4096xf32>
    %eq3A_280 = arith.cmpf oeq, %select_n3A_275, %eq3A_279 : vector<128x4096xf32>
    %jit3A_281 = arith.constant 4.096000e+03 : f32
    %broadcast_in_dim3A_282 = vector.broadcast %jit3A_281 : f32 to vector<128x4096xf32>
    %select_n3A_283 = arith.select %eq3A_280, %convert_element_type3A_69, %broadcast_in_dim3A_282 : vector<128x4096xi1>, vector<128x4096xf32>
    %reduce_min3A_284 = arith.constant dense<0x7F800000> : vector<128xf32>
    %reduce_min3A_285 = vector.multi_reduction <minimumf>, %select_n3A_283, %reduce_min3A_284 [1] : vector<128x4096xf32> to vector<128xf32>
    %broadcast_in_dim3A_286 = vector.shape_cast %reduce_min3A_285 : vector<128xf32> to vector<128x1xf32>
    %le3A_287 = arith.constant 4.000000e-02 : f32
    %le3A_288 = vector.broadcast %le3A_287 : f32 to vector<128x1xf32>
    %le3A_289 = arith.cmpf ole, %broadcast_in_dim3A_278, %le3A_288 : vector<128x1xf32>
    %select_n3A_290 = arith.select %le3A_289, %broadcast_in_dim3A_286, %broadcast_in_dim3A_76 : vector<128x1xi1>, vector<128x1xf32>
    %convert_element_type3A_291 = arith.fptosi %select_n3A_290 : vector<128x1xf32> to vector<128x1xi32>
    %swap3A_292 = arith.constant 0 : index
    %swap3A_293 = arith.constant 0 : index
    %swap3A_294 = arith.constant 8 : index
    %swap3A_295 = vector.load %arg4[%swap3A_292, %swap3A_293, %swap3A_294] : memref<1x128x64xi32, #tpu.memory_space<vmem>>, vector<1x128x1xi32>
    %swap3A_296 = vector.shape_cast %swap3A_295 : vector<1x128x1xi32> to vector<128x1xi32>
    %swap3A_297 = vector.shape_cast %convert_element_type3A_291 : vector<128x1xi32> to vector<1x128x1xi32>
    tpu.vector_store %arg4[%swap3A_292, %swap3A_293, %swap3A_294], %swap3A_297 {strides = array<i32>} : memref<1x128x64xi32, #tpu.memory_space<vmem>>, vector<1x128x1xi32>,
    %eq3A_298 = vector.broadcast %broadcast_in_dim3A_286 : vector<128x1xf32> to vector<128x4096xf32>
    %eq3A_299 = arith.cmpf oeq, %convert_element_type3A_69, %eq3A_298 : vector<128x4096xf32>
    %jit3A_300 = arith.constant 0x7F800000 : f32
    %broadcast_in_dim3A_301 = vector.broadcast %jit3A_300 : f32 to vector<128x4096xf32>
    %select_n3A_302 = arith.select %eq3A_299, %broadcast_in_dim3A_301, %select_n3A_275 : vector<128x4096xi1>, vector<128x4096xf32>
    %reduce_min3A_303 = arith.constant dense<0x7F800000> : vector<128xf32>
    %reduce_min3A_304 = vector.multi_reduction <minimumf>, %select_n3A_302, %reduce_min3A_303 [1] : vector<128x4096xf32> to vector<128xf32>
    %broadcast_in_dim3A_305 = vector.shape_cast %reduce_min3A_304 : vector<128xf32> to vector<128x1xf32>
    %eq3A_306 = vector.broadcast %broadcast_in_dim3A_305 : vector<128x1xf32> to vector<128x4096xf32>
    %eq3A_307 = arith.cmpf oeq, %select_n3A_302, %eq3A_306 : vector<128x4096xf32>
    %jit3A_308 = arith.constant 4.096000e+03 : f32
    %broadcast_in_dim3A_309 = vector.broadcast %jit3A_308 : f32 to vector<128x4096xf32>
    %select_n3A_310 = arith.select %eq3A_307, %convert_element_type3A_69, %broadcast_in_dim3A_309 : vector<128x4096xi1>, vector<128x4096xf32>
    %reduce_min3A_311 = arith.constant dense<0x7F800000> : vector<128xf32>
    %reduce_min3A_312 = vector.multi_reduction <minimumf>, %select_n3A_310, %reduce_min3A_311 [1] : vector<128x4096xf32> to vector<128xf32>
    %broadcast_in_dim3A_313 = vector.shape_cast %reduce_min3A_312 : vector<128xf32> to vector<128x1xf32>
    %le3A_314 = arith.constant 4.000000e-02 : f32
    %le3A_315 = vector.broadcast %le3A_314 : f32 to vector<128x1xf32>
    %le3A_316 = arith.cmpf ole, %broadcast_in_dim3A_305, %le3A_315 : vector<128x1xf32>
    %select_n3A_317 = arith.select %le3A_316, %broadcast_in_dim3A_313, %broadcast_in_dim3A_76 : vector<128x1xi1>, vector<128x1xf32>
    %convert_element_type3A_318 = arith.fptosi %select_n3A_317 : vector<128x1xf32> to vector<128x1xi32>
    %swap3A_319 = arith.constant 0 : index
    %swap3A_320 = arith.constant 0 : index
    %swap3A_321 = arith.constant 9 : index
    %swap3A_322 = vector.load %arg4[%swap3A_319, %swap3A_320, %swap3A_321] : memref<1x128x64xi32, #tpu.memory_space<vmem>>, vector<1x128x1xi32>
    %swap3A_323 = vector.shape_cast %swap3A_322 : vector<1x128x1xi32> to vector<128x1xi32>
    %swap3A_324 = vector.shape_cast %convert_element_type3A_318 : vector<128x1xi32> to vector<1x128x1xi32>
    tpu.vector_store %arg4[%swap3A_319, %swap3A_320, %swap3A_321], %swap3A_324 {strides = array<i32>} : memref<1x128x64xi32, #tpu.memory_space<vmem>>, vector<1x128x1xi32>,
    %eq3A_325 = vector.broadcast %broadcast_in_dim3A_313 : vector<128x1xf32> to vector<128x4096xf32>
    %eq3A_326 = arith.cmpf oeq, %convert_element_type3A_69, %eq3A_325 : vector<128x4096xf32>
    %jit3A_327 = arith.constant 0x7F800000 : f32
    %broadcast_in_dim3A_328 = vector.broadcast %jit3A_327 : f32 to vector<128x4096xf32>
    %select_n3A_329 = arith.select %eq3A_326, %broadcast_in_dim3A_328, %select_n3A_302 : vector<128x4096xi1>, vector<128x4096xf32>
    %reduce_min3A_330 = arith.constant dense<0x7F800000> : vector<128xf32>
    %reduce_min3A_331 = vector.multi_reduction <minimumf>, %select_n3A_329, %reduce_min3A_330 [1] : vector<128x4096xf32> to vector<128xf32>
    %broadcast_in_dim3A_332 = vector.shape_cast %reduce_min3A_331 : vector<128xf32> to vector<128x1xf32>
    %eq3A_333 = vector.broadcast %broadcast_in_dim3A_332 : vector<128x1xf32> to vector<128x4096xf32>
    %eq3A_334 = arith.cmpf oeq, %select_n3A_329, %eq3A_333 : vector<128x4096xf32>
    %jit3A_335 = arith.constant 4.096000e+03 : f32
    %broadcast_in_dim3A_336 = vector.broadcast %jit3A_335 : f32 to vector<128x4096xf32>
    %select_n3A_337 = arith.select %eq3A_334, %convert_element_type3A_69, %broadcast_in_dim3A_336 : vector<128x4096xi1>, vector<128x4096xf32>
    %reduce_min3A_338 = arith.constant dense<0x7F800000> : vector<128xf32>
    %reduce_min3A_339 = vector.multi_reduction <minimumf>, %select_n3A_337, %reduce_min3A_338 [1] : vector<128x4096xf32> to vector<128xf32>
    %broadcast_in_dim3A_340 = vector.shape_cast %reduce_min3A_339 : vector<128xf32> to vector<128x1xf32>
    %le3A_341 = arith.constant 4.000000e-02 : f32
    %le3A_342 = vector.broadcast %le3A_341 : f32 to vector<128x1xf32>
    %le3A_343 = arith.cmpf ole, %broadcast_in_dim3A_332, %le3A_342 : vector<128x1xf32>
    %select_n3A_344 = arith.select %le3A_343, %broadcast_in_dim3A_340, %broadcast_in_dim3A_76 : vector<128x1xi1>, vector<128x1xf32>
    %convert_element_type3A_345 = arith.fptosi %select_n3A_344 : vector<128x1xf32> to vector<128x1xi32>
    %swap3A_346 = arith.constant 0 : index
    %swap3A_347 = arith.constant 0 : index
    %swap3A_348 = arith.constant 10 : index
    %swap3A_349 = vector.load %arg4[%swap3A_346, %swap3A_347, %swap3A_348] : memref<1x128x64xi32, #tpu.memory_space<vmem>>, vector<1x128x1xi32>
    %swap3A_350 = vector.shape_cast %swap3A_349 : vector<1x128x1xi32> to vector<128x1xi32>
    %swap3A_351 = vector.shape_cast %convert_element_type3A_345 : vector<128x1xi32> to vector<1x128x1xi32>
    tpu.vector_store %arg4[%swap3A_346, %swap3A_347, %swap3A_348], %swap3A_351 {strides = array<i32>} : memref<1x128x64xi32, #tpu.memory_space<vmem>>, vector<1x128x1xi32>,
    %eq3A_352 = vector.broadcast %broadcast_in_dim3A_340 : vector<128x1xf32> to vector<128x4096xf32>
    %eq3A_353 = arith.cmpf oeq, %convert_element_type3A_69, %eq3A_352 : vector<128x4096xf32>
    %jit3A_354 = arith.constant 0x7F800000 : f32
    %broadcast_in_dim3A_355 = vector.broadcast %jit3A_354 : f32 to vector<128x4096xf32>
    %select_n3A_356 = arith.select %eq3A_353, %broadcast_in_dim3A_355, %select_n3A_329 : vector<128x4096xi1>, vector<128x4096xf32>
    %reduce_min3A_357 = arith.constant dense<0x7F800000> : vector<128xf32>
    %reduce_min3A_358 = vector.multi_reduction <minimumf>, %select_n3A_356, %reduce_min3A_357 [1] : vector<128x4096xf32> to vector<128xf32>
    %broadcast_in_dim3A_359 = vector.shape_cast %reduce_min3A_358 : vector<128xf32> to vector<128x1xf32>
    %eq3A_360 = vector.broadcast %broadcast_in_dim3A_359 : vector<128x1xf32> to vector<128x4096xf32>
    %eq3A_361 = arith.cmpf oeq, %select_n3A_356, %eq3A_360 : vector<128x4096xf32>
    %jit3A_362 = arith.constant 4.096000e+03 : f32
    %broadcast_in_dim3A_363 = vector.broadcast %jit3A_362 : f32 to vector<128x4096xf32>
    %select_n3A_364 = arith.select %eq3A_361, %convert_element_type3A_69, %broadcast_in_dim3A_363 : vector<128x4096xi1>, vector<128x4096xf32>
    %reduce_min3A_365 = arith.constant dense<0x7F800000> : vector<128xf32>
    %reduce_min3A_366 = vector.multi_reduction <minimumf>, %select_n3A_364, %reduce_min3A_365 [1] : vector<128x4096xf32> to vector<128xf32>
    %broadcast_in_dim3A_367 = vector.shape_cast %reduce_min3A_366 : vector<128xf32> to vector<128x1xf32>
    %le3A_368 = arith.constant 4.000000e-02 : f32
    %le3A_369 = vector.broadcast %le3A_368 : f32 to vector<128x1xf32>
    %le3A_370 = arith.cmpf ole, %broadcast_in_dim3A_359, %le3A_369 : vector<128x1xf32>
    %select_n3A_371 = arith.select %le3A_370, %broadcast_in_dim3A_367, %broadcast_in_dim3A_76 : vector<128x1xi1>, vector<128x1xf32>
    %convert_element_type3A_372 = arith.fptosi %select_n3A_371 : vector<128x1xf32> to vector<128x1xi32>
    %swap3A_373 = arith.constant 0 : index
    %swap3A_374 = arith.constant 0 : index
    %swap3A_375 = arith.constant 11 : index
    %swap3A_376 = vector.load %arg4[%swap3A_373, %swap3A_374, %swap3A_375] : memref<1x128x64xi32, #tpu.memory_space<vmem>>, vector<1x128x1xi32>
    %swap3A_377 = vector.shape_cast %swap3A_376 : vector<1x128x1xi32> to vector<128x1xi32>
    %swap3A_378 = vector.shape_cast %convert_element_type3A_372 : vector<128x1xi32> to vector<1x128x1xi32>
    tpu.vector_store %arg4[%swap3A_373, %swap3A_374, %swap3A_375], %swap3A_378 {strides = array<i32>} : memref<1x128x64xi32, #tpu.memory_space<vmem>>, vector<1x128x1xi32>,
    %eq3A_379 = vector.broadcast %broadcast_in_dim3A_367 : vector<128x1xf32> to vector<128x4096xf32>
    %eq3A_380 = arith.cmpf oeq, %convert_element_type3A_69, %eq3A_379 : vector<128x4096xf32>
    %jit3A_381 = arith.constant 0x7F800000 : f32
    %broadcast_in_dim3A_382 = vector.broadcast %jit3A_381 : f32 to vector<128x4096xf32>
    %select_n3A_383 = arith.select %eq3A_380, %broadcast_in_dim3A_382, %select_n3A_356 : vector<128x4096xi1>, vector<128x4096xf32>
    %reduce_min3A_384 = arith.constant dense<0x7F800000> : vector<128xf32>
    %reduce_min3A_385 = vector.multi_reduction <minimumf>, %select_n3A_383, %reduce_min3A_384 [1] : vector<128x4096xf32> to vector<128xf32>
    %broadcast_in_dim3A_386 = vector.shape_cast %reduce_min3A_385 : vector<128xf32> to vector<128x1xf32>
    %eq3A_387 = vector.broadcast %broadcast_in_dim3A_386 : vector<128x1xf32> to vector<128x4096xf32>
    %eq3A_388 = arith.cmpf oeq, %select_n3A_383, %eq3A_387 : vector<128x4096xf32>
    %jit3A_389 = arith.constant 4.096000e+03 : f32
    %broadcast_in_dim3A_390 = vector.broadcast %jit3A_389 : f32 to vector<128x4096xf32>
    %select_n3A_391 = arith.select %eq3A_388, %convert_element_type3A_69, %broadcast_in_dim3A_390 : vector<128x4096xi1>, vector<128x4096xf32>
    %reduce_min3A_392 = arith.constant dense<0x7F800000> : vector<128xf32>
    %reduce_min3A_393 = vector.multi_reduction <minimumf>, %select_n3A_391, %reduce_min3A_392 [1] : vector<128x4096xf32> to vector<128xf32>
    %broadcast_in_dim3A_394 = vector.shape_cast %reduce_min3A_393 : vector<128xf32> to vector<128x1xf32>
    %le3A_395 = arith.constant 4.000000e-02 : f32
    %le3A_396 = vector.broadcast %le3A_395 : f32 to vector<128x1xf32>
    %le3A_397 = arith.cmpf ole, %broadcast_in_dim3A_386, %le3A_396 : vector<128x1xf32>
    %select_n3A_398 = arith.select %le3A_397, %broadcast_in_dim3A_394, %broadcast_in_dim3A_76 : vector<128x1xi1>, vector<128x1xf32>
    %convert_element_type3A_399 = arith.fptosi %select_n3A_398 : vector<128x1xf32> to vector<128x1xi32>
    %swap3A_400 = arith.constant 0 : index
    %swap3A_401 = arith.constant 0 : index
    %swap3A_402 = arith.constant 12 : index
    %swap3A_403 = vector.load %arg4[%swap3A_400, %swap3A_401, %swap3A_402] : memref<1x128x64xi32, #tpu.memory_space<vmem>>, vector<1x128x1xi32>
    %swap3A_404 = vector.shape_cast %swap3A_403 : vector<1x128x1xi32> to vector<128x1xi32>
    %swap3A_405 = vector.shape_cast %convert_element_type3A_399 : vector<128x1xi32> to vector<1x128x1xi32>
    tpu.vector_store %arg4[%swap3A_400, %swap3A_401, %swap3A_402], %swap3A_405 {strides = array<i32>} : memref<1x128x64xi32, #tpu.memory_space<vmem>>, vector<1x128x1xi32>,
    %eq3A_406 = vector.broadcast %broadcast_in_dim3A_394 : vector<128x1xf32> to vector<128x4096xf32>
    %eq3A_407 = arith.cmpf oeq, %convert_element_type3A_69, %eq3A_406 : vector<128x4096xf32>
    %jit3A_408 = arith.constant 0x7F800000 : f32
    %broadcast_in_dim3A_409 = vector.broadcast %jit3A_408 : f32 to vector<128x4096xf32>
    %select_n3A_410 = arith.select %eq3A_407, %broadcast_in_dim3A_409, %select_n3A_383 : vector<128x4096xi1>, vector<128x4096xf32>
    %reduce_min3A_411 = arith.constant dense<0x7F800000> : vector<128xf32>
    %reduce_min3A_412 = vector.multi_reduction <minimumf>, %select_n3A_410, %reduce_min3A_411 [1] : vector<128x4096xf32> to vector<128xf32>
    %broadcast_in_dim3A_413 = vector.shape_cast %reduce_min3A_412 : vector<128xf32> to vector<128x1xf32>
    %eq3A_414 = vector.broadcast %broadcast_in_dim3A_413 : vector<128x1xf32> to vector<128x4096xf32>
    %eq3A_415 = arith.cmpf oeq, %select_n3A_410, %eq3A_414 : vector<128x4096xf32>
    %jit3A_416 = arith.constant 4.096000e+03 : f32
    %broadcast_in_dim3A_417 = vector.broadcast %jit3A_416 : f32 to vector<128x4096xf32>
    %select_n3A_418 = arith.select %eq3A_415, %convert_element_type3A_69, %broadcast_in_dim3A_417 : vector<128x4096xi1>, vector<128x4096xf32>
    %reduce_min3A_419 = arith.constant dense<0x7F800000> : vector<128xf32>
    %reduce_min3A_420 = vector.multi_reduction <minimumf>, %select_n3A_418, %reduce_min3A_419 [1] : vector<128x4096xf32> to vector<128xf32>
    %broadcast_in_dim3A_421 = vector.shape_cast %reduce_min3A_420 : vector<128xf32> to vector<128x1xf32>
    %le3A_422 = arith.constant 4.000000e-02 : f32
    %le3A_423 = vector.broadcast %le3A_422 : f32 to vector<128x1xf32>
    %le3A_424 = arith.cmpf ole, %broadcast_in_dim3A_413, %le3A_423 : vector<128x1xf32>
    %select_n3A_425 = arith.select %le3A_424, %broadcast_in_dim3A_421, %broadcast_in_dim3A_76 : vector<128x1xi1>, vector<128x1xf32>
    %convert_element_type3A_426 = arith.fptosi %select_n3A_425 : vector<128x1xf32> to vector<128x1xi32>
    %swap3A_427 = arith.constant 0 : index
    %swap3A_428 = arith.constant 0 : index
    %swap3A_429 = arith.constant 13 : index
    %swap3A_430 = vector.load %arg4[%swap3A_427, %swap3A_428, %swap3A_429] : memref<1x128x64xi32, #tpu.memory_space<vmem>>, vector<1x128x1xi32>
    %swap3A_431 = vector.shape_cast %swap3A_430 : vector<1x128x1xi32> to vector<128x1xi32>
    %swap3A_432 = vector.shape_cast %convert_element_type3A_426 : vector<128x1xi32> to vector<1x128x1xi32>
    tpu.vector_store %arg4[%swap3A_427, %swap3A_428, %swap3A_429], %swap3A_432 {strides = array<i32>} : memref<1x128x64xi32, #tpu.memory_space<vmem>>, vector<1x128x1xi32>,
    %eq3A_433 = vector.broadcast %broadcast_in_dim3A_421 : vector<128x1xf32> to vector<128x4096xf32>
    %eq3A_434 = arith.cmpf oeq, %convert_element_type3A_69, %eq3A_433 : vector<128x4096xf32>
    %jit3A_435 = arith.constant 0x7F800000 : f32
    %broadcast_in_dim3A_436 = vector.broadcast %jit3A_435 : f32 to vector<128x4096xf32>
    %select_n3A_437 = arith.select %eq3A_434, %broadcast_in_dim3A_436, %select_n3A_410 : vector<128x4096xi1>, vector<128x4096xf32>
    %reduce_min3A_438 = arith.constant dense<0x7F800000> : vector<128xf32>
    %reduce_min3A_439 = vector.multi_reduction <minimumf>, %select_n3A_437, %reduce_min3A_438 [1] : vector<128x4096xf32> to vector<128xf32>
    %broadcast_in_dim3A_440 = vector.shape_cast %reduce_min3A_439 : vector<128xf32> to vector<128x1xf32>
    %eq3A_441 = vector.broadcast %broadcast_in_dim3A_440 : vector<128x1xf32> to vector<128x4096xf32>
    %eq3A_442 = arith.cmpf oeq, %select_n3A_437, %eq3A_441 : vector<128x4096xf32>
    %jit3A_443 = arith.constant 4.096000e+03 : f32
    %broadcast_in_dim3A_444 = vector.broadcast %jit3A_443 : f32 to vector<128x4096xf32>
    %select_n3A_445 = arith.select %eq3A_442, %convert_element_type3A_69, %broadcast_in_dim3A_444 : vector<128x4096xi1>, vector<128x4096xf32>
    %reduce_min3A_446 = arith.constant dense<0x7F800000> : vector<128xf32>
    %reduce_min3A_447 = vector.multi_reduction <minimumf>, %select_n3A_445, %reduce_min3A_446 [1] : vector<128x4096xf32> to vector<128xf32>
    %broadcast_in_dim3A_448 = vector.shape_cast %reduce_min3A_447 : vector<128xf32> to vector<128x1xf32>
    %le3A_449 = arith.constant 4.000000e-02 : f32
    %le3A_450 = vector.broadcast %le3A_449 : f32 to vector<128x1xf32>
    %le3A_451 = arith.cmpf ole, %broadcast_in_dim3A_440, %le3A_450 : vector<128x1xf32>
    %select_n3A_452 = arith.select %le3A_451, %broadcast_in_dim3A_448, %broadcast_in_dim3A_76 : vector<128x1xi1>, vector<128x1xf32>
    %convert_element_type3A_453 = arith.fptosi %select_n3A_452 : vector<128x1xf32> to vector<128x1xi32>
    %swap3A_454 = arith.constant 0 : index
    %swap3A_455 = arith.constant 0 : index
    %swap3A_456 = arith.constant 14 : index
    %swap3A_457 = vector.load %arg4[%swap3A_454, %swap3A_455, %swap3A_456] : memref<1x128x64xi32, #tpu.memory_space<vmem>>, vector<1x128x1xi32>
    %swap3A_458 = vector.shape_cast %swap3A_457 : vector<1x128x1xi32> to vector<128x1xi32>
    %swap3A_459 = vector.shape_cast %convert_element_type3A_453 : vector<128x1xi32> to vector<1x128x1xi32>
    tpu.vector_store %arg4[%swap3A_454, %swap3A_455, %swap3A_456], %swap3A_459 {strides = array<i32>} : memref<1x128x64xi32, #tpu.memory_space<vmem>>, vector<1x128x1xi32>,
    %eq3A_460 = vector.broadcast %broadcast_in_dim3A_448 : vector<128x1xf32> to vector<128x4096xf32>
    %eq3A_461 = arith.cmpf oeq, %convert_element_type3A_69, %eq3A_460 : vector<128x4096xf32>
    %jit3A_462 = arith.constant 0x7F800000 : f32
    %broadcast_in_dim3A_463 = vector.broadcast %jit3A_462 : f32 to vector<128x4096xf32>
    %select_n3A_464 = arith.select %eq3A_461, %broadcast_in_dim3A_463, %select_n3A_437 : vector<128x4096xi1>, vector<128x4096xf32>
    %reduce_min3A_465 = arith.constant dense<0x7F800000> : vector<128xf32>
    %reduce_min3A_466 = vector.multi_reduction <minimumf>, %select_n3A_464, %reduce_min3A_465 [1] : vector<128x4096xf32> to vector<128xf32>
    %broadcast_in_dim3A_467 = vector.shape_cast %reduce_min3A_466 : vector<128xf32> to vector<128x1xf32>
    %eq3A_468 = vector.broadcast %broadcast_in_dim3A_467 : vector<128x1xf32> to vector<128x4096xf32>
    %eq3A_469 = arith.cmpf oeq, %select_n3A_464, %eq3A_468 : vector<128x4096xf32>
    %jit3A_470 = arith.constant 4.096000e+03 : f32
    %broadcast_in_dim3A_471 = vector.broadcast %jit3A_470 : f32 to vector<128x4096xf32>
    %select_n3A_472 = arith.select %eq3A_469, %convert_element_type3A_69, %broadcast_in_dim3A_471 : vector<128x4096xi1>, vector<128x4096xf32>
    %reduce_min3A_473 = arith.constant dense<0x7F800000> : vector<128xf32>
    %reduce_min3A_474 = vector.multi_reduction <minimumf>, %select_n3A_472, %reduce_min3A_473 [1] : vector<128x4096xf32> to vector<128xf32>
    %broadcast_in_dim3A_475 = vector.shape_cast %reduce_min3A_474 : vector<128xf32> to vector<128x1xf32>
    %le3A_476 = arith.constant 4.000000e-02 : f32
    %le3A_477 = vector.broadcast %le3A_476 : f32 to vector<128x1xf32>
    %le3A_478 = arith.cmpf ole, %broadcast_in_dim3A_467, %le3A_477 : vector<128x1xf32>
    %select_n3A_479 = arith.select %le3A_478, %broadcast_in_dim3A_475, %broadcast_in_dim3A_76 : vector<128x1xi1>, vector<128x1xf32>
    %convert_element_type3A_480 = arith.fptosi %select_n3A_479 : vector<128x1xf32> to vector<128x1xi32>
    %swap3A_481 = arith.constant 0 : index
    %swap3A_482 = arith.constant 0 : index
    %swap3A_483 = arith.constant 15 : index
    %swap3A_484 = vector.load %arg4[%swap3A_481, %swap3A_482, %swap3A_483] : memref<1x128x64xi32, #tpu.memory_space<vmem>>, vector<1x128x1xi32>
    %swap3A_485 = vector.shape_cast %swap3A_484 : vector<1x128x1xi32> to vector<128x1xi32>
    %swap3A_486 = vector.shape_cast %convert_element_type3A_480 : vector<128x1xi32> to vector<1x128x1xi32>
    tpu.vector_store %arg4[%swap3A_481, %swap3A_482, %swap3A_483], %swap3A_486 {strides = array<i32>} : memref<1x128x64xi32, #tpu.memory_space<vmem>>, vector<1x128x1xi32>,
    %eq3A_487 = vector.broadcast %broadcast_in_dim3A_475 : vector<128x1xf32> to vector<128x4096xf32>
    %eq3A_488 = arith.cmpf oeq, %convert_element_type3A_69, %eq3A_487 : vector<128x4096xf32>
    %jit3A_489 = arith.constant 0x7F800000 : f32
    %broadcast_in_dim3A_490 = vector.broadcast %jit3A_489 : f32 to vector<128x4096xf32>
    %select_n3A_491 = arith.select %eq3A_488, %broadcast_in_dim3A_490, %select_n3A_464 : vector<128x4096xi1>, vector<128x4096xf32>
    %reduce_min3A_492 = arith.constant dense<0x7F800000> : vector<128xf32>
    %reduce_min3A_493 = vector.multi_reduction <minimumf>, %select_n3A_491, %reduce_min3A_492 [1] : vector<128x4096xf32> to vector<128xf32>
    %broadcast_in_dim3A_494 = vector.shape_cast %reduce_min3A_493 : vector<128xf32> to vector<128x1xf32>
    %eq3A_495 = vector.broadcast %broadcast_in_dim3A_494 : vector<128x1xf32> to vector<128x4096xf32>
    %eq3A_496 = arith.cmpf oeq, %select_n3A_491, %eq3A_495 : vector<128x4096xf32>
    %jit3A_497 = arith.constant 4.096000e+03 : f32
    %broadcast_in_dim3A_498 = vector.broadcast %jit3A_497 : f32 to vector<128x4096xf32>
    %select_n3A_499 = arith.select %eq3A_496, %convert_element_type3A_69, %broadcast_in_dim3A_498 : vector<128x4096xi1>, vector<128x4096xf32>
    %reduce_min3A_500 = arith.constant dense<0x7F800000> : vector<128xf32>
    %reduce_min3A_501 = vector.multi_reduction <minimumf>, %select_n3A_499, %reduce_min3A_500 [1] : vector<128x4096xf32> to vector<128xf32>
    %broadcast_in_dim3A_502 = vector.shape_cast %reduce_min3A_501 : vector<128xf32> to vector<128x1xf32>
    %le3A_503 = arith.constant 4.000000e-02 : f32
    %le3A_504 = vector.broadcast %le3A_503 : f32 to vector<128x1xf32>
    %le3A_505 = arith.cmpf ole, %broadcast_in_dim3A_494, %le3A_504 : vector<128x1xf32>
    %select_n3A_506 = arith.select %le3A_505, %broadcast_in_dim3A_502, %broadcast_in_dim3A_76 : vector<128x1xi1>, vector<128x1xf32>
    %convert_element_type3A_507 = arith.fptosi %select_n3A_506 : vector<128x1xf32> to vector<128x1xi32>
    %swap3A_508 = arith.constant 0 : index
    %swap3A_509 = arith.constant 0 : index
    %swap3A_510 = arith.constant 16 : index
    %swap3A_511 = vector.load %arg4[%swap3A_508, %swap3A_509, %swap3A_510] : memref<1x128x64xi32, #tpu.memory_space<vmem>>, vector<1x128x1xi32>
    %swap3A_512 = vector.shape_cast %swap3A_511 : vector<1x128x1xi32> to vector<128x1xi32>
    %swap3A_513 = vector.shape_cast %convert_element_type3A_507 : vector<128x1xi32> to vector<1x128x1xi32>
    tpu.vector_store %arg4[%swap3A_508, %swap3A_509, %swap3A_510], %swap3A_513 {strides = array<i32>} : memref<1x128x64xi32, #tpu.memory_space<vmem>>, vector<1x128x1xi32>,
    %eq3A_514 = vector.broadcast %broadcast_in_dim3A_502 : vector<128x1xf32> to vector<128x4096xf32>
    %eq3A_515 = arith.cmpf oeq, %convert_element_type3A_69, %eq3A_514 : vector<128x4096xf32>
    %jit3A_516 = arith.constant 0x7F800000 : f32
    %broadcast_in_dim3A_517 = vector.broadcast %jit3A_516 : f32 to vector<128x4096xf32>
    %select_n3A_518 = arith.select %eq3A_515, %broadcast_in_dim3A_517, %select_n3A_491 : vector<128x4096xi1>, vector<128x4096xf32>
    %reduce_min3A_519 = arith.constant dense<0x7F800000> : vector<128xf32>
    %reduce_min3A_520 = vector.multi_reduction <minimumf>, %select_n3A_518, %reduce_min3A_519 [1] : vector<128x4096xf32> to vector<128xf32>
    %broadcast_in_dim3A_521 = vector.shape_cast %reduce_min3A_520 : vector<128xf32> to vector<128x1xf32>
    %eq3A_522 = vector.broadcast %broadcast_in_dim3A_521 : vector<128x1xf32> to vector<128x4096xf32>
    %eq3A_523 = arith.cmpf oeq, %select_n3A_518, %eq3A_522 : vector<128x4096xf32>
    %jit3A_524 = arith.constant 4.096000e+03 : f32
    %broadcast_in_dim3A_525 = vector.broadcast %jit3A_524 : f32 to vector<128x4096xf32>
    %select_n3A_526 = arith.select %eq3A_523, %convert_element_type3A_69, %broadcast_in_dim3A_525 : vector<128x4096xi1>, vector<128x4096xf32>
    %reduce_min3A_527 = arith.constant dense<0x7F800000> : vector<128xf32>
    %reduce_min3A_528 = vector.multi_reduction <minimumf>, %select_n3A_526, %reduce_min3A_527 [1] : vector<128x4096xf32> to vector<128xf32>
    %broadcast_in_dim3A_529 = vector.shape_cast %reduce_min3A_528 : vector<128xf32> to vector<128x1xf32>
    %le3A_530 = arith.constant 4.000000e-02 : f32
    %le3A_531 = vector.broadcast %le3A_530 : f32 to vector<128x1xf32>
    %le3A_532 = arith.cmpf ole, %broadcast_in_dim3A_521, %le3A_531 : vector<128x1xf32>
    %select_n3A_533 = arith.select %le3A_532, %broadcast_in_dim3A_529, %broadcast_in_dim3A_76 : vector<128x1xi1>, vector<128x1xf32>
    %convert_element_type3A_534 = arith.fptosi %select_n3A_533 : vector<128x1xf32> to vector<128x1xi32>
    %swap3A_535 = arith.constant 0 : index
    %swap3A_536 = arith.constant 0 : index
    %swap3A_537 = arith.constant 17 : index
    %swap3A_538 = vector.load %arg4[%swap3A_535, %swap3A_536, %swap3A_537] : memref<1x128x64xi32, #tpu.memory_space<vmem>>, vector<1x128x1xi32>
    %swap3A_539 = vector.shape_cast %swap3A_538 : vector<1x128x1xi32> to vector<128x1xi32>
    %swap3A_540 = vector.shape_cast %convert_element_type3A_534 : vector<128x1xi32> to vector<1x128x1xi32>
    tpu.vector_store %arg4[%swap3A_535, %swap3A_536, %swap3A_537], %swap3A_540 {strides = array<i32>} : memref<1x128x64xi32, #tpu.memory_space<vmem>>, vector<1x128x1xi32>,
    %eq3A_541 = vector.broadcast %broadcast_in_dim3A_529 : vector<128x1xf32> to vector<128x4096xf32>
    %eq3A_542 = arith.cmpf oeq, %convert_element_type3A_69, %eq3A_541 : vector<128x4096xf32>
    %jit3A_543 = arith.constant 0x7F800000 : f32
    %broadcast_in_dim3A_544 = vector.broadcast %jit3A_543 : f32 to vector<128x4096xf32>
    %select_n3A_545 = arith.select %eq3A_542, %broadcast_in_dim3A_544, %select_n3A_518 : vector<128x4096xi1>, vector<128x4096xf32>
    %reduce_min3A_546 = arith.constant dense<0x7F800000> : vector<128xf32>
    %reduce_min3A_547 = vector.multi_reduction <minimumf>, %select_n3A_545, %reduce_min3A_546 [1] : vector<128x4096xf32> to vector<128xf32>
    %broadcast_in_dim3A_548 = vector.shape_cast %reduce_min3A_547 : vector<128xf32> to vector<128x1xf32>
    %eq3A_549 = vector.broadcast %broadcast_in_dim3A_548 : vector<128x1xf32> to vector<128x4096xf32>
    %eq3A_550 = arith.cmpf oeq, %select_n3A_545, %eq3A_549 : vector<128x4096xf32>
    %jit3A_551 = arith.constant 4.096000e+03 : f32
    %broadcast_in_dim3A_552 = vector.broadcast %jit3A_551 : f32 to vector<128x4096xf32>
    %select_n3A_553 = arith.select %eq3A_550, %convert_element_type3A_69, %broadcast_in_dim3A_552 : vector<128x4096xi1>, vector<128x4096xf32>
    %reduce_min3A_554 = arith.constant dense<0x7F800000> : vector<128xf32>
    %reduce_min3A_555 = vector.multi_reduction <minimumf>, %select_n3A_553, %reduce_min3A_554 [1] : vector<128x4096xf32> to vector<128xf32>
    %broadcast_in_dim3A_556 = vector.shape_cast %reduce_min3A_555 : vector<128xf32> to vector<128x1xf32>
    %le3A_557 = arith.constant 4.000000e-02 : f32
    %le3A_558 = vector.broadcast %le3A_557 : f32 to vector<128x1xf32>
    %le3A_559 = arith.cmpf ole, %broadcast_in_dim3A_548, %le3A_558 : vector<128x1xf32>
    %select_n3A_560 = arith.select %le3A_559, %broadcast_in_dim3A_556, %broadcast_in_dim3A_76 : vector<128x1xi1>, vector<128x1xf32>
    %convert_element_type3A_561 = arith.fptosi %select_n3A_560 : vector<128x1xf32> to vector<128x1xi32>
    %swap3A_562 = arith.constant 0 : index
    %swap3A_563 = arith.constant 0 : index
    %swap3A_564 = arith.constant 18 : index
    %swap3A_565 = vector.load %arg4[%swap3A_562, %swap3A_563, %swap3A_564] : memref<1x128x64xi32, #tpu.memory_space<vmem>>, vector<1x128x1xi32>
    %swap3A_566 = vector.shape_cast %swap3A_565 : vector<1x128x1xi32> to vector<128x1xi32>
    %swap3A_567 = vector.shape_cast %convert_element_type3A_561 : vector<128x1xi32> to vector<1x128x1xi32>
    tpu.vector_store %arg4[%swap3A_562, %swap3A_563, %swap3A_564], %swap3A_567 {strides = array<i32>} : memref<1x128x64xi32, #tpu.memory_space<vmem>>, vector<1x128x1xi32>,
    %eq3A_568 = vector.broadcast %broadcast_in_dim3A_556 : vector<128x1xf32> to vector<128x4096xf32>
    %eq3A_569 = arith.cmpf oeq, %convert_element_type3A_69, %eq3A_568 : vector<128x4096xf32>
    %jit3A_570 = arith.constant 0x7F800000 : f32
    %broadcast_in_dim3A_571 = vector.broadcast %jit3A_570 : f32 to vector<128x4096xf32>
    %select_n3A_572 = arith.select %eq3A_569, %broadcast_in_dim3A_571, %select_n3A_545 : vector<128x4096xi1>, vector<128x4096xf32>
    %reduce_min3A_573 = arith.constant dense<0x7F800000> : vector<128xf32>
    %reduce_min3A_574 = vector.multi_reduction <minimumf>, %select_n3A_572, %reduce_min3A_573 [1] : vector<128x4096xf32> to vector<128xf32>
    %broadcast_in_dim3A_575 = vector.shape_cast %reduce_min3A_574 : vector<128xf32> to vector<128x1xf32>
    %eq3A_576 = vector.broadcast %broadcast_in_dim3A_575 : vector<128x1xf32> to vector<128x4096xf32>
    %eq3A_577 = arith.cmpf oeq, %select_n3A_572, %eq3A_576 : vector<128x4096xf32>
    %jit3A_578 = arith.constant 4.096000e+03 : f32
    %broadcast_in_dim3A_579 = vector.broadcast %jit3A_578 : f32 to vector<128x4096xf32>
    %select_n3A_580 = arith.select %eq3A_577, %convert_element_type3A_69, %broadcast_in_dim3A_579 : vector<128x4096xi1>, vector<128x4096xf32>
    %reduce_min3A_581 = arith.constant dense<0x7F800000> : vector<128xf32>
    %reduce_min3A_582 = vector.multi_reduction <minimumf>, %select_n3A_580, %reduce_min3A_581 [1] : vector<128x4096xf32> to vector<128xf32>
    %broadcast_in_dim3A_583 = vector.shape_cast %reduce_min3A_582 : vector<128xf32> to vector<128x1xf32>
    %le3A_584 = arith.constant 4.000000e-02 : f32
    %le3A_585 = vector.broadcast %le3A_584 : f32 to vector<128x1xf32>
    %le3A_586 = arith.cmpf ole, %broadcast_in_dim3A_575, %le3A_585 : vector<128x1xf32>
    %select_n3A_587 = arith.select %le3A_586, %broadcast_in_dim3A_583, %broadcast_in_dim3A_76 : vector<128x1xi1>, vector<128x1xf32>
    %convert_element_type3A_588 = arith.fptosi %select_n3A_587 : vector<128x1xf32> to vector<128x1xi32>
    %swap3A_589 = arith.constant 0 : index
    %swap3A_590 = arith.constant 0 : index
    %swap3A_591 = arith.constant 19 : index
    %swap3A_592 = vector.load %arg4[%swap3A_589, %swap3A_590, %swap3A_591] : memref<1x128x64xi32, #tpu.memory_space<vmem>>, vector<1x128x1xi32>
    %swap3A_593 = vector.shape_cast %swap3A_592 : vector<1x128x1xi32> to vector<128x1xi32>
    %swap3A_594 = vector.shape_cast %convert_element_type3A_588 : vector<128x1xi32> to vector<1x128x1xi32>
    tpu.vector_store %arg4[%swap3A_589, %swap3A_590, %swap3A_591], %swap3A_594 {strides = array<i32>} : memref<1x128x64xi32, #tpu.memory_space<vmem>>, vector<1x128x1xi32>,
    %eq3A_595 = vector.broadcast %broadcast_in_dim3A_583 : vector<128x1xf32> to vector<128x4096xf32>
    %eq3A_596 = arith.cmpf oeq, %convert_element_type3A_69, %eq3A_595 : vector<128x4096xf32>
    %jit3A_597 = arith.constant 0x7F800000 : f32
    %broadcast_in_dim3A_598 = vector.broadcast %jit3A_597 : f32 to vector<128x4096xf32>
    %select_n3A_599 = arith.select %eq3A_596, %broadcast_in_dim3A_598, %select_n3A_572 : vector<128x4096xi1>, vector<128x4096xf32>
    %reduce_min3A_600 = arith.constant dense<0x7F800000> : vector<128xf32>
    %reduce_min3A_601 = vector.multi_reduction <minimumf>, %select_n3A_599, %reduce_min3A_600 [1] : vector<128x4096xf32> to vector<128xf32>
    %broadcast_in_dim3A_602 = vector.shape_cast %reduce_min3A_601 : vector<128xf32> to vector<128x1xf32>
    %eq3A_603 = vector.broadcast %broadcast_in_dim3A_602 : vector<128x1xf32> to vector<128x4096xf32>
    %eq3A_604 = arith.cmpf oeq, %select_n3A_599, %eq3A_603 : vector<128x4096xf32>
    %jit3A_605 = arith.constant 4.096000e+03 : f32
    %broadcast_in_dim3A_606 = vector.broadcast %jit3A_605 : f32 to vector<128x4096xf32>
    %select_n3A_607 = arith.select %eq3A_604, %convert_element_type3A_69, %broadcast_in_dim3A_606 : vector<128x4096xi1>, vector<128x4096xf32>
    %reduce_min3A_608 = arith.constant dense<0x7F800000> : vector<128xf32>
    %reduce_min3A_609 = vector.multi_reduction <minimumf>, %select_n3A_607, %reduce_min3A_608 [1] : vector<128x4096xf32> to vector<128xf32>
    %broadcast_in_dim3A_610 = vector.shape_cast %reduce_min3A_609 : vector<128xf32> to vector<128x1xf32>
    %le3A_611 = arith.constant 4.000000e-02 : f32
    %le3A_612 = vector.broadcast %le3A_611 : f32 to vector<128x1xf32>
    %le3A_613 = arith.cmpf ole, %broadcast_in_dim3A_602, %le3A_612 : vector<128x1xf32>
    %select_n3A_614 = arith.select %le3A_613, %broadcast_in_dim3A_610, %broadcast_in_dim3A_76 : vector<128x1xi1>, vector<128x1xf32>
    %convert_element_type3A_615 = arith.fptosi %select_n3A_614 : vector<128x1xf32> to vector<128x1xi32>
    %swap3A_616 = arith.constant 0 : index
    %swap3A_617 = arith.constant 0 : index
    %swap3A_618 = arith.constant 20 : index
    %swap3A_619 = vector.load %arg4[%swap3A_616, %swap3A_617, %swap3A_618] : memref<1x128x64xi32, #tpu.memory_space<vmem>>, vector<1x128x1xi32>
    %swap3A_620 = vector.shape_cast %swap3A_619 : vector<1x128x1xi32> to vector<128x1xi32>
    %swap3A_621 = vector.shape_cast %convert_element_type3A_615 : vector<128x1xi32> to vector<1x128x1xi32>
    tpu.vector_store %arg4[%swap3A_616, %swap3A_617, %swap3A_618], %swap3A_621 {strides = array<i32>} : memref<1x128x64xi32, #tpu.memory_space<vmem>>, vector<1x128x1xi32>,
    %eq3A_622 = vector.broadcast %broadcast_in_dim3A_610 : vector<128x1xf32> to vector<128x4096xf32>
    %eq3A_623 = arith.cmpf oeq, %convert_element_type3A_69, %eq3A_622 : vector<128x4096xf32>
    %jit3A_624 = arith.constant 0x7F800000 : f32
    %broadcast_in_dim3A_625 = vector.broadcast %jit3A_624 : f32 to vector<128x4096xf32>
    %select_n3A_626 = arith.select %eq3A_623, %broadcast_in_dim3A_625, %select_n3A_599 : vector<128x4096xi1>, vector<128x4096xf32>
    %reduce_min3A_627 = arith.constant dense<0x7F800000> : vector<128xf32>
    %reduce_min3A_628 = vector.multi_reduction <minimumf>, %select_n3A_626, %reduce_min3A_627 [1] : vector<128x4096xf32> to vector<128xf32>
    %broadcast_in_dim3A_629 = vector.shape_cast %reduce_min3A_628 : vector<128xf32> to vector<128x1xf32>
    %eq3A_630 = vector.broadcast %broadcast_in_dim3A_629 : vector<128x1xf32> to vector<128x4096xf32>
    %eq3A_631 = arith.cmpf oeq, %select_n3A_626, %eq3A_630 : vector<128x4096xf32>
    %jit3A_632 = arith.constant 4.096000e+03 : f32
    %broadcast_in_dim3A_633 = vector.broadcast %jit3A_632 : f32 to vector<128x4096xf32>
    %select_n3A_634 = arith.select %eq3A_631, %convert_element_type3A_69, %broadcast_in_dim3A_633 : vector<128x4096xi1>, vector<128x4096xf32>
    %reduce_min3A_635 = arith.constant dense<0x7F800000> : vector<128xf32>
    %reduce_min3A_636 = vector.multi_reduction <minimumf>, %select_n3A_634, %reduce_min3A_635 [1] : vector<128x4096xf32> to vector<128xf32>
    %broadcast_in_dim3A_637 = vector.shape_cast %reduce_min3A_636 : vector<128xf32> to vector<128x1xf32>
    %le3A_638 = arith.constant 4.000000e-02 : f32
    %le3A_639 = vector.broadcast %le3A_638 : f32 to vector<128x1xf32>
    %le3A_640 = arith.cmpf ole, %broadcast_in_dim3A_629, %le3A_639 : vector<128x1xf32>
    %select_n3A_641 = arith.select %le3A_640, %broadcast_in_dim3A_637, %broadcast_in_dim3A_76 : vector<128x1xi1>, vector<128x1xf32>
    %convert_element_type3A_642 = arith.fptosi %select_n3A_641 : vector<128x1xf32> to vector<128x1xi32>
    %swap3A_643 = arith.constant 0 : index
    %swap3A_644 = arith.constant 0 : index
    %swap3A_645 = arith.constant 21 : index
    %swap3A_646 = vector.load %arg4[%swap3A_643, %swap3A_644, %swap3A_645] : memref<1x128x64xi32, #tpu.memory_space<vmem>>, vector<1x128x1xi32>
    %swap3A_647 = vector.shape_cast %swap3A_646 : vector<1x128x1xi32> to vector<128x1xi32>
    %swap3A_648 = vector.shape_cast %convert_element_type3A_642 : vector<128x1xi32> to vector<1x128x1xi32>
    tpu.vector_store %arg4[%swap3A_643, %swap3A_644, %swap3A_645], %swap3A_648 {strides = array<i32>} : memref<1x128x64xi32, #tpu.memory_space<vmem>>, vector<1x128x1xi32>,
    %eq3A_649 = vector.broadcast %broadcast_in_dim3A_637 : vector<128x1xf32> to vector<128x4096xf32>
    %eq3A_650 = arith.cmpf oeq, %convert_element_type3A_69, %eq3A_649 : vector<128x4096xf32>
    %jit3A_651 = arith.constant 0x7F800000 : f32
    %broadcast_in_dim3A_652 = vector.broadcast %jit3A_651 : f32 to vector<128x4096xf32>
    %select_n3A_653 = arith.select %eq3A_650, %broadcast_in_dim3A_652, %select_n3A_626 : vector<128x4096xi1>, vector<128x4096xf32>
    %reduce_min3A_654 = arith.constant dense<0x7F800000> : vector<128xf32>
    %reduce_min3A_655 = vector.multi_reduction <minimumf>, %select_n3A_653, %reduce_min3A_654 [1] : vector<128x4096xf32> to vector<128xf32>
    %broadcast_in_dim3A_656 = vector.shape_cast %reduce_min3A_655 : vector<128xf32> to vector<128x1xf32>
    %eq3A_657 = vector.broadcast %broadcast_in_dim3A_656 : vector<128x1xf32> to vector<128x4096xf32>
    %eq3A_658 = arith.cmpf oeq, %select_n3A_653, %eq3A_657 : vector<128x4096xf32>
    %jit3A_659 = arith.constant 4.096000e+03 : f32
    %broadcast_in_dim3A_660 = vector.broadcast %jit3A_659 : f32 to vector<128x4096xf32>
    %select_n3A_661 = arith.select %eq3A_658, %convert_element_type3A_69, %broadcast_in_dim3A_660 : vector<128x4096xi1>, vector<128x4096xf32>
    %reduce_min3A_662 = arith.constant dense<0x7F800000> : vector<128xf32>
    %reduce_min3A_663 = vector.multi_reduction <minimumf>, %select_n3A_661, %reduce_min3A_662 [1] : vector<128x4096xf32> to vector<128xf32>
    %broadcast_in_dim3A_664 = vector.shape_cast %reduce_min3A_663 : vector<128xf32> to vector<128x1xf32>
    %le3A_665 = arith.constant 4.000000e-02 : f32
    %le3A_666 = vector.broadcast %le3A_665 : f32 to vector<128x1xf32>
    %le3A_667 = arith.cmpf ole, %broadcast_in_dim3A_656, %le3A_666 : vector<128x1xf32>
    %select_n3A_668 = arith.select %le3A_667, %broadcast_in_dim3A_664, %broadcast_in_dim3A_76 : vector<128x1xi1>, vector<128x1xf32>
    %convert_element_type3A_669 = arith.fptosi %select_n3A_668 : vector<128x1xf32> to vector<128x1xi32>
    %swap3A_670 = arith.constant 0 : index
    %swap3A_671 = arith.constant 0 : index
    %swap3A_672 = arith.constant 22 : index
    %swap3A_673 = vector.load %arg4[%swap3A_670, %swap3A_671, %swap3A_672] : memref<1x128x64xi32, #tpu.memory_space<vmem>>, vector<1x128x1xi32>
    %swap3A_674 = vector.shape_cast %swap3A_673 : vector<1x128x1xi32> to vector<128x1xi32>
    %swap3A_675 = vector.shape_cast %convert_element_type3A_669 : vector<128x1xi32> to vector<1x128x1xi32>
    tpu.vector_store %arg4[%swap3A_670, %swap3A_671, %swap3A_672], %swap3A_675 {strides = array<i32>} : memref<1x128x64xi32, #tpu.memory_space<vmem>>, vector<1x128x1xi32>,
    %eq3A_676 = vector.broadcast %broadcast_in_dim3A_664 : vector<128x1xf32> to vector<128x4096xf32>
    %eq3A_677 = arith.cmpf oeq, %convert_element_type3A_69, %eq3A_676 : vector<128x4096xf32>
    %jit3A_678 = arith.constant 0x7F800000 : f32
    %broadcast_in_dim3A_679 = vector.broadcast %jit3A_678 : f32 to vector<128x4096xf32>
    %select_n3A_680 = arith.select %eq3A_677, %broadcast_in_dim3A_679, %select_n3A_653 : vector<128x4096xi1>, vector<128x4096xf32>
    %reduce_min3A_681 = arith.constant dense<0x7F800000> : vector<128xf32>
    %reduce_min3A_682 = vector.multi_reduction <minimumf>, %select_n3A_680, %reduce_min3A_681 [1] : vector<128x4096xf32> to vector<128xf32>
    %broadcast_in_dim3A_683 = vector.shape_cast %reduce_min3A_682 : vector<128xf32> to vector<128x1xf32>
    %eq3A_684 = vector.broadcast %broadcast_in_dim3A_683 : vector<128x1xf32> to vector<128x4096xf32>
    %eq3A_685 = arith.cmpf oeq, %select_n3A_680, %eq3A_684 : vector<128x4096xf32>
    %jit3A_686 = arith.constant 4.096000e+03 : f32
    %broadcast_in_dim3A_687 = vector.broadcast %jit3A_686 : f32 to vector<128x4096xf32>
    %select_n3A_688 = arith.select %eq3A_685, %convert_element_type3A_69, %broadcast_in_dim3A_687 : vector<128x4096xi1>, vector<128x4096xf32>
    %reduce_min3A_689 = arith.constant dense<0x7F800000> : vector<128xf32>
    %reduce_min3A_690 = vector.multi_reduction <minimumf>, %select_n3A_688, %reduce_min3A_689 [1] : vector<128x4096xf32> to vector<128xf32>
    %broadcast_in_dim3A_691 = vector.shape_cast %reduce_min3A_690 : vector<128xf32> to vector<128x1xf32>
    %le3A_692 = arith.constant 4.000000e-02 : f32
    %le3A_693 = vector.broadcast %le3A_692 : f32 to vector<128x1xf32>
    %le3A_694 = arith.cmpf ole, %broadcast_in_dim3A_683, %le3A_693 : vector<128x1xf32>
    %select_n3A_695 = arith.select %le3A_694, %broadcast_in_dim3A_691, %broadcast_in_dim3A_76 : vector<128x1xi1>, vector<128x1xf32>
    %convert_element_type3A_696 = arith.fptosi %select_n3A_695 : vector<128x1xf32> to vector<128x1xi32>
    %swap3A_697 = arith.constant 0 : index
    %swap3A_698 = arith.constant 0 : index
    %swap3A_699 = arith.constant 23 : index
    %swap3A_700 = vector.load %arg4[%swap3A_697, %swap3A_698, %swap3A_699] : memref<1x128x64xi32, #tpu.memory_space<vmem>>, vector<1x128x1xi32>
    %swap3A_701 = vector.shape_cast %swap3A_700 : vector<1x128x1xi32> to vector<128x1xi32>
    %swap3A_702 = vector.shape_cast %convert_element_type3A_696 : vector<128x1xi32> to vector<1x128x1xi32>
    tpu.vector_store %arg4[%swap3A_697, %swap3A_698, %swap3A_699], %swap3A_702 {strides = array<i32>} : memref<1x128x64xi32, #tpu.memory_space<vmem>>, vector<1x128x1xi32>,
    %eq3A_703 = vector.broadcast %broadcast_in_dim3A_691 : vector<128x1xf32> to vector<128x4096xf32>
    %eq3A_704 = arith.cmpf oeq, %convert_element_type3A_69, %eq3A_703 : vector<128x4096xf32>
    %jit3A_705 = arith.constant 0x7F800000 : f32
    %broadcast_in_dim3A_706 = vector.broadcast %jit3A_705 : f32 to vector<128x4096xf32>
    %select_n3A_707 = arith.select %eq3A_704, %broadcast_in_dim3A_706, %select_n3A_680 : vector<128x4096xi1>, vector<128x4096xf32>
    %reduce_min3A_708 = arith.constant dense<0x7F800000> : vector<128xf32>
    %reduce_min3A_709 = vector.multi_reduction <minimumf>, %select_n3A_707, %reduce_min3A_708 [1] : vector<128x4096xf32> to vector<128xf32>
    %broadcast_in_dim3A_710 = vector.shape_cast %reduce_min3A_709 : vector<128xf32> to vector<128x1xf32>
    %eq3A_711 = vector.broadcast %broadcast_in_dim3A_710 : vector<128x1xf32> to vector<128x4096xf32>
    %eq3A_712 = arith.cmpf oeq, %select_n3A_707, %eq3A_711 : vector<128x4096xf32>
    %jit3A_713 = arith.constant 4.096000e+03 : f32
    %broadcast_in_dim3A_714 = vector.broadcast %jit3A_713 : f32 to vector<128x4096xf32>
    %select_n3A_715 = arith.select %eq3A_712, %convert_element_type3A_69, %broadcast_in_dim3A_714 : vector<128x4096xi1>, vector<128x4096xf32>
    %reduce_min3A_716 = arith.constant dense<0x7F800000> : vector<128xf32>
    %reduce_min3A_717 = vector.multi_reduction <minimumf>, %select_n3A_715, %reduce_min3A_716 [1] : vector<128x4096xf32> to vector<128xf32>
    %broadcast_in_dim3A_718 = vector.shape_cast %reduce_min3A_717 : vector<128xf32> to vector<128x1xf32>
    %le3A_719 = arith.constant 4.000000e-02 : f32
    %le3A_720 = vector.broadcast %le3A_719 : f32 to vector<128x1xf32>
    %le3A_721 = arith.cmpf ole, %broadcast_in_dim3A_710, %le3A_720 : vector<128x1xf32>
    %select_n3A_722 = arith.select %le3A_721, %broadcast_in_dim3A_718, %broadcast_in_dim3A_76 : vector<128x1xi1>, vector<128x1xf32>
    %convert_element_type3A_723 = arith.fptosi %select_n3A_722 : vector<128x1xf32> to vector<128x1xi32>
    %swap3A_724 = arith.constant 0 : index
    %swap3A_725 = arith.constant 0 : index
    %swap3A_726 = arith.constant 24 : index
    %swap3A_727 = vector.load %arg4[%swap3A_724, %swap3A_725, %swap3A_726] : memref<1x128x64xi32, #tpu.memory_space<vmem>>, vector<1x128x1xi32>
    %swap3A_728 = vector.shape_cast %swap3A_727 : vector<1x128x1xi32> to vector<128x1xi32>
    %swap3A_729 = vector.shape_cast %convert_element_type3A_723 : vector<128x1xi32> to vector<1x128x1xi32>
    tpu.vector_store %arg4[%swap3A_724, %swap3A_725, %swap3A_726], %swap3A_729 {strides = array<i32>} : memref<1x128x64xi32, #tpu.memory_space<vmem>>, vector<1x128x1xi32>,
    %eq3A_730 = vector.broadcast %broadcast_in_dim3A_718 : vector<128x1xf32> to vector<128x4096xf32>
    %eq3A_731 = arith.cmpf oeq, %convert_element_type3A_69, %eq3A_730 : vector<128x4096xf32>
    %jit3A_732 = arith.constant 0x7F800000 : f32
    %broadcast_in_dim3A_733 = vector.broadcast %jit3A_732 : f32 to vector<128x4096xf32>
    %select_n3A_734 = arith.select %eq3A_731, %broadcast_in_dim3A_733, %select_n3A_707 : vector<128x4096xi1>, vector<128x4096xf32>
    %reduce_min3A_735 = arith.constant dense<0x7F800000> : vector<128xf32>
    %reduce_min3A_736 = vector.multi_reduction <minimumf>, %select_n3A_734, %reduce_min3A_735 [1] : vector<128x4096xf32> to vector<128xf32>
    %broadcast_in_dim3A_737 = vector.shape_cast %reduce_min3A_736 : vector<128xf32> to vector<128x1xf32>
    %eq3A_738 = vector.broadcast %broadcast_in_dim3A_737 : vector<128x1xf32> to vector<128x4096xf32>
    %eq3A_739 = arith.cmpf oeq, %select_n3A_734, %eq3A_738 : vector<128x4096xf32>
    %jit3A_740 = arith.constant 4.096000e+03 : f32
    %broadcast_in_dim3A_741 = vector.broadcast %jit3A_740 : f32 to vector<128x4096xf32>
    %select_n3A_742 = arith.select %eq3A_739, %convert_element_type3A_69, %broadcast_in_dim3A_741 : vector<128x4096xi1>, vector<128x4096xf32>
    %reduce_min3A_743 = arith.constant dense<0x7F800000> : vector<128xf32>
    %reduce_min3A_744 = vector.multi_reduction <minimumf>, %select_n3A_742, %reduce_min3A_743 [1] : vector<128x4096xf32> to vector<128xf32>
    %broadcast_in_dim3A_745 = vector.shape_cast %reduce_min3A_744 : vector<128xf32> to vector<128x1xf32>
    %le3A_746 = arith.constant 4.000000e-02 : f32
    %le3A_747 = vector.broadcast %le3A_746 : f32 to vector<128x1xf32>
    %le3A_748 = arith.cmpf ole, %broadcast_in_dim3A_737, %le3A_747 : vector<128x1xf32>
    %select_n3A_749 = arith.select %le3A_748, %broadcast_in_dim3A_745, %broadcast_in_dim3A_76 : vector<128x1xi1>, vector<128x1xf32>
    %convert_element_type3A_750 = arith.fptosi %select_n3A_749 : vector<128x1xf32> to vector<128x1xi32>
    %swap3A_751 = arith.constant 0 : index
    %swap3A_752 = arith.constant 0 : index
    %swap3A_753 = arith.constant 25 : index
    %swap3A_754 = vector.load %arg4[%swap3A_751, %swap3A_752, %swap3A_753] : memref<1x128x64xi32, #tpu.memory_space<vmem>>, vector<1x128x1xi32>
    %swap3A_755 = vector.shape_cast %swap3A_754 : vector<1x128x1xi32> to vector<128x1xi32>
    %swap3A_756 = vector.shape_cast %convert_element_type3A_750 : vector<128x1xi32> to vector<1x128x1xi32>
    tpu.vector_store %arg4[%swap3A_751, %swap3A_752, %swap3A_753], %swap3A_756 {strides = array<i32>} : memref<1x128x64xi32, #tpu.memory_space<vmem>>, vector<1x128x1xi32>,
    %eq3A_757 = vector.broadcast %broadcast_in_dim3A_745 : vector<128x1xf32> to vector<128x4096xf32>
    %eq3A_758 = arith.cmpf oeq, %convert_element_type3A_69, %eq3A_757 : vector<128x4096xf32>
    %jit3A_759 = arith.constant 0x7F800000 : f32
    %broadcast_in_dim3A_760 = vector.broadcast %jit3A_759 : f32 to vector<128x4096xf32>
    %select_n3A_761 = arith.select %eq3A_758, %broadcast_in_dim3A_760, %select_n3A_734 : vector<128x4096xi1>, vector<128x4096xf32>
    %reduce_min3A_762 = arith.constant dense<0x7F800000> : vector<128xf32>
    %reduce_min3A_763 = vector.multi_reduction <minimumf>, %select_n3A_761, %reduce_min3A_762 [1] : vector<128x4096xf32> to vector<128xf32>
    %broadcast_in_dim3A_764 = vector.shape_cast %reduce_min3A_763 : vector<128xf32> to vector<128x1xf32>
    %eq3A_765 = vector.broadcast %broadcast_in_dim3A_764 : vector<128x1xf32> to vector<128x4096xf32>
    %eq3A_766 = arith.cmpf oeq, %select_n3A_761, %eq3A_765 : vector<128x4096xf32>
    %jit3A_767 = arith.constant 4.096000e+03 : f32
    %broadcast_in_dim3A_768 = vector.broadcast %jit3A_767 : f32 to vector<128x4096xf32>
    %select_n3A_769 = arith.select %eq3A_766, %convert_element_type3A_69, %broadcast_in_dim3A_768 : vector<128x4096xi1>, vector<128x4096xf32>
    %reduce_min3A_770 = arith.constant dense<0x7F800000> : vector<128xf32>
    %reduce_min3A_771 = vector.multi_reduction <minimumf>, %select_n3A_769, %reduce_min3A_770 [1] : vector<128x4096xf32> to vector<128xf32>
    %broadcast_in_dim3A_772 = vector.shape_cast %reduce_min3A_771 : vector<128xf32> to vector<128x1xf32>
    %le3A_773 = arith.constant 4.000000e-02 : f32
    %le3A_774 = vector.broadcast %le3A_773 : f32 to vector<128x1xf32>
    %le3A_775 = arith.cmpf ole, %broadcast_in_dim3A_764, %le3A_774 : vector<128x1xf32>
    %select_n3A_776 = arith.select %le3A_775, %broadcast_in_dim3A_772, %broadcast_in_dim3A_76 : vector<128x1xi1>, vector<128x1xf32>
    %convert_element_type3A_777 = arith.fptosi %select_n3A_776 : vector<128x1xf32> to vector<128x1xi32>
    %swap3A_778 = arith.constant 0 : index
    %swap3A_779 = arith.constant 0 : index
    %swap3A_780 = arith.constant 26 : index
    %swap3A_781 = vector.load %arg4[%swap3A_778, %swap3A_779, %swap3A_780] : memref<1x128x64xi32, #tpu.memory_space<vmem>>, vector<1x128x1xi32>
    %swap3A_782 = vector.shape_cast %swap3A_781 : vector<1x128x1xi32> to vector<128x1xi32>
    %swap3A_783 = vector.shape_cast %convert_element_type3A_777 : vector<128x1xi32> to vector<1x128x1xi32>
    tpu.vector_store %arg4[%swap3A_778, %swap3A_779, %swap3A_780], %swap3A_783 {strides = array<i32>} : memref<1x128x64xi32, #tpu.memory_space<vmem>>, vector<1x128x1xi32>,
    %eq3A_784 = vector.broadcast %broadcast_in_dim3A_772 : vector<128x1xf32> to vector<128x4096xf32>
    %eq3A_785 = arith.cmpf oeq, %convert_element_type3A_69, %eq3A_784 : vector<128x4096xf32>
    %jit3A_786 = arith.constant 0x7F800000 : f32
    %broadcast_in_dim3A_787 = vector.broadcast %jit3A_786 : f32 to vector<128x4096xf32>
    %select_n3A_788 = arith.select %eq3A_785, %broadcast_in_dim3A_787, %select_n3A_761 : vector<128x4096xi1>, vector<128x4096xf32>
    %reduce_min3A_789 = arith.constant dense<0x7F800000> : vector<128xf32>
    %reduce_min3A_790 = vector.multi_reduction <minimumf>, %select_n3A_788, %reduce_min3A_789 [1] : vector<128x4096xf32> to vector<128xf32>
    %broadcast_in_dim3A_791 = vector.shape_cast %reduce_min3A_790 : vector<128xf32> to vector<128x1xf32>
    %eq3A_792 = vector.broadcast %broadcast_in_dim3A_791 : vector<128x1xf32> to vector<128x4096xf32>
    %eq3A_793 = arith.cmpf oeq, %select_n3A_788, %eq3A_792 : vector<128x4096xf32>
    %jit3A_794 = arith.constant 4.096000e+03 : f32
    %broadcast_in_dim3A_795 = vector.broadcast %jit3A_794 : f32 to vector<128x4096xf32>
    %select_n3A_796 = arith.select %eq3A_793, %convert_element_type3A_69, %broadcast_in_dim3A_795 : vector<128x4096xi1>, vector<128x4096xf32>
    %reduce_min3A_797 = arith.constant dense<0x7F800000> : vector<128xf32>
    %reduce_min3A_798 = vector.multi_reduction <minimumf>, %select_n3A_796, %reduce_min3A_797 [1] : vector<128x4096xf32> to vector<128xf32>
    %broadcast_in_dim3A_799 = vector.shape_cast %reduce_min3A_798 : vector<128xf32> to vector<128x1xf32>
    %le3A_800 = arith.constant 4.000000e-02 : f32
    %le3A_801 = vector.broadcast %le3A_800 : f32 to vector<128x1xf32>
    %le3A_802 = arith.cmpf ole, %broadcast_in_dim3A_791, %le3A_801 : vector<128x1xf32>
    %select_n3A_803 = arith.select %le3A_802, %broadcast_in_dim3A_799, %broadcast_in_dim3A_76 : vector<128x1xi1>, vector<128x1xf32>
    %convert_element_type3A_804 = arith.fptosi %select_n3A_803 : vector<128x1xf32> to vector<128x1xi32>
    %swap3A_805 = arith.constant 0 : index
    %swap3A_806 = arith.constant 0 : index
    %swap3A_807 = arith.constant 27 : index
    %swap3A_808 = vector.load %arg4[%swap3A_805, %swap3A_806, %swap3A_807] : memref<1x128x64xi32, #tpu.memory_space<vmem>>, vector<1x128x1xi32>
    %swap3A_809 = vector.shape_cast %swap3A_808 : vector<1x128x1xi32> to vector<128x1xi32>
    %swap3A_810 = vector.shape_cast %convert_element_type3A_804 : vector<128x1xi32> to vector<1x128x1xi32>
    tpu.vector_store %arg4[%swap3A_805, %swap3A_806, %swap3A_807], %swap3A_810 {strides = array<i32>} : memref<1x128x64xi32, #tpu.memory_space<vmem>>, vector<1x128x1xi32>,
    %eq3A_811 = vector.broadcast %broadcast_in_dim3A_799 : vector<128x1xf32> to vector<128x4096xf32>
    %eq3A_812 = arith.cmpf oeq, %convert_element_type3A_69, %eq3A_811 : vector<128x4096xf32>
    %jit3A_813 = arith.constant 0x7F800000 : f32
    %broadcast_in_dim3A_814 = vector.broadcast %jit3A_813 : f32 to vector<128x4096xf32>
    %select_n3A_815 = arith.select %eq3A_812, %broadcast_in_dim3A_814, %select_n3A_788 : vector<128x4096xi1>, vector<128x4096xf32>
    %reduce_min3A_816 = arith.constant dense<0x7F800000> : vector<128xf32>
    %reduce_min3A_817 = vector.multi_reduction <minimumf>, %select_n3A_815, %reduce_min3A_816 [1] : vector<128x4096xf32> to vector<128xf32>
    %broadcast_in_dim3A_818 = vector.shape_cast %reduce_min3A_817 : vector<128xf32> to vector<128x1xf32>
    %eq3A_819 = vector.broadcast %broadcast_in_dim3A_818 : vector<128x1xf32> to vector<128x4096xf32>
    %eq3A_820 = arith.cmpf oeq, %select_n3A_815, %eq3A_819 : vector<128x4096xf32>
    %jit3A_821 = arith.constant 4.096000e+03 : f32
    %broadcast_in_dim3A_822 = vector.broadcast %jit3A_821 : f32 to vector<128x4096xf32>
    %select_n3A_823 = arith.select %eq3A_820, %convert_element_type3A_69, %broadcast_in_dim3A_822 : vector<128x4096xi1>, vector<128x4096xf32>
    %reduce_min3A_824 = arith.constant dense<0x7F800000> : vector<128xf32>
    %reduce_min3A_825 = vector.multi_reduction <minimumf>, %select_n3A_823, %reduce_min3A_824 [1] : vector<128x4096xf32> to vector<128xf32>
    %broadcast_in_dim3A_826 = vector.shape_cast %reduce_min3A_825 : vector<128xf32> to vector<128x1xf32>
    %le3A_827 = arith.constant 4.000000e-02 : f32
    %le3A_828 = vector.broadcast %le3A_827 : f32 to vector<128x1xf32>
    %le3A_829 = arith.cmpf ole, %broadcast_in_dim3A_818, %le3A_828 : vector<128x1xf32>
    %select_n3A_830 = arith.select %le3A_829, %broadcast_in_dim3A_826, %broadcast_in_dim3A_76 : vector<128x1xi1>, vector<128x1xf32>
    %convert_element_type3A_831 = arith.fptosi %select_n3A_830 : vector<128x1xf32> to vector<128x1xi32>
    %swap3A_832 = arith.constant 0 : index
    %swap3A_833 = arith.constant 0 : index
    %swap3A_834 = arith.constant 28 : index
    %swap3A_835 = vector.load %arg4[%swap3A_832, %swap3A_833, %swap3A_834] : memref<1x128x64xi32, #tpu.memory_space<vmem>>, vector<1x128x1xi32>
    %swap3A_836 = vector.shape_cast %swap3A_835 : vector<1x128x1xi32> to vector<128x1xi32>
    %swap3A_837 = vector.shape_cast %convert_element_type3A_831 : vector<128x1xi32> to vector<1x128x1xi32>
    tpu.vector_store %arg4[%swap3A_832, %swap3A_833, %swap3A_834], %swap3A_837 {strides = array<i32>} : memref<1x128x64xi32, #tpu.memory_space<vmem>>, vector<1x128x1xi32>,
    %eq3A_838 = vector.broadcast %broadcast_in_dim3A_826 : vector<128x1xf32> to vector<128x4096xf32>
    %eq3A_839 = arith.cmpf oeq, %convert_element_type3A_69, %eq3A_838 : vector<128x4096xf32>
    %jit3A_840 = arith.constant 0x7F800000 : f32
    %broadcast_in_dim3A_841 = vector.broadcast %jit3A_840 : f32 to vector<128x4096xf32>
    %select_n3A_842 = arith.select %eq3A_839, %broadcast_in_dim3A_841, %select_n3A_815 : vector<128x4096xi1>, vector<128x4096xf32>
    %reduce_min3A_843 = arith.constant dense<0x7F800000> : vector<128xf32>
    %reduce_min3A_844 = vector.multi_reduction <minimumf>, %select_n3A_842, %reduce_min3A_843 [1] : vector<128x4096xf32> to vector<128xf32>
    %broadcast_in_dim3A_845 = vector.shape_cast %reduce_min3A_844 : vector<128xf32> to vector<128x1xf32>
    %eq3A_846 = vector.broadcast %broadcast_in_dim3A_845 : vector<128x1xf32> to vector<128x4096xf32>
    %eq3A_847 = arith.cmpf oeq, %select_n3A_842, %eq3A_846 : vector<128x4096xf32>
    %jit3A_848 = arith.constant 4.096000e+03 : f32
    %broadcast_in_dim3A_849 = vector.broadcast %jit3A_848 : f32 to vector<128x4096xf32>
    %select_n3A_850 = arith.select %eq3A_847, %convert_element_type3A_69, %broadcast_in_dim3A_849 : vector<128x4096xi1>, vector<128x4096xf32>
    %reduce_min3A_851 = arith.constant dense<0x7F800000> : vector<128xf32>
    %reduce_min3A_852 = vector.multi_reduction <minimumf>, %select_n3A_850, %reduce_min3A_851 [1] : vector<128x4096xf32> to vector<128xf32>
    %broadcast_in_dim3A_853 = vector.shape_cast %reduce_min3A_852 : vector<128xf32> to vector<128x1xf32>
    %le3A_854 = arith.constant 4.000000e-02 : f32
    %le3A_855 = vector.broadcast %le3A_854 : f32 to vector<128x1xf32>
    %le3A_856 = arith.cmpf ole, %broadcast_in_dim3A_845, %le3A_855 : vector<128x1xf32>
    %select_n3A_857 = arith.select %le3A_856, %broadcast_in_dim3A_853, %broadcast_in_dim3A_76 : vector<128x1xi1>, vector<128x1xf32>
    %convert_element_type3A_858 = arith.fptosi %select_n3A_857 : vector<128x1xf32> to vector<128x1xi32>
    %swap3A_859 = arith.constant 0 : index
    %swap3A_860 = arith.constant 0 : index
    %swap3A_861 = arith.constant 29 : index
    %swap3A_862 = vector.load %arg4[%swap3A_859, %swap3A_860, %swap3A_861] : memref<1x128x64xi32, #tpu.memory_space<vmem>>, vector<1x128x1xi32>
    %swap3A_863 = vector.shape_cast %swap3A_862 : vector<1x128x1xi32> to vector<128x1xi32>
    %swap3A_864 = vector.shape_cast %convert_element_type3A_858 : vector<128x1xi32> to vector<1x128x1xi32>
    tpu.vector_store %arg4[%swap3A_859, %swap3A_860, %swap3A_861], %swap3A_864 {strides = array<i32>} : memref<1x128x64xi32, #tpu.memory_space<vmem>>, vector<1x128x1xi32>,
    %eq3A_865 = vector.broadcast %broadcast_in_dim3A_853 : vector<128x1xf32> to vector<128x4096xf32>
    %eq3A_866 = arith.cmpf oeq, %convert_element_type3A_69, %eq3A_865 : vector<128x4096xf32>
    %jit3A_867 = arith.constant 0x7F800000 : f32
    %broadcast_in_dim3A_868 = vector.broadcast %jit3A_867 : f32 to vector<128x4096xf32>
    %select_n3A_869 = arith.select %eq3A_866, %broadcast_in_dim3A_868, %select_n3A_842 : vector<128x4096xi1>, vector<128x4096xf32>
    %reduce_min3A_870 = arith.constant dense<0x7F800000> : vector<128xf32>
    %reduce_min3A_871 = vector.multi_reduction <minimumf>, %select_n3A_869, %reduce_min3A_870 [1] : vector<128x4096xf32> to vector<128xf32>
    %broadcast_in_dim3A_872 = vector.shape_cast %reduce_min3A_871 : vector<128xf32> to vector<128x1xf32>
    %eq3A_873 = vector.broadcast %broadcast_in_dim3A_872 : vector<128x1xf32> to vector<128x4096xf32>
    %eq3A_874 = arith.cmpf oeq, %select_n3A_869, %eq3A_873 : vector<128x4096xf32>
    %jit3A_875 = arith.constant 4.096000e+03 : f32
    %broadcast_in_dim3A_876 = vector.broadcast %jit3A_875 : f32 to vector<128x4096xf32>
    %select_n3A_877 = arith.select %eq3A_874, %convert_element_type3A_69, %broadcast_in_dim3A_876 : vector<128x4096xi1>, vector<128x4096xf32>
    %reduce_min3A_878 = arith.constant dense<0x7F800000> : vector<128xf32>
    %reduce_min3A_879 = vector.multi_reduction <minimumf>, %select_n3A_877, %reduce_min3A_878 [1] : vector<128x4096xf32> to vector<128xf32>
    %broadcast_in_dim3A_880 = vector.shape_cast %reduce_min3A_879 : vector<128xf32> to vector<128x1xf32>
    %le3A_881 = arith.constant 4.000000e-02 : f32
    %le3A_882 = vector.broadcast %le3A_881 : f32 to vector<128x1xf32>
    %le3A_883 = arith.cmpf ole, %broadcast_in_dim3A_872, %le3A_882 : vector<128x1xf32>
    %select_n3A_884 = arith.select %le3A_883, %broadcast_in_dim3A_880, %broadcast_in_dim3A_76 : vector<128x1xi1>, vector<128x1xf32>
    %convert_element_type3A_885 = arith.fptosi %select_n3A_884 : vector<128x1xf32> to vector<128x1xi32>
    %swap3A_886 = arith.constant 0 : index
    %swap3A_887 = arith.constant 0 : index
    %swap3A_888 = arith.constant 30 : index
    %swap3A_889 = vector.load %arg4[%swap3A_886, %swap3A_887, %swap3A_888] : memref<1x128x64xi32, #tpu.memory_space<vmem>>, vector<1x128x1xi32>
    %swap3A_890 = vector.shape_cast %swap3A_889 : vector<1x128x1xi32> to vector<128x1xi32>
    %swap3A_891 = vector.shape_cast %convert_element_type3A_885 : vector<128x1xi32> to vector<1x128x1xi32>
    tpu.vector_store %arg4[%swap3A_886, %swap3A_887, %swap3A_888], %swap3A_891 {strides = array<i32>} : memref<1x128x64xi32, #tpu.memory_space<vmem>>, vector<1x128x1xi32>,
    %eq3A_892 = vector.broadcast %broadcast_in_dim3A_880 : vector<128x1xf32> to vector<128x4096xf32>
    %eq3A_893 = arith.cmpf oeq, %convert_element_type3A_69, %eq3A_892 : vector<128x4096xf32>
    %jit3A_894 = arith.constant 0x7F800000 : f32
    %broadcast_in_dim3A_895 = vector.broadcast %jit3A_894 : f32 to vector<128x4096xf32>
    %select_n3A_896 = arith.select %eq3A_893, %broadcast_in_dim3A_895, %select_n3A_869 : vector<128x4096xi1>, vector<128x4096xf32>
    %reduce_min3A_897 = arith.constant dense<0x7F800000> : vector<128xf32>
    %reduce_min3A_898 = vector.multi_reduction <minimumf>, %select_n3A_896, %reduce_min3A_897 [1] : vector<128x4096xf32> to vector<128xf32>
    %broadcast_in_dim3A_899 = vector.shape_cast %reduce_min3A_898 : vector<128xf32> to vector<128x1xf32>
    %eq3A_900 = vector.broadcast %broadcast_in_dim3A_899 : vector<128x1xf32> to vector<128x4096xf32>
    %eq3A_901 = arith.cmpf oeq, %select_n3A_896, %eq3A_900 : vector<128x4096xf32>
    %jit3A_902 = arith.constant 4.096000e+03 : f32
    %broadcast_in_dim3A_903 = vector.broadcast %jit3A_902 : f32 to vector<128x4096xf32>
    %select_n3A_904 = arith.select %eq3A_901, %convert_element_type3A_69, %broadcast_in_dim3A_903 : vector<128x4096xi1>, vector<128x4096xf32>
    %reduce_min3A_905 = arith.constant dense<0x7F800000> : vector<128xf32>
    %reduce_min3A_906 = vector.multi_reduction <minimumf>, %select_n3A_904, %reduce_min3A_905 [1] : vector<128x4096xf32> to vector<128xf32>
    %broadcast_in_dim3A_907 = vector.shape_cast %reduce_min3A_906 : vector<128xf32> to vector<128x1xf32>
    %le3A_908 = arith.constant 4.000000e-02 : f32
    %le3A_909 = vector.broadcast %le3A_908 : f32 to vector<128x1xf32>
    %le3A_910 = arith.cmpf ole, %broadcast_in_dim3A_899, %le3A_909 : vector<128x1xf32>
    %select_n3A_911 = arith.select %le3A_910, %broadcast_in_dim3A_907, %broadcast_in_dim3A_76 : vector<128x1xi1>, vector<128x1xf32>
    %convert_element_type3A_912 = arith.fptosi %select_n3A_911 : vector<128x1xf32> to vector<128x1xi32>
    %swap3A_913 = arith.constant 0 : index
    %swap3A_914 = arith.constant 0 : index
    %swap3A_915 = arith.constant 31 : index
    %swap3A_916 = vector.load %arg4[%swap3A_913, %swap3A_914, %swap3A_915] : memref<1x128x64xi32, #tpu.memory_space<vmem>>, vector<1x128x1xi32>
    %swap3A_917 = vector.shape_cast %swap3A_916 : vector<1x128x1xi32> to vector<128x1xi32>
    %swap3A_918 = vector.shape_cast %convert_element_type3A_912 : vector<128x1xi32> to vector<1x128x1xi32>
    tpu.vector_store %arg4[%swap3A_913, %swap3A_914, %swap3A_915], %swap3A_918 {strides = array<i32>} : memref<1x128x64xi32, #tpu.memory_space<vmem>>, vector<1x128x1xi32>,
    %eq3A_919 = vector.broadcast %broadcast_in_dim3A_907 : vector<128x1xf32> to vector<128x4096xf32>
    %eq3A_920 = arith.cmpf oeq, %convert_element_type3A_69, %eq3A_919 : vector<128x4096xf32>
    %jit3A_921 = arith.constant 0x7F800000 : f32
    %broadcast_in_dim3A_922 = vector.broadcast %jit3A_921 : f32 to vector<128x4096xf32>
    %select_n3A_923 = arith.select %eq3A_920, %broadcast_in_dim3A_922, %select_n3A_896 : vector<128x4096xi1>, vector<128x4096xf32>
    %reduce_min3A_924 = arith.constant dense<0x7F800000> : vector<128xf32>
    %reduce_min3A_925 = vector.multi_reduction <minimumf>, %select_n3A_923, %reduce_min3A_924 [1] : vector<128x4096xf32> to vector<128xf32>
    %broadcast_in_dim3A_926 = vector.shape_cast %reduce_min3A_925 : vector<128xf32> to vector<128x1xf32>
    %eq3A_927 = vector.broadcast %broadcast_in_dim3A_926 : vector<128x1xf32> to vector<128x4096xf32>
    %eq3A_928 = arith.cmpf oeq, %select_n3A_923, %eq3A_927 : vector<128x4096xf32>
    %jit3A_929 = arith.constant 4.096000e+03 : f32
    %broadcast_in_dim3A_930 = vector.broadcast %jit3A_929 : f32 to vector<128x4096xf32>
    %select_n3A_931 = arith.select %eq3A_928, %convert_element_type3A_69, %broadcast_in_dim3A_930 : vector<128x4096xi1>, vector<128x4096xf32>
    %reduce_min3A_932 = arith.constant dense<0x7F800000> : vector<128xf32>
    %reduce_min3A_933 = vector.multi_reduction <minimumf>, %select_n3A_931, %reduce_min3A_932 [1] : vector<128x4096xf32> to vector<128xf32>
    %broadcast_in_dim3A_934 = vector.shape_cast %reduce_min3A_933 : vector<128xf32> to vector<128x1xf32>
    %le3A_935 = arith.constant 4.000000e-02 : f32
    %le3A_936 = vector.broadcast %le3A_935 : f32 to vector<128x1xf32>
    %le3A_937 = arith.cmpf ole, %broadcast_in_dim3A_926, %le3A_936 : vector<128x1xf32>
    %select_n3A_938 = arith.select %le3A_937, %broadcast_in_dim3A_934, %broadcast_in_dim3A_76 : vector<128x1xi1>, vector<128x1xf32>
    %convert_element_type3A_939 = arith.fptosi %select_n3A_938 : vector<128x1xf32> to vector<128x1xi32>
    %swap3A_940 = arith.constant 0 : index
    %swap3A_941 = arith.constant 0 : index
    %swap3A_942 = arith.constant 32 : index
    %swap3A_943 = vector.load %arg4[%swap3A_940, %swap3A_941, %swap3A_942] : memref<1x128x64xi32, #tpu.memory_space<vmem>>, vector<1x128x1xi32>
    %swap3A_944 = vector.shape_cast %swap3A_943 : vector<1x128x1xi32> to vector<128x1xi32>
    %swap3A_945 = vector.shape_cast %convert_element_type3A_939 : vector<128x1xi32> to vector<1x128x1xi32>
    tpu.vector_store %arg4[%swap3A_940, %swap3A_941, %swap3A_942], %swap3A_945 {strides = array<i32>} : memref<1x128x64xi32, #tpu.memory_space<vmem>>, vector<1x128x1xi32>,
    %eq3A_946 = vector.broadcast %broadcast_in_dim3A_934 : vector<128x1xf32> to vector<128x4096xf32>
    %eq3A_947 = arith.cmpf oeq, %convert_element_type3A_69, %eq3A_946 : vector<128x4096xf32>
    %jit3A_948 = arith.constant 0x7F800000 : f32
    %broadcast_in_dim3A_949 = vector.broadcast %jit3A_948 : f32 to vector<128x4096xf32>
    %select_n3A_950 = arith.select %eq3A_947, %broadcast_in_dim3A_949, %select_n3A_923 : vector<128x4096xi1>, vector<128x4096xf32>
    %reduce_min3A_951 = arith.constant dense<0x7F800000> : vector<128xf32>
    %reduce_min3A_952 = vector.multi_reduction <minimumf>, %select_n3A_950, %reduce_min3A_951 [1] : vector<128x4096xf32> to vector<128xf32>
    %broadcast_in_dim3A_953 = vector.shape_cast %reduce_min3A_952 : vector<128xf32> to vector<128x1xf32>
    %eq3A_954 = vector.broadcast %broadcast_in_dim3A_953 : vector<128x1xf32> to vector<128x4096xf32>
    %eq3A_955 = arith.cmpf oeq, %select_n3A_950, %eq3A_954 : vector<128x4096xf32>
    %jit3A_956 = arith.constant 4.096000e+03 : f32
    %broadcast_in_dim3A_957 = vector.broadcast %jit3A_956 : f32 to vector<128x4096xf32>
    %select_n3A_958 = arith.select %eq3A_955, %convert_element_type3A_69, %broadcast_in_dim3A_957 : vector<128x4096xi1>, vector<128x4096xf32>
    %reduce_min3A_959 = arith.constant dense<0x7F800000> : vector<128xf32>
    %reduce_min3A_960 = vector.multi_reduction <minimumf>, %select_n3A_958, %reduce_min3A_959 [1] : vector<128x4096xf32> to vector<128xf32>
    %broadcast_in_dim3A_961 = vector.shape_cast %reduce_min3A_960 : vector<128xf32> to vector<128x1xf32>
    %le3A_962 = arith.constant 4.000000e-02 : f32
    %le3A_963 = vector.broadcast %le3A_962 : f32 to vector<128x1xf32>
    %le3A_964 = arith.cmpf ole, %broadcast_in_dim3A_953, %le3A_963 : vector<128x1xf32>
    %select_n3A_965 = arith.select %le3A_964, %broadcast_in_dim3A_961, %broadcast_in_dim3A_76 : vector<128x1xi1>, vector<128x1xf32>
    %convert_element_type3A_966 = arith.fptosi %select_n3A_965 : vector<128x1xf32> to vector<128x1xi32>
    %swap3A_967 = arith.constant 0 : index
    %swap3A_968 = arith.constant 0 : index
    %swap3A_969 = arith.constant 33 : index
    %swap3A_970 = vector.load %arg4[%swap3A_967, %swap3A_968, %swap3A_969] : memref<1x128x64xi32, #tpu.memory_space<vmem>>, vector<1x128x1xi32>
    %swap3A_971 = vector.shape_cast %swap3A_970 : vector<1x128x1xi32> to vector<128x1xi32>
    %swap3A_972 = vector.shape_cast %convert_element_type3A_966 : vector<128x1xi32> to vector<1x128x1xi32>
    tpu.vector_store %arg4[%swap3A_967, %swap3A_968, %swap3A_969], %swap3A_972 {strides = array<i32>} : memref<1x128x64xi32, #tpu.memory_space<vmem>>, vector<1x128x1xi32>,
    %eq3A_973 = vector.broadcast %broadcast_in_dim3A_961 : vector<128x1xf32> to vector<128x4096xf32>
    %eq3A_974 = arith.cmpf oeq, %convert_element_type3A_69, %eq3A_973 : vector<128x4096xf32>
    %jit3A_975 = arith.constant 0x7F800000 : f32
    %broadcast_in_dim3A_976 = vector.broadcast %jit3A_975 : f32 to vector<128x4096xf32>
    %select_n3A_977 = arith.select %eq3A_974, %broadcast_in_dim3A_976, %select_n3A_950 : vector<128x4096xi1>, vector<128x4096xf32>
    %reduce_min3A_978 = arith.constant dense<0x7F800000> : vector<128xf32>
    %reduce_min3A_979 = vector.multi_reduction <minimumf>, %select_n3A_977, %reduce_min3A_978 [1] : vector<128x4096xf32> to vector<128xf32>
    %broadcast_in_dim3A_980 = vector.shape_cast %reduce_min3A_979 : vector<128xf32> to vector<128x1xf32>
    %eq3A_981 = vector.broadcast %broadcast_in_dim3A_980 : vector<128x1xf32> to vector<128x4096xf32>
    %eq3A_982 = arith.cmpf oeq, %select_n3A_977, %eq3A_981 : vector<128x4096xf32>
    %jit3A_983 = arith.constant 4.096000e+03 : f32
    %broadcast_in_dim3A_984 = vector.broadcast %jit3A_983 : f32 to vector<128x4096xf32>
    %select_n3A_985 = arith.select %eq3A_982, %convert_element_type3A_69, %broadcast_in_dim3A_984 : vector<128x4096xi1>, vector<128x4096xf32>
    %reduce_min3A_986 = arith.constant dense<0x7F800000> : vector<128xf32>
    %reduce_min3A_987 = vector.multi_reduction <minimumf>, %select_n3A_985, %reduce_min3A_986 [1] : vector<128x4096xf32> to vector<128xf32>
    %broadcast_in_dim3A_988 = vector.shape_cast %reduce_min3A_987 : vector<128xf32> to vector<128x1xf32>
    %le3A_989 = arith.constant 4.000000e-02 : f32
    %le3A_990 = vector.broadcast %le3A_989 : f32 to vector<128x1xf32>
    %le3A_991 = arith.cmpf ole, %broadcast_in_dim3A_980, %le3A_990 : vector<128x1xf32>
    %select_n3A_992 = arith.select %le3A_991, %broadcast_in_dim3A_988, %broadcast_in_dim3A_76 : vector<128x1xi1>, vector<128x1xf32>
    %convert_element_type3A_993 = arith.fptosi %select_n3A_992 : vector<128x1xf32> to vector<128x1xi32>
    %swap3A_994 = arith.constant 0 : index
    %swap3A_995 = arith.constant 0 : index
    %swap3A_996 = arith.constant 34 : index
    %swap3A_997 = vector.load %arg4[%swap3A_994, %swap3A_995, %swap3A_996] : memref<1x128x64xi32, #tpu.memory_space<vmem>>, vector<1x128x1xi32>
    %swap3A_998 = vector.shape_cast %swap3A_997 : vector<1x128x1xi32> to vector<128x1xi32>
    %swap3A_999 = vector.shape_cast %convert_element_type3A_993 : vector<128x1xi32> to vector<1x128x1xi32>
    tpu.vector_store %arg4[%swap3A_994, %swap3A_995, %swap3A_996], %swap3A_999 {strides = array<i32>} : memref<1x128x64xi32, #tpu.memory_space<vmem>>, vector<1x128x1xi32>,
    %eq3A_1000 = vector.broadcast %broadcast_in_dim3A_988 : vector<128x1xf32> to vector<128x4096xf32>
    %eq3A_1001 = arith.cmpf oeq, %convert_element_type3A_69, %eq3A_1000 : vector<128x4096xf32>
    %jit3A_1002 = arith.constant 0x7F800000 : f32
    %broadcast_in_dim3A_1003 = vector.broadcast %jit3A_1002 : f32 to vector<128x4096xf32>
    %select_n3A_1004 = arith.select %eq3A_1001, %broadcast_in_dim3A_1003, %select_n3A_977 : vector<128x4096xi1>, vector<128x4096xf32>
    %reduce_min3A_1005 = arith.constant dense<0x7F800000> : vector<128xf32>
    %reduce_min3A_1006 = vector.multi_reduction <minimumf>, %select_n3A_1004, %reduce_min3A_1005 [1] : vector<128x4096xf32> to vector<128xf32>
    %broadcast_in_dim3A_1007 = vector.shape_cast %reduce_min3A_1006 : vector<128xf32> to vector<128x1xf32>
    %eq3A_1008 = vector.broadcast %broadcast_in_dim3A_1007 : vector<128x1xf32> to vector<128x4096xf32>
    %eq3A_1009 = arith.cmpf oeq, %select_n3A_1004, %eq3A_1008 : vector<128x4096xf32>
    %jit3A_1010 = arith.constant 4.096000e+03 : f32
    %broadcast_in_dim3A_1011 = vector.broadcast %jit3A_1010 : f32 to vector<128x4096xf32>
    %select_n3A_1012 = arith.select %eq3A_1009, %convert_element_type3A_69, %broadcast_in_dim3A_1011 : vector<128x4096xi1>, vector<128x4096xf32>
    %reduce_min3A_1013 = arith.constant dense<0x7F800000> : vector<128xf32>
    %reduce_min3A_1014 = vector.multi_reduction <minimumf>, %select_n3A_1012, %reduce_min3A_1013 [1] : vector<128x4096xf32> to vector<128xf32>
    %broadcast_in_dim3A_1015 = vector.shape_cast %reduce_min3A_1014 : vector<128xf32> to vector<128x1xf32>
    %le3A_1016 = arith.constant 4.000000e-02 : f32
    %le3A_1017 = vector.broadcast %le3A_1016 : f32 to vector<128x1xf32>
    %le3A_1018 = arith.cmpf ole, %broadcast_in_dim3A_1007, %le3A_1017 : vector<128x1xf32>
    %select_n3A_1019 = arith.select %le3A_1018, %broadcast_in_dim3A_1015, %broadcast_in_dim3A_76 : vector<128x1xi1>, vector<128x1xf32>
    %convert_element_type3A_1020 = arith.fptosi %select_n3A_1019 : vector<128x1xf32> to vector<128x1xi32>
    %swap3A_1021 = arith.constant 0 : index
    %swap3A_1022 = arith.constant 0 : index
    %swap3A_1023 = arith.constant 35 : index
    %swap3A_1024 = vector.load %arg4[%swap3A_1021, %swap3A_1022, %swap3A_1023] : memref<1x128x64xi32, #tpu.memory_space<vmem>>, vector<1x128x1xi32>
    %swap3A_1025 = vector.shape_cast %swap3A_1024 : vector<1x128x1xi32> to vector<128x1xi32>
    %swap3A_1026 = vector.shape_cast %convert_element_type3A_1020 : vector<128x1xi32> to vector<1x128x1xi32>
    tpu.vector_store %arg4[%swap3A_1021, %swap3A_1022, %swap3A_1023], %swap3A_1026 {strides = array<i32>} : memref<1x128x64xi32, #tpu.memory_space<vmem>>, vector<1x128x1xi32>,
    %eq3A_1027 = vector.broadcast %broadcast_in_dim3A_1015 : vector<128x1xf32> to vector<128x4096xf32>
    %eq3A_1028 = arith.cmpf oeq, %convert_element_type3A_69, %eq3A_1027 : vector<128x4096xf32>
    %jit3A_1029 = arith.constant 0x7F800000 : f32
    %broadcast_in_dim3A_1030 = vector.broadcast %jit3A_1029 : f32 to vector<128x4096xf32>
    %select_n3A_1031 = arith.select %eq3A_1028, %broadcast_in_dim3A_1030, %select_n3A_1004 : vector<128x4096xi1>, vector<128x4096xf32>
    %reduce_min3A_1032 = arith.constant dense<0x7F800000> : vector<128xf32>
    %reduce_min3A_1033 = vector.multi_reduction <minimumf>, %select_n3A_1031, %reduce_min3A_1032 [1] : vector<128x4096xf32> to vector<128xf32>
    %broadcast_in_dim3A_1034 = vector.shape_cast %reduce_min3A_1033 : vector<128xf32> to vector<128x1xf32>
    %eq3A_1035 = vector.broadcast %broadcast_in_dim3A_1034 : vector<128x1xf32> to vector<128x4096xf32>
    %eq3A_1036 = arith.cmpf oeq, %select_n3A_1031, %eq3A_1035 : vector<128x4096xf32>
    %jit3A_1037 = arith.constant 4.096000e+03 : f32
    %broadcast_in_dim3A_1038 = vector.broadcast %jit3A_1037 : f32 to vector<128x4096xf32>
    %select_n3A_1039 = arith.select %eq3A_1036, %convert_element_type3A_69, %broadcast_in_dim3A_1038 : vector<128x4096xi1>, vector<128x4096xf32>
    %reduce_min3A_1040 = arith.constant dense<0x7F800000> : vector<128xf32>
    %reduce_min3A_1041 = vector.multi_reduction <minimumf>, %select_n3A_1039, %reduce_min3A_1040 [1] : vector<128x4096xf32> to vector<128xf32>
    %broadcast_in_dim3A_1042 = vector.shape_cast %reduce_min3A_1041 : vector<128xf32> to vector<128x1xf32>
    %le3A_1043 = arith.constant 4.000000e-02 : f32
    %le3A_1044 = vector.broadcast %le3A_1043 : f32 to vector<128x1xf32>
    %le3A_1045 = arith.cmpf ole, %broadcast_in_dim3A_1034, %le3A_1044 : vector<128x1xf32>
    %select_n3A_1046 = arith.select %le3A_1045, %broadcast_in_dim3A_1042, %broadcast_in_dim3A_76 : vector<128x1xi1>, vector<128x1xf32>
    %convert_element_type3A_1047 = arith.fptosi %select_n3A_1046 : vector<128x1xf32> to vector<128x1xi32>
    %swap3A_1048 = arith.constant 0 : index
    %swap3A_1049 = arith.constant 0 : index
    %swap3A_1050 = arith.constant 36 : index
    %swap3A_1051 = vector.load %arg4[%swap3A_1048, %swap3A_1049, %swap3A_1050] : memref<1x128x64xi32, #tpu.memory_space<vmem>>, vector<1x128x1xi32>
    %swap3A_1052 = vector.shape_cast %swap3A_1051 : vector<1x128x1xi32> to vector<128x1xi32>
    %swap3A_1053 = vector.shape_cast %convert_element_type3A_1047 : vector<128x1xi32> to vector<1x128x1xi32>
    tpu.vector_store %arg4[%swap3A_1048, %swap3A_1049, %swap3A_1050], %swap3A_1053 {strides = array<i32>} : memref<1x128x64xi32, #tpu.memory_space<vmem>>, vector<1x128x1xi32>,
    %eq3A_1054 = vector.broadcast %broadcast_in_dim3A_1042 : vector<128x1xf32> to vector<128x4096xf32>
    %eq3A_1055 = arith.cmpf oeq, %convert_element_type3A_69, %eq3A_1054 : vector<128x4096xf32>
    %jit3A_1056 = arith.constant 0x7F800000 : f32
    %broadcast_in_dim3A_1057 = vector.broadcast %jit3A_1056 : f32 to vector<128x4096xf32>
    %select_n3A_1058 = arith.select %eq3A_1055, %broadcast_in_dim3A_1057, %select_n3A_1031 : vector<128x4096xi1>, vector<128x4096xf32>
    %reduce_min3A_1059 = arith.constant dense<0x7F800000> : vector<128xf32>
    %reduce_min3A_1060 = vector.multi_reduction <minimumf>, %select_n3A_1058, %reduce_min3A_1059 [1] : vector<128x4096xf32> to vector<128xf32>
    %broadcast_in_dim3A_1061 = vector.shape_cast %reduce_min3A_1060 : vector<128xf32> to vector<128x1xf32>
    %eq3A_1062 = vector.broadcast %broadcast_in_dim3A_1061 : vector<128x1xf32> to vector<128x4096xf32>
    %eq3A_1063 = arith.cmpf oeq, %select_n3A_1058, %eq3A_1062 : vector<128x4096xf32>
    %jit3A_1064 = arith.constant 4.096000e+03 : f32
    %broadcast_in_dim3A_1065 = vector.broadcast %jit3A_1064 : f32 to vector<128x4096xf32>
    %select_n3A_1066 = arith.select %eq3A_1063, %convert_element_type3A_69, %broadcast_in_dim3A_1065 : vector<128x4096xi1>, vector<128x4096xf32>
    %reduce_min3A_1067 = arith.constant dense<0x7F800000> : vector<128xf32>
    %reduce_min3A_1068 = vector.multi_reduction <minimumf>, %select_n3A_1066, %reduce_min3A_1067 [1] : vector<128x4096xf32> to vector<128xf32>
    %broadcast_in_dim3A_1069 = vector.shape_cast %reduce_min3A_1068 : vector<128xf32> to vector<128x1xf32>
    %le3A_1070 = arith.constant 4.000000e-02 : f32
    %le3A_1071 = vector.broadcast %le3A_1070 : f32 to vector<128x1xf32>
    %le3A_1072 = arith.cmpf ole, %broadcast_in_dim3A_1061, %le3A_1071 : vector<128x1xf32>
    %select_n3A_1073 = arith.select %le3A_1072, %broadcast_in_dim3A_1069, %broadcast_in_dim3A_76 : vector<128x1xi1>, vector<128x1xf32>
    %convert_element_type3A_1074 = arith.fptosi %select_n3A_1073 : vector<128x1xf32> to vector<128x1xi32>
    %swap3A_1075 = arith.constant 0 : index
    %swap3A_1076 = arith.constant 0 : index
    %swap3A_1077 = arith.constant 37 : index
    %swap3A_1078 = vector.load %arg4[%swap3A_1075, %swap3A_1076, %swap3A_1077] : memref<1x128x64xi32, #tpu.memory_space<vmem>>, vector<1x128x1xi32>
    %swap3A_1079 = vector.shape_cast %swap3A_1078 : vector<1x128x1xi32> to vector<128x1xi32>
    %swap3A_1080 = vector.shape_cast %convert_element_type3A_1074 : vector<128x1xi32> to vector<1x128x1xi32>
    tpu.vector_store %arg4[%swap3A_1075, %swap3A_1076, %swap3A_1077], %swap3A_1080 {strides = array<i32>} : memref<1x128x64xi32, #tpu.memory_space<vmem>>, vector<1x128x1xi32>,
    %eq3A_1081 = vector.broadcast %broadcast_in_dim3A_1069 : vector<128x1xf32> to vector<128x4096xf32>
    %eq3A_1082 = arith.cmpf oeq, %convert_element_type3A_69, %eq3A_1081 : vector<128x4096xf32>
    %jit3A_1083 = arith.constant 0x7F800000 : f32
    %broadcast_in_dim3A_1084 = vector.broadcast %jit3A_1083 : f32 to vector<128x4096xf32>
    %select_n3A_1085 = arith.select %eq3A_1082, %broadcast_in_dim3A_1084, %select_n3A_1058 : vector<128x4096xi1>, vector<128x4096xf32>
    %reduce_min3A_1086 = arith.constant dense<0x7F800000> : vector<128xf32>
    %reduce_min3A_1087 = vector.multi_reduction <minimumf>, %select_n3A_1085, %reduce_min3A_1086 [1] : vector<128x4096xf32> to vector<128xf32>
    %broadcast_in_dim3A_1088 = vector.shape_cast %reduce_min3A_1087 : vector<128xf32> to vector<128x1xf32>
    %eq3A_1089 = vector.broadcast %broadcast_in_dim3A_1088 : vector<128x1xf32> to vector<128x4096xf32>
    %eq3A_1090 = arith.cmpf oeq, %select_n3A_1085, %eq3A_1089 : vector<128x4096xf32>
    %jit3A_1091 = arith.constant 4.096000e+03 : f32
    %broadcast_in_dim3A_1092 = vector.broadcast %jit3A_1091 : f32 to vector<128x4096xf32>
    %select_n3A_1093 = arith.select %eq3A_1090, %convert_element_type3A_69, %broadcast_in_dim3A_1092 : vector<128x4096xi1>, vector<128x4096xf32>
    %reduce_min3A_1094 = arith.constant dense<0x7F800000> : vector<128xf32>
    %reduce_min3A_1095 = vector.multi_reduction <minimumf>, %select_n3A_1093, %reduce_min3A_1094 [1] : vector<128x4096xf32> to vector<128xf32>
    %broadcast_in_dim3A_1096 = vector.shape_cast %reduce_min3A_1095 : vector<128xf32> to vector<128x1xf32>
    %le3A_1097 = arith.constant 4.000000e-02 : f32
    %le3A_1098 = vector.broadcast %le3A_1097 : f32 to vector<128x1xf32>
    %le3A_1099 = arith.cmpf ole, %broadcast_in_dim3A_1088, %le3A_1098 : vector<128x1xf32>
    %select_n3A_1100 = arith.select %le3A_1099, %broadcast_in_dim3A_1096, %broadcast_in_dim3A_76 : vector<128x1xi1>, vector<128x1xf32>
    %convert_element_type3A_1101 = arith.fptosi %select_n3A_1100 : vector<128x1xf32> to vector<128x1xi32>
    %swap3A_1102 = arith.constant 0 : index
    %swap3A_1103 = arith.constant 0 : index
    %swap3A_1104 = arith.constant 38 : index
    %swap3A_1105 = vector.load %arg4[%swap3A_1102, %swap3A_1103, %swap3A_1104] : memref<1x128x64xi32, #tpu.memory_space<vmem>>, vector<1x128x1xi32>
    %swap3A_1106 = vector.shape_cast %swap3A_1105 : vector<1x128x1xi32> to vector<128x1xi32>
    %swap3A_1107 = vector.shape_cast %convert_element_type3A_1101 : vector<128x1xi32> to vector<1x128x1xi32>
    tpu.vector_store %arg4[%swap3A_1102, %swap3A_1103, %swap3A_1104], %swap3A_1107 {strides = array<i32>} : memref<1x128x64xi32, #tpu.memory_space<vmem>>, vector<1x128x1xi32>,
    %eq3A_1108 = vector.broadcast %broadcast_in_dim3A_1096 : vector<128x1xf32> to vector<128x4096xf32>
    %eq3A_1109 = arith.cmpf oeq, %convert_element_type3A_69, %eq3A_1108 : vector<128x4096xf32>
    %jit3A_1110 = arith.constant 0x7F800000 : f32
    %broadcast_in_dim3A_1111 = vector.broadcast %jit3A_1110 : f32 to vector<128x4096xf32>
    %select_n3A_1112 = arith.select %eq3A_1109, %broadcast_in_dim3A_1111, %select_n3A_1085 : vector<128x4096xi1>, vector<128x4096xf32>
    %reduce_min3A_1113 = arith.constant dense<0x7F800000> : vector<128xf32>
    %reduce_min3A_1114 = vector.multi_reduction <minimumf>, %select_n3A_1112, %reduce_min3A_1113 [1] : vector<128x4096xf32> to vector<128xf32>
    %broadcast_in_dim3A_1115 = vector.shape_cast %reduce_min3A_1114 : vector<128xf32> to vector<128x1xf32>
    %eq3A_1116 = vector.broadcast %broadcast_in_dim3A_1115 : vector<128x1xf32> to vector<128x4096xf32>
    %eq3A_1117 = arith.cmpf oeq, %select_n3A_1112, %eq3A_1116 : vector<128x4096xf32>
    %jit3A_1118 = arith.constant 4.096000e+03 : f32
    %broadcast_in_dim3A_1119 = vector.broadcast %jit3A_1118 : f32 to vector<128x4096xf32>
    %select_n3A_1120 = arith.select %eq3A_1117, %convert_element_type3A_69, %broadcast_in_dim3A_1119 : vector<128x4096xi1>, vector<128x4096xf32>
    %reduce_min3A_1121 = arith.constant dense<0x7F800000> : vector<128xf32>
    %reduce_min3A_1122 = vector.multi_reduction <minimumf>, %select_n3A_1120, %reduce_min3A_1121 [1] : vector<128x4096xf32> to vector<128xf32>
    %broadcast_in_dim3A_1123 = vector.shape_cast %reduce_min3A_1122 : vector<128xf32> to vector<128x1xf32>
    %le3A_1124 = arith.constant 4.000000e-02 : f32
    %le3A_1125 = vector.broadcast %le3A_1124 : f32 to vector<128x1xf32>
    %le3A_1126 = arith.cmpf ole, %broadcast_in_dim3A_1115, %le3A_1125 : vector<128x1xf32>
    %select_n3A_1127 = arith.select %le3A_1126, %broadcast_in_dim3A_1123, %broadcast_in_dim3A_76 : vector<128x1xi1>, vector<128x1xf32>
    %convert_element_type3A_1128 = arith.fptosi %select_n3A_1127 : vector<128x1xf32> to vector<128x1xi32>
    %swap3A_1129 = arith.constant 0 : index
    %swap3A_1130 = arith.constant 0 : index
    %swap3A_1131 = arith.constant 39 : index
    %swap3A_1132 = vector.load %arg4[%swap3A_1129, %swap3A_1130, %swap3A_1131] : memref<1x128x64xi32, #tpu.memory_space<vmem>>, vector<1x128x1xi32>
    %swap3A_1133 = vector.shape_cast %swap3A_1132 : vector<1x128x1xi32> to vector<128x1xi32>
    %swap3A_1134 = vector.shape_cast %convert_element_type3A_1128 : vector<128x1xi32> to vector<1x128x1xi32>
    tpu.vector_store %arg4[%swap3A_1129, %swap3A_1130, %swap3A_1131], %swap3A_1134 {strides = array<i32>} : memref<1x128x64xi32, #tpu.memory_space<vmem>>, vector<1x128x1xi32>,
    %eq3A_1135 = vector.broadcast %broadcast_in_dim3A_1123 : vector<128x1xf32> to vector<128x4096xf32>
    %eq3A_1136 = arith.cmpf oeq, %convert_element_type3A_69, %eq3A_1135 : vector<128x4096xf32>
    %jit3A_1137 = arith.constant 0x7F800000 : f32
    %broadcast_in_dim3A_1138 = vector.broadcast %jit3A_1137 : f32 to vector<128x4096xf32>
    %select_n3A_1139 = arith.select %eq3A_1136, %broadcast_in_dim3A_1138, %select_n3A_1112 : vector<128x4096xi1>, vector<128x4096xf32>
    %reduce_min3A_1140 = arith.constant dense<0x7F800000> : vector<128xf32>
    %reduce_min3A_1141 = vector.multi_reduction <minimumf>, %select_n3A_1139, %reduce_min3A_1140 [1] : vector<128x4096xf32> to vector<128xf32>
    %broadcast_in_dim3A_1142 = vector.shape_cast %reduce_min3A_1141 : vector<128xf32> to vector<128x1xf32>
    %eq3A_1143 = vector.broadcast %broadcast_in_dim3A_1142 : vector<128x1xf32> to vector<128x4096xf32>
    %eq3A_1144 = arith.cmpf oeq, %select_n3A_1139, %eq3A_1143 : vector<128x4096xf32>
    %jit3A_1145 = arith.constant 4.096000e+03 : f32
    %broadcast_in_dim3A_1146 = vector.broadcast %jit3A_1145 : f32 to vector<128x4096xf32>
    %select_n3A_1147 = arith.select %eq3A_1144, %convert_element_type3A_69, %broadcast_in_dim3A_1146 : vector<128x4096xi1>, vector<128x4096xf32>
    %reduce_min3A_1148 = arith.constant dense<0x7F800000> : vector<128xf32>
    %reduce_min3A_1149 = vector.multi_reduction <minimumf>, %select_n3A_1147, %reduce_min3A_1148 [1] : vector<128x4096xf32> to vector<128xf32>
    %broadcast_in_dim3A_1150 = vector.shape_cast %reduce_min3A_1149 : vector<128xf32> to vector<128x1xf32>
    %le3A_1151 = arith.constant 4.000000e-02 : f32
    %le3A_1152 = vector.broadcast %le3A_1151 : f32 to vector<128x1xf32>
    %le3A_1153 = arith.cmpf ole, %broadcast_in_dim3A_1142, %le3A_1152 : vector<128x1xf32>
    %select_n3A_1154 = arith.select %le3A_1153, %broadcast_in_dim3A_1150, %broadcast_in_dim3A_76 : vector<128x1xi1>, vector<128x1xf32>
    %convert_element_type3A_1155 = arith.fptosi %select_n3A_1154 : vector<128x1xf32> to vector<128x1xi32>
    %swap3A_1156 = arith.constant 0 : index
    %swap3A_1157 = arith.constant 0 : index
    %swap3A_1158 = arith.constant 40 : index
    %swap3A_1159 = vector.load %arg4[%swap3A_1156, %swap3A_1157, %swap3A_1158] : memref<1x128x64xi32, #tpu.memory_space<vmem>>, vector<1x128x1xi32>
    %swap3A_1160 = vector.shape_cast %swap3A_1159 : vector<1x128x1xi32> to vector<128x1xi32>
    %swap3A_1161 = vector.shape_cast %convert_element_type3A_1155 : vector<128x1xi32> to vector<1x128x1xi32>
    tpu.vector_store %arg4[%swap3A_1156, %swap3A_1157, %swap3A_1158], %swap3A_1161 {strides = array<i32>} : memref<1x128x64xi32, #tpu.memory_space<vmem>>, vector<1x128x1xi32>,
    %eq3A_1162 = vector.broadcast %broadcast_in_dim3A_1150 : vector<128x1xf32> to vector<128x4096xf32>
    %eq3A_1163 = arith.cmpf oeq, %convert_element_type3A_69, %eq3A_1162 : vector<128x4096xf32>
    %jit3A_1164 = arith.constant 0x7F800000 : f32
    %broadcast_in_dim3A_1165 = vector.broadcast %jit3A_1164 : f32 to vector<128x4096xf32>
    %select_n3A_1166 = arith.select %eq3A_1163, %broadcast_in_dim3A_1165, %select_n3A_1139 : vector<128x4096xi1>, vector<128x4096xf32>
    %reduce_min3A_1167 = arith.constant dense<0x7F800000> : vector<128xf32>
    %reduce_min3A_1168 = vector.multi_reduction <minimumf>, %select_n3A_1166, %reduce_min3A_1167 [1] : vector<128x4096xf32> to vector<128xf32>
    %broadcast_in_dim3A_1169 = vector.shape_cast %reduce_min3A_1168 : vector<128xf32> to vector<128x1xf32>
    %eq3A_1170 = vector.broadcast %broadcast_in_dim3A_1169 : vector<128x1xf32> to vector<128x4096xf32>
    %eq3A_1171 = arith.cmpf oeq, %select_n3A_1166, %eq3A_1170 : vector<128x4096xf32>
    %jit3A_1172 = arith.constant 4.096000e+03 : f32
    %broadcast_in_dim3A_1173 = vector.broadcast %jit3A_1172 : f32 to vector<128x4096xf32>
    %select_n3A_1174 = arith.select %eq3A_1171, %convert_element_type3A_69, %broadcast_in_dim3A_1173 : vector<128x4096xi1>, vector<128x4096xf32>
    %reduce_min3A_1175 = arith.constant dense<0x7F800000> : vector<128xf32>
    %reduce_min3A_1176 = vector.multi_reduction <minimumf>, %select_n3A_1174, %reduce_min3A_1175 [1] : vector<128x4096xf32> to vector<128xf32>
    %broadcast_in_dim3A_1177 = vector.shape_cast %reduce_min3A_1176 : vector<128xf32> to vector<128x1xf32>
    %le3A_1178 = arith.constant 4.000000e-02 : f32
    %le3A_1179 = vector.broadcast %le3A_1178 : f32 to vector<128x1xf32>
    %le3A_1180 = arith.cmpf ole, %broadcast_in_dim3A_1169, %le3A_1179 : vector<128x1xf32>
    %select_n3A_1181 = arith.select %le3A_1180, %broadcast_in_dim3A_1177, %broadcast_in_dim3A_76 : vector<128x1xi1>, vector<128x1xf32>
    %convert_element_type3A_1182 = arith.fptosi %select_n3A_1181 : vector<128x1xf32> to vector<128x1xi32>
    %swap3A_1183 = arith.constant 0 : index
    %swap3A_1184 = arith.constant 0 : index
    %swap3A_1185 = arith.constant 41 : index
    %swap3A_1186 = vector.load %arg4[%swap3A_1183, %swap3A_1184, %swap3A_1185] : memref<1x128x64xi32, #tpu.memory_space<vmem>>, vector<1x128x1xi32>
    %swap3A_1187 = vector.shape_cast %swap3A_1186 : vector<1x128x1xi32> to vector<128x1xi32>
    %swap3A_1188 = vector.shape_cast %convert_element_type3A_1182 : vector<128x1xi32> to vector<1x128x1xi32>
    tpu.vector_store %arg4[%swap3A_1183, %swap3A_1184, %swap3A_1185], %swap3A_1188 {strides = array<i32>} : memref<1x128x64xi32, #tpu.memory_space<vmem>>, vector<1x128x1xi32>,
    %eq3A_1189 = vector.broadcast %broadcast_in_dim3A_1177 : vector<128x1xf32> to vector<128x4096xf32>
    %eq3A_1190 = arith.cmpf oeq, %convert_element_type3A_69, %eq3A_1189 : vector<128x4096xf32>
    %jit3A_1191 = arith.constant 0x7F800000 : f32
    %broadcast_in_dim3A_1192 = vector.broadcast %jit3A_1191 : f32 to vector<128x4096xf32>
    %select_n3A_1193 = arith.select %eq3A_1190, %broadcast_in_dim3A_1192, %select_n3A_1166 : vector<128x4096xi1>, vector<128x4096xf32>
    %reduce_min3A_1194 = arith.constant dense<0x7F800000> : vector<128xf32>
    %reduce_min3A_1195 = vector.multi_reduction <minimumf>, %select_n3A_1193, %reduce_min3A_1194 [1] : vector<128x4096xf32> to vector<128xf32>
    %broadcast_in_dim3A_1196 = vector.shape_cast %reduce_min3A_1195 : vector<128xf32> to vector<128x1xf32>
    %eq3A_1197 = vector.broadcast %broadcast_in_dim3A_1196 : vector<128x1xf32> to vector<128x4096xf32>
    %eq3A_1198 = arith.cmpf oeq, %select_n3A_1193, %eq3A_1197 : vector<128x4096xf32>
    %jit3A_1199 = arith.constant 4.096000e+03 : f32
    %broadcast_in_dim3A_1200 = vector.broadcast %jit3A_1199 : f32 to vector<128x4096xf32>
    %select_n3A_1201 = arith.select %eq3A_1198, %convert_element_type3A_69, %broadcast_in_dim3A_1200 : vector<128x4096xi1>, vector<128x4096xf32>
    %reduce_min3A_1202 = arith.constant dense<0x7F800000> : vector<128xf32>
    %reduce_min3A_1203 = vector.multi_reduction <minimumf>, %select_n3A_1201, %reduce_min3A_1202 [1] : vector<128x4096xf32> to vector<128xf32>
    %broadcast_in_dim3A_1204 = vector.shape_cast %reduce_min3A_1203 : vector<128xf32> to vector<128x1xf32>
    %le3A_1205 = arith.constant 4.000000e-02 : f32
    %le3A_1206 = vector.broadcast %le3A_1205 : f32 to vector<128x1xf32>
    %le3A_1207 = arith.cmpf ole, %broadcast_in_dim3A_1196, %le3A_1206 : vector<128x1xf32>
    %select_n3A_1208 = arith.select %le3A_1207, %broadcast_in_dim3A_1204, %broadcast_in_dim3A_76 : vector<128x1xi1>, vector<128x1xf32>
    %convert_element_type3A_1209 = arith.fptosi %select_n3A_1208 : vector<128x1xf32> to vector<128x1xi32>
    %swap3A_1210 = arith.constant 0 : index
    %swap3A_1211 = arith.constant 0 : index
    %swap3A_1212 = arith.constant 42 : index
    %swap3A_1213 = vector.load %arg4[%swap3A_1210, %swap3A_1211, %swap3A_1212] : memref<1x128x64xi32, #tpu.memory_space<vmem>>, vector<1x128x1xi32>
    %swap3A_1214 = vector.shape_cast %swap3A_1213 : vector<1x128x1xi32> to vector<128x1xi32>
    %swap3A_1215 = vector.shape_cast %convert_element_type3A_1209 : vector<128x1xi32> to vector<1x128x1xi32>
    tpu.vector_store %arg4[%swap3A_1210, %swap3A_1211, %swap3A_1212], %swap3A_1215 {strides = array<i32>} : memref<1x128x64xi32, #tpu.memory_space<vmem>>, vector<1x128x1xi32>,
    %eq3A_1216 = vector.broadcast %broadcast_in_dim3A_1204 : vector<128x1xf32> to vector<128x4096xf32>
    %eq3A_1217 = arith.cmpf oeq, %convert_element_type3A_69, %eq3A_1216 : vector<128x4096xf32>
    %jit3A_1218 = arith.constant 0x7F800000 : f32
    %broadcast_in_dim3A_1219 = vector.broadcast %jit3A_1218 : f32 to vector<128x4096xf32>
    %select_n3A_1220 = arith.select %eq3A_1217, %broadcast_in_dim3A_1219, %select_n3A_1193 : vector<128x4096xi1>, vector<128x4096xf32>
    %reduce_min3A_1221 = arith.constant dense<0x7F800000> : vector<128xf32>
    %reduce_min3A_1222 = vector.multi_reduction <minimumf>, %select_n3A_1220, %reduce_min3A_1221 [1] : vector<128x4096xf32> to vector<128xf32>
    %broadcast_in_dim3A_1223 = vector.shape_cast %reduce_min3A_1222 : vector<128xf32> to vector<128x1xf32>
    %eq3A_1224 = vector.broadcast %broadcast_in_dim3A_1223 : vector<128x1xf32> to vector<128x4096xf32>
    %eq3A_1225 = arith.cmpf oeq, %select_n3A_1220, %eq3A_1224 : vector<128x4096xf32>
    %jit3A_1226 = arith.constant 4.096000e+03 : f32
    %broadcast_in_dim3A_1227 = vector.broadcast %jit3A_1226 : f32 to vector<128x4096xf32>
    %select_n3A_1228 = arith.select %eq3A_1225, %convert_element_type3A_69, %broadcast_in_dim3A_1227 : vector<128x4096xi1>, vector<128x4096xf32>
    %reduce_min3A_1229 = arith.constant dense<0x7F800000> : vector<128xf32>
    %reduce_min3A_1230 = vector.multi_reduction <minimumf>, %select_n3A_1228, %reduce_min3A_1229 [1] : vector<128x4096xf32> to vector<128xf32>
    %broadcast_in_dim3A_1231 = vector.shape_cast %reduce_min3A_1230 : vector<128xf32> to vector<128x1xf32>
    %le3A_1232 = arith.constant 4.000000e-02 : f32
    %le3A_1233 = vector.broadcast %le3A_1232 : f32 to vector<128x1xf32>
    %le3A_1234 = arith.cmpf ole, %broadcast_in_dim3A_1223, %le3A_1233 : vector<128x1xf32>
    %select_n3A_1235 = arith.select %le3A_1234, %broadcast_in_dim3A_1231, %broadcast_in_dim3A_76 : vector<128x1xi1>, vector<128x1xf32>
    %convert_element_type3A_1236 = arith.fptosi %select_n3A_1235 : vector<128x1xf32> to vector<128x1xi32>
    %swap3A_1237 = arith.constant 0 : index
    %swap3A_1238 = arith.constant 0 : index
    %swap3A_1239 = arith.constant 43 : index
    %swap3A_1240 = vector.load %arg4[%swap3A_1237, %swap3A_1238, %swap3A_1239] : memref<1x128x64xi32, #tpu.memory_space<vmem>>, vector<1x128x1xi32>
    %swap3A_1241 = vector.shape_cast %swap3A_1240 : vector<1x128x1xi32> to vector<128x1xi32>
    %swap3A_1242 = vector.shape_cast %convert_element_type3A_1236 : vector<128x1xi32> to vector<1x128x1xi32>
    tpu.vector_store %arg4[%swap3A_1237, %swap3A_1238, %swap3A_1239], %swap3A_1242 {strides = array<i32>} : memref<1x128x64xi32, #tpu.memory_space<vmem>>, vector<1x128x1xi32>,
    %eq3A_1243 = vector.broadcast %broadcast_in_dim3A_1231 : vector<128x1xf32> to vector<128x4096xf32>
    %eq3A_1244 = arith.cmpf oeq, %convert_element_type3A_69, %eq3A_1243 : vector<128x4096xf32>
    %jit3A_1245 = arith.constant 0x7F800000 : f32
    %broadcast_in_dim3A_1246 = vector.broadcast %jit3A_1245 : f32 to vector<128x4096xf32>
    %select_n3A_1247 = arith.select %eq3A_1244, %broadcast_in_dim3A_1246, %select_n3A_1220 : vector<128x4096xi1>, vector<128x4096xf32>
    %reduce_min3A_1248 = arith.constant dense<0x7F800000> : vector<128xf32>
    %reduce_min3A_1249 = vector.multi_reduction <minimumf>, %select_n3A_1247, %reduce_min3A_1248 [1] : vector<128x4096xf32> to vector<128xf32>
    %broadcast_in_dim3A_1250 = vector.shape_cast %reduce_min3A_1249 : vector<128xf32> to vector<128x1xf32>
    %eq3A_1251 = vector.broadcast %broadcast_in_dim3A_1250 : vector<128x1xf32> to vector<128x4096xf32>
    %eq3A_1252 = arith.cmpf oeq, %select_n3A_1247, %eq3A_1251 : vector<128x4096xf32>
    %jit3A_1253 = arith.constant 4.096000e+03 : f32
    %broadcast_in_dim3A_1254 = vector.broadcast %jit3A_1253 : f32 to vector<128x4096xf32>
    %select_n3A_1255 = arith.select %eq3A_1252, %convert_element_type3A_69, %broadcast_in_dim3A_1254 : vector<128x4096xi1>, vector<128x4096xf32>
    %reduce_min3A_1256 = arith.constant dense<0x7F800000> : vector<128xf32>
    %reduce_min3A_1257 = vector.multi_reduction <minimumf>, %select_n3A_1255, %reduce_min3A_1256 [1] : vector<128x4096xf32> to vector<128xf32>
    %broadcast_in_dim3A_1258 = vector.shape_cast %reduce_min3A_1257 : vector<128xf32> to vector<128x1xf32>
    %le3A_1259 = arith.constant 4.000000e-02 : f32
    %le3A_1260 = vector.broadcast %le3A_1259 : f32 to vector<128x1xf32>
    %le3A_1261 = arith.cmpf ole, %broadcast_in_dim3A_1250, %le3A_1260 : vector<128x1xf32>
    %select_n3A_1262 = arith.select %le3A_1261, %broadcast_in_dim3A_1258, %broadcast_in_dim3A_76 : vector<128x1xi1>, vector<128x1xf32>
    %convert_element_type3A_1263 = arith.fptosi %select_n3A_1262 : vector<128x1xf32> to vector<128x1xi32>
    %swap3A_1264 = arith.constant 0 : index
    %swap3A_1265 = arith.constant 0 : index
    %swap3A_1266 = arith.constant 44 : index
    %swap3A_1267 = vector.load %arg4[%swap3A_1264, %swap3A_1265, %swap3A_1266] : memref<1x128x64xi32, #tpu.memory_space<vmem>>, vector<1x128x1xi32>
    %swap3A_1268 = vector.shape_cast %swap3A_1267 : vector<1x128x1xi32> to vector<128x1xi32>
    %swap3A_1269 = vector.shape_cast %convert_element_type3A_1263 : vector<128x1xi32> to vector<1x128x1xi32>
    tpu.vector_store %arg4[%swap3A_1264, %swap3A_1265, %swap3A_1266], %swap3A_1269 {strides = array<i32>} : memref<1x128x64xi32, #tpu.memory_space<vmem>>, vector<1x128x1xi32>,
    %eq3A_1270 = vector.broadcast %broadcast_in_dim3A_1258 : vector<128x1xf32> to vector<128x4096xf32>
    %eq3A_1271 = arith.cmpf oeq, %convert_element_type3A_69, %eq3A_1270 : vector<128x4096xf32>
    %jit3A_1272 = arith.constant 0x7F800000 : f32
    %broadcast_in_dim3A_1273 = vector.broadcast %jit3A_1272 : f32 to vector<128x4096xf32>
    %select_n3A_1274 = arith.select %eq3A_1271, %broadcast_in_dim3A_1273, %select_n3A_1247 : vector<128x4096xi1>, vector<128x4096xf32>
    %reduce_min3A_1275 = arith.constant dense<0x7F800000> : vector<128xf32>
    %reduce_min3A_1276 = vector.multi_reduction <minimumf>, %select_n3A_1274, %reduce_min3A_1275 [1] : vector<128x4096xf32> to vector<128xf32>
    %broadcast_in_dim3A_1277 = vector.shape_cast %reduce_min3A_1276 : vector<128xf32> to vector<128x1xf32>
    %eq3A_1278 = vector.broadcast %broadcast_in_dim3A_1277 : vector<128x1xf32> to vector<128x4096xf32>
    %eq3A_1279 = arith.cmpf oeq, %select_n3A_1274, %eq3A_1278 : vector<128x4096xf32>
    %jit3A_1280 = arith.constant 4.096000e+03 : f32
    %broadcast_in_dim3A_1281 = vector.broadcast %jit3A_1280 : f32 to vector<128x4096xf32>
    %select_n3A_1282 = arith.select %eq3A_1279, %convert_element_type3A_69, %broadcast_in_dim3A_1281 : vector<128x4096xi1>, vector<128x4096xf32>
    %reduce_min3A_1283 = arith.constant dense<0x7F800000> : vector<128xf32>
    %reduce_min3A_1284 = vector.multi_reduction <minimumf>, %select_n3A_1282, %reduce_min3A_1283 [1] : vector<128x4096xf32> to vector<128xf32>
    %broadcast_in_dim3A_1285 = vector.shape_cast %reduce_min3A_1284 : vector<128xf32> to vector<128x1xf32>
    %le3A_1286 = arith.constant 4.000000e-02 : f32
    %le3A_1287 = vector.broadcast %le3A_1286 : f32 to vector<128x1xf32>
    %le3A_1288 = arith.cmpf ole, %broadcast_in_dim3A_1277, %le3A_1287 : vector<128x1xf32>
    %select_n3A_1289 = arith.select %le3A_1288, %broadcast_in_dim3A_1285, %broadcast_in_dim3A_76 : vector<128x1xi1>, vector<128x1xf32>
    %convert_element_type3A_1290 = arith.fptosi %select_n3A_1289 : vector<128x1xf32> to vector<128x1xi32>
    %swap3A_1291 = arith.constant 0 : index
    %swap3A_1292 = arith.constant 0 : index
    %swap3A_1293 = arith.constant 45 : index
    %swap3A_1294 = vector.load %arg4[%swap3A_1291, %swap3A_1292, %swap3A_1293] : memref<1x128x64xi32, #tpu.memory_space<vmem>>, vector<1x128x1xi32>
    %swap3A_1295 = vector.shape_cast %swap3A_1294 : vector<1x128x1xi32> to vector<128x1xi32>
    %swap3A_1296 = vector.shape_cast %convert_element_type3A_1290 : vector<128x1xi32> to vector<1x128x1xi32>
    tpu.vector_store %arg4[%swap3A_1291, %swap3A_1292, %swap3A_1293], %swap3A_1296 {strides = array<i32>} : memref<1x128x64xi32, #tpu.memory_space<vmem>>, vector<1x128x1xi32>,
    %eq3A_1297 = vector.broadcast %broadcast_in_dim3A_1285 : vector<128x1xf32> to vector<128x4096xf32>
    %eq3A_1298 = arith.cmpf oeq, %convert_element_type3A_69, %eq3A_1297 : vector<128x4096xf32>
    %jit3A_1299 = arith.constant 0x7F800000 : f32
    %broadcast_in_dim3A_1300 = vector.broadcast %jit3A_1299 : f32 to vector<128x4096xf32>
    %select_n3A_1301 = arith.select %eq3A_1298, %broadcast_in_dim3A_1300, %select_n3A_1274 : vector<128x4096xi1>, vector<128x4096xf32>
    %reduce_min3A_1302 = arith.constant dense<0x7F800000> : vector<128xf32>
    %reduce_min3A_1303 = vector.multi_reduction <minimumf>, %select_n3A_1301, %reduce_min3A_1302 [1] : vector<128x4096xf32> to vector<128xf32>
    %broadcast_in_dim3A_1304 = vector.shape_cast %reduce_min3A_1303 : vector<128xf32> to vector<128x1xf32>
    %eq3A_1305 = vector.broadcast %broadcast_in_dim3A_1304 : vector<128x1xf32> to vector<128x4096xf32>
    %eq3A_1306 = arith.cmpf oeq, %select_n3A_1301, %eq3A_1305 : vector<128x4096xf32>
    %jit3A_1307 = arith.constant 4.096000e+03 : f32
    %broadcast_in_dim3A_1308 = vector.broadcast %jit3A_1307 : f32 to vector<128x4096xf32>
    %select_n3A_1309 = arith.select %eq3A_1306, %convert_element_type3A_69, %broadcast_in_dim3A_1308 : vector<128x4096xi1>, vector<128x4096xf32>
    %reduce_min3A_1310 = arith.constant dense<0x7F800000> : vector<128xf32>
    %reduce_min3A_1311 = vector.multi_reduction <minimumf>, %select_n3A_1309, %reduce_min3A_1310 [1] : vector<128x4096xf32> to vector<128xf32>
    %broadcast_in_dim3A_1312 = vector.shape_cast %reduce_min3A_1311 : vector<128xf32> to vector<128x1xf32>
    %le3A_1313 = arith.constant 4.000000e-02 : f32
    %le3A_1314 = vector.broadcast %le3A_1313 : f32 to vector<128x1xf32>
    %le3A_1315 = arith.cmpf ole, %broadcast_in_dim3A_1304, %le3A_1314 : vector<128x1xf32>
    %select_n3A_1316 = arith.select %le3A_1315, %broadcast_in_dim3A_1312, %broadcast_in_dim3A_76 : vector<128x1xi1>, vector<128x1xf32>
    %convert_element_type3A_1317 = arith.fptosi %select_n3A_1316 : vector<128x1xf32> to vector<128x1xi32>
    %swap3A_1318 = arith.constant 0 : index
    %swap3A_1319 = arith.constant 0 : index
    %swap3A_1320 = arith.constant 46 : index
    %swap3A_1321 = vector.load %arg4[%swap3A_1318, %swap3A_1319, %swap3A_1320] : memref<1x128x64xi32, #tpu.memory_space<vmem>>, vector<1x128x1xi32>
    %swap3A_1322 = vector.shape_cast %swap3A_1321 : vector<1x128x1xi32> to vector<128x1xi32>
    %swap3A_1323 = vector.shape_cast %convert_element_type3A_1317 : vector<128x1xi32> to vector<1x128x1xi32>
    tpu.vector_store %arg4[%swap3A_1318, %swap3A_1319, %swap3A_1320], %swap3A_1323 {strides = array<i32>} : memref<1x128x64xi32, #tpu.memory_space<vmem>>, vector<1x128x1xi32>,
    %eq3A_1324 = vector.broadcast %broadcast_in_dim3A_1312 : vector<128x1xf32> to vector<128x4096xf32>
    %eq3A_1325 = arith.cmpf oeq, %convert_element_type3A_69, %eq3A_1324 : vector<128x4096xf32>
    %jit3A_1326 = arith.constant 0x7F800000 : f32
    %broadcast_in_dim3A_1327 = vector.broadcast %jit3A_1326 : f32 to vector<128x4096xf32>
    %select_n3A_1328 = arith.select %eq3A_1325, %broadcast_in_dim3A_1327, %select_n3A_1301 : vector<128x4096xi1>, vector<128x4096xf32>
    %reduce_min3A_1329 = arith.constant dense<0x7F800000> : vector<128xf32>
    %reduce_min3A_1330 = vector.multi_reduction <minimumf>, %select_n3A_1328, %reduce_min3A_1329 [1] : vector<128x4096xf32> to vector<128xf32>
    %broadcast_in_dim3A_1331 = vector.shape_cast %reduce_min3A_1330 : vector<128xf32> to vector<128x1xf32>
    %eq3A_1332 = vector.broadcast %broadcast_in_dim3A_1331 : vector<128x1xf32> to vector<128x4096xf32>
    %eq3A_1333 = arith.cmpf oeq, %select_n3A_1328, %eq3A_1332 : vector<128x4096xf32>
    %jit3A_1334 = arith.constant 4.096000e+03 : f32
    %broadcast_in_dim3A_1335 = vector.broadcast %jit3A_1334 : f32 to vector<128x4096xf32>
    %select_n3A_1336 = arith.select %eq3A_1333, %convert_element_type3A_69, %broadcast_in_dim3A_1335 : vector<128x4096xi1>, vector<128x4096xf32>
    %reduce_min3A_1337 = arith.constant dense<0x7F800000> : vector<128xf32>
    %reduce_min3A_1338 = vector.multi_reduction <minimumf>, %select_n3A_1336, %reduce_min3A_1337 [1] : vector<128x4096xf32> to vector<128xf32>
    %broadcast_in_dim3A_1339 = vector.shape_cast %reduce_min3A_1338 : vector<128xf32> to vector<128x1xf32>
    %le3A_1340 = arith.constant 4.000000e-02 : f32
    %le3A_1341 = vector.broadcast %le3A_1340 : f32 to vector<128x1xf32>
    %le3A_1342 = arith.cmpf ole, %broadcast_in_dim3A_1331, %le3A_1341 : vector<128x1xf32>
    %select_n3A_1343 = arith.select %le3A_1342, %broadcast_in_dim3A_1339, %broadcast_in_dim3A_76 : vector<128x1xi1>, vector<128x1xf32>
    %convert_element_type3A_1344 = arith.fptosi %select_n3A_1343 : vector<128x1xf32> to vector<128x1xi32>
    %swap3A_1345 = arith.constant 0 : index
    %swap3A_1346 = arith.constant 0 : index
    %swap3A_1347 = arith.constant 47 : index
    %swap3A_1348 = vector.load %arg4[%swap3A_1345, %swap3A_1346, %swap3A_1347] : memref<1x128x64xi32, #tpu.memory_space<vmem>>, vector<1x128x1xi32>
    %swap3A_1349 = vector.shape_cast %swap3A_1348 : vector<1x128x1xi32> to vector<128x1xi32>
    %swap3A_1350 = vector.shape_cast %convert_element_type3A_1344 : vector<128x1xi32> to vector<1x128x1xi32>
    tpu.vector_store %arg4[%swap3A_1345, %swap3A_1346, %swap3A_1347], %swap3A_1350 {strides = array<i32>} : memref<1x128x64xi32, #tpu.memory_space<vmem>>, vector<1x128x1xi32>,
    %eq3A_1351 = vector.broadcast %broadcast_in_dim3A_1339 : vector<128x1xf32> to vector<128x4096xf32>
    %eq3A_1352 = arith.cmpf oeq, %convert_element_type3A_69, %eq3A_1351 : vector<128x4096xf32>
    %jit3A_1353 = arith.constant 0x7F800000 : f32
    %broadcast_in_dim3A_1354 = vector.broadcast %jit3A_1353 : f32 to vector<128x4096xf32>
    %select_n3A_1355 = arith.select %eq3A_1352, %broadcast_in_dim3A_1354, %select_n3A_1328 : vector<128x4096xi1>, vector<128x4096xf32>
    %reduce_min3A_1356 = arith.constant dense<0x7F800000> : vector<128xf32>
    %reduce_min3A_1357 = vector.multi_reduction <minimumf>, %select_n3A_1355, %reduce_min3A_1356 [1] : vector<128x4096xf32> to vector<128xf32>
    %broadcast_in_dim3A_1358 = vector.shape_cast %reduce_min3A_1357 : vector<128xf32> to vector<128x1xf32>
    %eq3A_1359 = vector.broadcast %broadcast_in_dim3A_1358 : vector<128x1xf32> to vector<128x4096xf32>
    %eq3A_1360 = arith.cmpf oeq, %select_n3A_1355, %eq3A_1359 : vector<128x4096xf32>
    %jit3A_1361 = arith.constant 4.096000e+03 : f32
    %broadcast_in_dim3A_1362 = vector.broadcast %jit3A_1361 : f32 to vector<128x4096xf32>
    %select_n3A_1363 = arith.select %eq3A_1360, %convert_element_type3A_69, %broadcast_in_dim3A_1362 : vector<128x4096xi1>, vector<128x4096xf32>
    %reduce_min3A_1364 = arith.constant dense<0x7F800000> : vector<128xf32>
    %reduce_min3A_1365 = vector.multi_reduction <minimumf>, %select_n3A_1363, %reduce_min3A_1364 [1] : vector<128x4096xf32> to vector<128xf32>
    %broadcast_in_dim3A_1366 = vector.shape_cast %reduce_min3A_1365 : vector<128xf32> to vector<128x1xf32>
    %le3A_1367 = arith.constant 4.000000e-02 : f32
    %le3A_1368 = vector.broadcast %le3A_1367 : f32 to vector<128x1xf32>
    %le3A_1369 = arith.cmpf ole, %broadcast_in_dim3A_1358, %le3A_1368 : vector<128x1xf32>
    %select_n3A_1370 = arith.select %le3A_1369, %broadcast_in_dim3A_1366, %broadcast_in_dim3A_76 : vector<128x1xi1>, vector<128x1xf32>
    %convert_element_type3A_1371 = arith.fptosi %select_n3A_1370 : vector<128x1xf32> to vector<128x1xi32>
    %swap3A_1372 = arith.constant 0 : index
    %swap3A_1373 = arith.constant 0 : index
    %swap3A_1374 = arith.constant 48 : index
    %swap3A_1375 = vector.load %arg4[%swap3A_1372, %swap3A_1373, %swap3A_1374] : memref<1x128x64xi32, #tpu.memory_space<vmem>>, vector<1x128x1xi32>
    %swap3A_1376 = vector.shape_cast %swap3A_1375 : vector<1x128x1xi32> to vector<128x1xi32>
    %swap3A_1377 = vector.shape_cast %convert_element_type3A_1371 : vector<128x1xi32> to vector<1x128x1xi32>
    tpu.vector_store %arg4[%swap3A_1372, %swap3A_1373, %swap3A_1374], %swap3A_1377 {strides = array<i32>} : memref<1x128x64xi32, #tpu.memory_space<vmem>>, vector<1x128x1xi32>,
    %eq3A_1378 = vector.broadcast %broadcast_in_dim3A_1366 : vector<128x1xf32> to vector<128x4096xf32>
    %eq3A_1379 = arith.cmpf oeq, %convert_element_type3A_69, %eq3A_1378 : vector<128x4096xf32>
    %jit3A_1380 = arith.constant 0x7F800000 : f32
    %broadcast_in_dim3A_1381 = vector.broadcast %jit3A_1380 : f32 to vector<128x4096xf32>
    %select_n3A_1382 = arith.select %eq3A_1379, %broadcast_in_dim3A_1381, %select_n3A_1355 : vector<128x4096xi1>, vector<128x4096xf32>
    %reduce_min3A_1383 = arith.constant dense<0x7F800000> : vector<128xf32>
    %reduce_min3A_1384 = vector.multi_reduction <minimumf>, %select_n3A_1382, %reduce_min3A_1383 [1] : vector<128x4096xf32> to vector<128xf32>
    %broadcast_in_dim3A_1385 = vector.shape_cast %reduce_min3A_1384 : vector<128xf32> to vector<128x1xf32>
    %eq3A_1386 = vector.broadcast %broadcast_in_dim3A_1385 : vector<128x1xf32> to vector<128x4096xf32>
    %eq3A_1387 = arith.cmpf oeq, %select_n3A_1382, %eq3A_1386 : vector<128x4096xf32>
    %jit3A_1388 = arith.constant 4.096000e+03 : f32
    %broadcast_in_dim3A_1389 = vector.broadcast %jit3A_1388 : f32 to vector<128x4096xf32>
    %select_n3A_1390 = arith.select %eq3A_1387, %convert_element_type3A_69, %broadcast_in_dim3A_1389 : vector<128x4096xi1>, vector<128x4096xf32>
    %reduce_min3A_1391 = arith.constant dense<0x7F800000> : vector<128xf32>
    %reduce_min3A_1392 = vector.multi_reduction <minimumf>, %select_n3A_1390, %reduce_min3A_1391 [1] : vector<128x4096xf32> to vector<128xf32>
    %broadcast_in_dim3A_1393 = vector.shape_cast %reduce_min3A_1392 : vector<128xf32> to vector<128x1xf32>
    %le3A_1394 = arith.constant 4.000000e-02 : f32
    %le3A_1395 = vector.broadcast %le3A_1394 : f32 to vector<128x1xf32>
    %le3A_1396 = arith.cmpf ole, %broadcast_in_dim3A_1385, %le3A_1395 : vector<128x1xf32>
    %select_n3A_1397 = arith.select %le3A_1396, %broadcast_in_dim3A_1393, %broadcast_in_dim3A_76 : vector<128x1xi1>, vector<128x1xf32>
    %convert_element_type3A_1398 = arith.fptosi %select_n3A_1397 : vector<128x1xf32> to vector<128x1xi32>
    %swap3A_1399 = arith.constant 0 : index
    %swap3A_1400 = arith.constant 0 : index
    %swap3A_1401 = arith.constant 49 : index
    %swap3A_1402 = vector.load %arg4[%swap3A_1399, %swap3A_1400, %swap3A_1401] : memref<1x128x64xi32, #tpu.memory_space<vmem>>, vector<1x128x1xi32>
    %swap3A_1403 = vector.shape_cast %swap3A_1402 : vector<1x128x1xi32> to vector<128x1xi32>
    %swap3A_1404 = vector.shape_cast %convert_element_type3A_1398 : vector<128x1xi32> to vector<1x128x1xi32>
    tpu.vector_store %arg4[%swap3A_1399, %swap3A_1400, %swap3A_1401], %swap3A_1404 {strides = array<i32>} : memref<1x128x64xi32, #tpu.memory_space<vmem>>, vector<1x128x1xi32>,
    %eq3A_1405 = vector.broadcast %broadcast_in_dim3A_1393 : vector<128x1xf32> to vector<128x4096xf32>
    %eq3A_1406 = arith.cmpf oeq, %convert_element_type3A_69, %eq3A_1405 : vector<128x4096xf32>
    %jit3A_1407 = arith.constant 0x7F800000 : f32
    %broadcast_in_dim3A_1408 = vector.broadcast %jit3A_1407 : f32 to vector<128x4096xf32>
    %select_n3A_1409 = arith.select %eq3A_1406, %broadcast_in_dim3A_1408, %select_n3A_1382 : vector<128x4096xi1>, vector<128x4096xf32>
    %reduce_min3A_1410 = arith.constant dense<0x7F800000> : vector<128xf32>
    %reduce_min3A_1411 = vector.multi_reduction <minimumf>, %select_n3A_1409, %reduce_min3A_1410 [1] : vector<128x4096xf32> to vector<128xf32>
    %broadcast_in_dim3A_1412 = vector.shape_cast %reduce_min3A_1411 : vector<128xf32> to vector<128x1xf32>
    %eq3A_1413 = vector.broadcast %broadcast_in_dim3A_1412 : vector<128x1xf32> to vector<128x4096xf32>
    %eq3A_1414 = arith.cmpf oeq, %select_n3A_1409, %eq3A_1413 : vector<128x4096xf32>
    %jit3A_1415 = arith.constant 4.096000e+03 : f32
    %broadcast_in_dim3A_1416 = vector.broadcast %jit3A_1415 : f32 to vector<128x4096xf32>
    %select_n3A_1417 = arith.select %eq3A_1414, %convert_element_type3A_69, %broadcast_in_dim3A_1416 : vector<128x4096xi1>, vector<128x4096xf32>
    %reduce_min3A_1418 = arith.constant dense<0x7F800000> : vector<128xf32>
    %reduce_min3A_1419 = vector.multi_reduction <minimumf>, %select_n3A_1417, %reduce_min3A_1418 [1] : vector<128x4096xf32> to vector<128xf32>
    %broadcast_in_dim3A_1420 = vector.shape_cast %reduce_min3A_1419 : vector<128xf32> to vector<128x1xf32>
    %le3A_1421 = arith.constant 4.000000e-02 : f32
    %le3A_1422 = vector.broadcast %le3A_1421 : f32 to vector<128x1xf32>
    %le3A_1423 = arith.cmpf ole, %broadcast_in_dim3A_1412, %le3A_1422 : vector<128x1xf32>
    %select_n3A_1424 = arith.select %le3A_1423, %broadcast_in_dim3A_1420, %broadcast_in_dim3A_76 : vector<128x1xi1>, vector<128x1xf32>
    %convert_element_type3A_1425 = arith.fptosi %select_n3A_1424 : vector<128x1xf32> to vector<128x1xi32>
    %swap3A_1426 = arith.constant 0 : index
    %swap3A_1427 = arith.constant 0 : index
    %swap3A_1428 = arith.constant 50 : index
    %swap3A_1429 = vector.load %arg4[%swap3A_1426, %swap3A_1427, %swap3A_1428] : memref<1x128x64xi32, #tpu.memory_space<vmem>>, vector<1x128x1xi32>
    %swap3A_1430 = vector.shape_cast %swap3A_1429 : vector<1x128x1xi32> to vector<128x1xi32>
    %swap3A_1431 = vector.shape_cast %convert_element_type3A_1425 : vector<128x1xi32> to vector<1x128x1xi32>
    tpu.vector_store %arg4[%swap3A_1426, %swap3A_1427, %swap3A_1428], %swap3A_1431 {strides = array<i32>} : memref<1x128x64xi32, #tpu.memory_space<vmem>>, vector<1x128x1xi32>,
    %eq3A_1432 = vector.broadcast %broadcast_in_dim3A_1420 : vector<128x1xf32> to vector<128x4096xf32>
    %eq3A_1433 = arith.cmpf oeq, %convert_element_type3A_69, %eq3A_1432 : vector<128x4096xf32>
    %jit3A_1434 = arith.constant 0x7F800000 : f32
    %broadcast_in_dim3A_1435 = vector.broadcast %jit3A_1434 : f32 to vector<128x4096xf32>
    %select_n3A_1436 = arith.select %eq3A_1433, %broadcast_in_dim3A_1435, %select_n3A_1409 : vector<128x4096xi1>, vector<128x4096xf32>
    %reduce_min3A_1437 = arith.constant dense<0x7F800000> : vector<128xf32>
    %reduce_min3A_1438 = vector.multi_reduction <minimumf>, %select_n3A_1436, %reduce_min3A_1437 [1] : vector<128x4096xf32> to vector<128xf32>
    %broadcast_in_dim3A_1439 = vector.shape_cast %reduce_min3A_1438 : vector<128xf32> to vector<128x1xf32>
    %eq3A_1440 = vector.broadcast %broadcast_in_dim3A_1439 : vector<128x1xf32> to vector<128x4096xf32>
    %eq3A_1441 = arith.cmpf oeq, %select_n3A_1436, %eq3A_1440 : vector<128x4096xf32>
    %jit3A_1442 = arith.constant 4.096000e+03 : f32
    %broadcast_in_dim3A_1443 = vector.broadcast %jit3A_1442 : f32 to vector<128x4096xf32>
    %select_n3A_1444 = arith.select %eq3A_1441, %convert_element_type3A_69, %broadcast_in_dim3A_1443 : vector<128x4096xi1>, vector<128x4096xf32>
    %reduce_min3A_1445 = arith.constant dense<0x7F800000> : vector<128xf32>
    %reduce_min3A_1446 = vector.multi_reduction <minimumf>, %select_n3A_1444, %reduce_min3A_1445 [1] : vector<128x4096xf32> to vector<128xf32>
    %broadcast_in_dim3A_1447 = vector.shape_cast %reduce_min3A_1446 : vector<128xf32> to vector<128x1xf32>
    %le3A_1448 = arith.constant 4.000000e-02 : f32
    %le3A_1449 = vector.broadcast %le3A_1448 : f32 to vector<128x1xf32>
    %le3A_1450 = arith.cmpf ole, %broadcast_in_dim3A_1439, %le3A_1449 : vector<128x1xf32>
    %select_n3A_1451 = arith.select %le3A_1450, %broadcast_in_dim3A_1447, %broadcast_in_dim3A_76 : vector<128x1xi1>, vector<128x1xf32>
    %convert_element_type3A_1452 = arith.fptosi %select_n3A_1451 : vector<128x1xf32> to vector<128x1xi32>
    %swap3A_1453 = arith.constant 0 : index
    %swap3A_1454 = arith.constant 0 : index
    %swap3A_1455 = arith.constant 51 : index
    %swap3A_1456 = vector.load %arg4[%swap3A_1453, %swap3A_1454, %swap3A_1455] : memref<1x128x64xi32, #tpu.memory_space<vmem>>, vector<1x128x1xi32>
    %swap3A_1457 = vector.shape_cast %swap3A_1456 : vector<1x128x1xi32> to vector<128x1xi32>
    %swap3A_1458 = vector.shape_cast %convert_element_type3A_1452 : vector<128x1xi32> to vector<1x128x1xi32>
    tpu.vector_store %arg4[%swap3A_1453, %swap3A_1454, %swap3A_1455], %swap3A_1458 {strides = array<i32>} : memref<1x128x64xi32, #tpu.memory_space<vmem>>, vector<1x128x1xi32>,
    %eq3A_1459 = vector.broadcast %broadcast_in_dim3A_1447 : vector<128x1xf32> to vector<128x4096xf32>
    %eq3A_1460 = arith.cmpf oeq, %convert_element_type3A_69, %eq3A_1459 : vector<128x4096xf32>
    %jit3A_1461 = arith.constant 0x7F800000 : f32
    %broadcast_in_dim3A_1462 = vector.broadcast %jit3A_1461 : f32 to vector<128x4096xf32>
    %select_n3A_1463 = arith.select %eq3A_1460, %broadcast_in_dim3A_1462, %select_n3A_1436 : vector<128x4096xi1>, vector<128x4096xf32>
    %reduce_min3A_1464 = arith.constant dense<0x7F800000> : vector<128xf32>
    %reduce_min3A_1465 = vector.multi_reduction <minimumf>, %select_n3A_1463, %reduce_min3A_1464 [1] : vector<128x4096xf32> to vector<128xf32>
    %broadcast_in_dim3A_1466 = vector.shape_cast %reduce_min3A_1465 : vector<128xf32> to vector<128x1xf32>
    %eq3A_1467 = vector.broadcast %broadcast_in_dim3A_1466 : vector<128x1xf32> to vector<128x4096xf32>
    %eq3A_1468 = arith.cmpf oeq, %select_n3A_1463, %eq3A_1467 : vector<128x4096xf32>
    %jit3A_1469 = arith.constant 4.096000e+03 : f32
    %broadcast_in_dim3A_1470 = vector.broadcast %jit3A_1469 : f32 to vector<128x4096xf32>
    %select_n3A_1471 = arith.select %eq3A_1468, %convert_element_type3A_69, %broadcast_in_dim3A_1470 : vector<128x4096xi1>, vector<128x4096xf32>
    %reduce_min3A_1472 = arith.constant dense<0x7F800000> : vector<128xf32>
    %reduce_min3A_1473 = vector.multi_reduction <minimumf>, %select_n3A_1471, %reduce_min3A_1472 [1] : vector<128x4096xf32> to vector<128xf32>
    %broadcast_in_dim3A_1474 = vector.shape_cast %reduce_min3A_1473 : vector<128xf32> to vector<128x1xf32>
    %le3A_1475 = arith.constant 4.000000e-02 : f32
    %le3A_1476 = vector.broadcast %le3A_1475 : f32 to vector<128x1xf32>
    %le3A_1477 = arith.cmpf ole, %broadcast_in_dim3A_1466, %le3A_1476 : vector<128x1xf32>
    %select_n3A_1478 = arith.select %le3A_1477, %broadcast_in_dim3A_1474, %broadcast_in_dim3A_76 : vector<128x1xi1>, vector<128x1xf32>
    %convert_element_type3A_1479 = arith.fptosi %select_n3A_1478 : vector<128x1xf32> to vector<128x1xi32>
    %swap3A_1480 = arith.constant 0 : index
    %swap3A_1481 = arith.constant 0 : index
    %swap3A_1482 = arith.constant 52 : index
    %swap3A_1483 = vector.load %arg4[%swap3A_1480, %swap3A_1481, %swap3A_1482] : memref<1x128x64xi32, #tpu.memory_space<vmem>>, vector<1x128x1xi32>
    %swap3A_1484 = vector.shape_cast %swap3A_1483 : vector<1x128x1xi32> to vector<128x1xi32>
    %swap3A_1485 = vector.shape_cast %convert_element_type3A_1479 : vector<128x1xi32> to vector<1x128x1xi32>
    tpu.vector_store %arg4[%swap3A_1480, %swap3A_1481, %swap3A_1482], %swap3A_1485 {strides = array<i32>} : memref<1x128x64xi32, #tpu.memory_space<vmem>>, vector<1x128x1xi32>,
    %eq3A_1486 = vector.broadcast %broadcast_in_dim3A_1474 : vector<128x1xf32> to vector<128x4096xf32>
    %eq3A_1487 = arith.cmpf oeq, %convert_element_type3A_69, %eq3A_1486 : vector<128x4096xf32>
    %jit3A_1488 = arith.constant 0x7F800000 : f32
    %broadcast_in_dim3A_1489 = vector.broadcast %jit3A_1488 : f32 to vector<128x4096xf32>
    %select_n3A_1490 = arith.select %eq3A_1487, %broadcast_in_dim3A_1489, %select_n3A_1463 : vector<128x4096xi1>, vector<128x4096xf32>
    %reduce_min3A_1491 = arith.constant dense<0x7F800000> : vector<128xf32>
    %reduce_min3A_1492 = vector.multi_reduction <minimumf>, %select_n3A_1490, %reduce_min3A_1491 [1] : vector<128x4096xf32> to vector<128xf32>
    %broadcast_in_dim3A_1493 = vector.shape_cast %reduce_min3A_1492 : vector<128xf32> to vector<128x1xf32>
    %eq3A_1494 = vector.broadcast %broadcast_in_dim3A_1493 : vector<128x1xf32> to vector<128x4096xf32>
    %eq3A_1495 = arith.cmpf oeq, %select_n3A_1490, %eq3A_1494 : vector<128x4096xf32>
    %jit3A_1496 = arith.constant 4.096000e+03 : f32
    %broadcast_in_dim3A_1497 = vector.broadcast %jit3A_1496 : f32 to vector<128x4096xf32>
    %select_n3A_1498 = arith.select %eq3A_1495, %convert_element_type3A_69, %broadcast_in_dim3A_1497 : vector<128x4096xi1>, vector<128x4096xf32>
    %reduce_min3A_1499 = arith.constant dense<0x7F800000> : vector<128xf32>
    %reduce_min3A_1500 = vector.multi_reduction <minimumf>, %select_n3A_1498, %reduce_min3A_1499 [1] : vector<128x4096xf32> to vector<128xf32>
    %broadcast_in_dim3A_1501 = vector.shape_cast %reduce_min3A_1500 : vector<128xf32> to vector<128x1xf32>
    %le3A_1502 = arith.constant 4.000000e-02 : f32
    %le3A_1503 = vector.broadcast %le3A_1502 : f32 to vector<128x1xf32>
    %le3A_1504 = arith.cmpf ole, %broadcast_in_dim3A_1493, %le3A_1503 : vector<128x1xf32>
    %select_n3A_1505 = arith.select %le3A_1504, %broadcast_in_dim3A_1501, %broadcast_in_dim3A_76 : vector<128x1xi1>, vector<128x1xf32>
    %convert_element_type3A_1506 = arith.fptosi %select_n3A_1505 : vector<128x1xf32> to vector<128x1xi32>
    %swap3A_1507 = arith.constant 0 : index
    %swap3A_1508 = arith.constant 0 : index
    %swap3A_1509 = arith.constant 53 : index
    %swap3A_1510 = vector.load %arg4[%swap3A_1507, %swap3A_1508, %swap3A_1509] : memref<1x128x64xi32, #tpu.memory_space<vmem>>, vector<1x128x1xi32>
    %swap3A_1511 = vector.shape_cast %swap3A_1510 : vector<1x128x1xi32> to vector<128x1xi32>
    %swap3A_1512 = vector.shape_cast %convert_element_type3A_1506 : vector<128x1xi32> to vector<1x128x1xi32>
    tpu.vector_store %arg4[%swap3A_1507, %swap3A_1508, %swap3A_1509], %swap3A_1512 {strides = array<i32>} : memref<1x128x64xi32, #tpu.memory_space<vmem>>, vector<1x128x1xi32>,
    %eq3A_1513 = vector.broadcast %broadcast_in_dim3A_1501 : vector<128x1xf32> to vector<128x4096xf32>
    %eq3A_1514 = arith.cmpf oeq, %convert_element_type3A_69, %eq3A_1513 : vector<128x4096xf32>
    %jit3A_1515 = arith.constant 0x7F800000 : f32
    %broadcast_in_dim3A_1516 = vector.broadcast %jit3A_1515 : f32 to vector<128x4096xf32>
    %select_n3A_1517 = arith.select %eq3A_1514, %broadcast_in_dim3A_1516, %select_n3A_1490 : vector<128x4096xi1>, vector<128x4096xf32>
    %reduce_min3A_1518 = arith.constant dense<0x7F800000> : vector<128xf32>
    %reduce_min3A_1519 = vector.multi_reduction <minimumf>, %select_n3A_1517, %reduce_min3A_1518 [1] : vector<128x4096xf32> to vector<128xf32>
    %broadcast_in_dim3A_1520 = vector.shape_cast %reduce_min3A_1519 : vector<128xf32> to vector<128x1xf32>
    %eq3A_1521 = vector.broadcast %broadcast_in_dim3A_1520 : vector<128x1xf32> to vector<128x4096xf32>
    %eq3A_1522 = arith.cmpf oeq, %select_n3A_1517, %eq3A_1521 : vector<128x4096xf32>
    %jit3A_1523 = arith.constant 4.096000e+03 : f32
    %broadcast_in_dim3A_1524 = vector.broadcast %jit3A_1523 : f32 to vector<128x4096xf32>
    %select_n3A_1525 = arith.select %eq3A_1522, %convert_element_type3A_69, %broadcast_in_dim3A_1524 : vector<128x4096xi1>, vector<128x4096xf32>
    %reduce_min3A_1526 = arith.constant dense<0x7F800000> : vector<128xf32>
    %reduce_min3A_1527 = vector.multi_reduction <minimumf>, %select_n3A_1525, %reduce_min3A_1526 [1] : vector<128x4096xf32> to vector<128xf32>
    %broadcast_in_dim3A_1528 = vector.shape_cast %reduce_min3A_1527 : vector<128xf32> to vector<128x1xf32>
    %le3A_1529 = arith.constant 4.000000e-02 : f32
    %le3A_1530 = vector.broadcast %le3A_1529 : f32 to vector<128x1xf32>
    %le3A_1531 = arith.cmpf ole, %broadcast_in_dim3A_1520, %le3A_1530 : vector<128x1xf32>
    %select_n3A_1532 = arith.select %le3A_1531, %broadcast_in_dim3A_1528, %broadcast_in_dim3A_76 : vector<128x1xi1>, vector<128x1xf32>
    %convert_element_type3A_1533 = arith.fptosi %select_n3A_1532 : vector<128x1xf32> to vector<128x1xi32>
    %swap3A_1534 = arith.constant 0 : index
    %swap3A_1535 = arith.constant 0 : index
    %swap3A_1536 = arith.constant 54 : index
    %swap3A_1537 = vector.load %arg4[%swap3A_1534, %swap3A_1535, %swap3A_1536] : memref<1x128x64xi32, #tpu.memory_space<vmem>>, vector<1x128x1xi32>
    %swap3A_1538 = vector.shape_cast %swap3A_1537 : vector<1x128x1xi32> to vector<128x1xi32>
    %swap3A_1539 = vector.shape_cast %convert_element_type3A_1533 : vector<128x1xi32> to vector<1x128x1xi32>
    tpu.vector_store %arg4[%swap3A_1534, %swap3A_1535, %swap3A_1536], %swap3A_1539 {strides = array<i32>} : memref<1x128x64xi32, #tpu.memory_space<vmem>>, vector<1x128x1xi32>,
    %eq3A_1540 = vector.broadcast %broadcast_in_dim3A_1528 : vector<128x1xf32> to vector<128x4096xf32>
    %eq3A_1541 = arith.cmpf oeq, %convert_element_type3A_69, %eq3A_1540 : vector<128x4096xf32>
    %jit3A_1542 = arith.constant 0x7F800000 : f32
    %broadcast_in_dim3A_1543 = vector.broadcast %jit3A_1542 : f32 to vector<128x4096xf32>
    %select_n3A_1544 = arith.select %eq3A_1541, %broadcast_in_dim3A_1543, %select_n3A_1517 : vector<128x4096xi1>, vector<128x4096xf32>
    %reduce_min3A_1545 = arith.constant dense<0x7F800000> : vector<128xf32>
    %reduce_min3A_1546 = vector.multi_reduction <minimumf>, %select_n3A_1544, %reduce_min3A_1545 [1] : vector<128x4096xf32> to vector<128xf32>
    %broadcast_in_dim3A_1547 = vector.shape_cast %reduce_min3A_1546 : vector<128xf32> to vector<128x1xf32>
    %eq3A_1548 = vector.broadcast %broadcast_in_dim3A_1547 : vector<128x1xf32> to vector<128x4096xf32>
    %eq3A_1549 = arith.cmpf oeq, %select_n3A_1544, %eq3A_1548 : vector<128x4096xf32>
    %jit3A_1550 = arith.constant 4.096000e+03 : f32
    %broadcast_in_dim3A_1551 = vector.broadcast %jit3A_1550 : f32 to vector<128x4096xf32>
    %select_n3A_1552 = arith.select %eq3A_1549, %convert_element_type3A_69, %broadcast_in_dim3A_1551 : vector<128x4096xi1>, vector<128x4096xf32>
    %reduce_min3A_1553 = arith.constant dense<0x7F800000> : vector<128xf32>
    %reduce_min3A_1554 = vector.multi_reduction <minimumf>, %select_n3A_1552, %reduce_min3A_1553 [1] : vector<128x4096xf32> to vector<128xf32>
    %broadcast_in_dim3A_1555 = vector.shape_cast %reduce_min3A_1554 : vector<128xf32> to vector<128x1xf32>
    %le3A_1556 = arith.constant 4.000000e-02 : f32
    %le3A_1557 = vector.broadcast %le3A_1556 : f32 to vector<128x1xf32>
    %le3A_1558 = arith.cmpf ole, %broadcast_in_dim3A_1547, %le3A_1557 : vector<128x1xf32>
    %select_n3A_1559 = arith.select %le3A_1558, %broadcast_in_dim3A_1555, %broadcast_in_dim3A_76 : vector<128x1xi1>, vector<128x1xf32>
    %convert_element_type3A_1560 = arith.fptosi %select_n3A_1559 : vector<128x1xf32> to vector<128x1xi32>
    %swap3A_1561 = arith.constant 0 : index
    %swap3A_1562 = arith.constant 0 : index
    %swap3A_1563 = arith.constant 55 : index
    %swap3A_1564 = vector.load %arg4[%swap3A_1561, %swap3A_1562, %swap3A_1563] : memref<1x128x64xi32, #tpu.memory_space<vmem>>, vector<1x128x1xi32>
    %swap3A_1565 = vector.shape_cast %swap3A_1564 : vector<1x128x1xi32> to vector<128x1xi32>
    %swap3A_1566 = vector.shape_cast %convert_element_type3A_1560 : vector<128x1xi32> to vector<1x128x1xi32>
    tpu.vector_store %arg4[%swap3A_1561, %swap3A_1562, %swap3A_1563], %swap3A_1566 {strides = array<i32>} : memref<1x128x64xi32, #tpu.memory_space<vmem>>, vector<1x128x1xi32>,
    %eq3A_1567 = vector.broadcast %broadcast_in_dim3A_1555 : vector<128x1xf32> to vector<128x4096xf32>
    %eq3A_1568 = arith.cmpf oeq, %convert_element_type3A_69, %eq3A_1567 : vector<128x4096xf32>
    %jit3A_1569 = arith.constant 0x7F800000 : f32
    %broadcast_in_dim3A_1570 = vector.broadcast %jit3A_1569 : f32 to vector<128x4096xf32>
    %select_n3A_1571 = arith.select %eq3A_1568, %broadcast_in_dim3A_1570, %select_n3A_1544 : vector<128x4096xi1>, vector<128x4096xf32>
    %reduce_min3A_1572 = arith.constant dense<0x7F800000> : vector<128xf32>
    %reduce_min3A_1573 = vector.multi_reduction <minimumf>, %select_n3A_1571, %reduce_min3A_1572 [1] : vector<128x4096xf32> to vector<128xf32>
    %broadcast_in_dim3A_1574 = vector.shape_cast %reduce_min3A_1573 : vector<128xf32> to vector<128x1xf32>
    %eq3A_1575 = vector.broadcast %broadcast_in_dim3A_1574 : vector<128x1xf32> to vector<128x4096xf32>
    %eq3A_1576 = arith.cmpf oeq, %select_n3A_1571, %eq3A_1575 : vector<128x4096xf32>
    %jit3A_1577 = arith.constant 4.096000e+03 : f32
    %broadcast_in_dim3A_1578 = vector.broadcast %jit3A_1577 : f32 to vector<128x4096xf32>
    %select_n3A_1579 = arith.select %eq3A_1576, %convert_element_type3A_69, %broadcast_in_dim3A_1578 : vector<128x4096xi1>, vector<128x4096xf32>
    %reduce_min3A_1580 = arith.constant dense<0x7F800000> : vector<128xf32>
    %reduce_min3A_1581 = vector.multi_reduction <minimumf>, %select_n3A_1579, %reduce_min3A_1580 [1] : vector<128x4096xf32> to vector<128xf32>
    %broadcast_in_dim3A_1582 = vector.shape_cast %reduce_min3A_1581 : vector<128xf32> to vector<128x1xf32>
    %le3A_1583 = arith.constant 4.000000e-02 : f32
    %le3A_1584 = vector.broadcast %le3A_1583 : f32 to vector<128x1xf32>
    %le3A_1585 = arith.cmpf ole, %broadcast_in_dim3A_1574, %le3A_1584 : vector<128x1xf32>
    %select_n3A_1586 = arith.select %le3A_1585, %broadcast_in_dim3A_1582, %broadcast_in_dim3A_76 : vector<128x1xi1>, vector<128x1xf32>
    %convert_element_type3A_1587 = arith.fptosi %select_n3A_1586 : vector<128x1xf32> to vector<128x1xi32>
    %swap3A_1588 = arith.constant 0 : index
    %swap3A_1589 = arith.constant 0 : index
    %swap3A_1590 = arith.constant 56 : index
    %swap3A_1591 = vector.load %arg4[%swap3A_1588, %swap3A_1589, %swap3A_1590] : memref<1x128x64xi32, #tpu.memory_space<vmem>>, vector<1x128x1xi32>
    %swap3A_1592 = vector.shape_cast %swap3A_1591 : vector<1x128x1xi32> to vector<128x1xi32>
    %swap3A_1593 = vector.shape_cast %convert_element_type3A_1587 : vector<128x1xi32> to vector<1x128x1xi32>
    tpu.vector_store %arg4[%swap3A_1588, %swap3A_1589, %swap3A_1590], %swap3A_1593 {strides = array<i32>} : memref<1x128x64xi32, #tpu.memory_space<vmem>>, vector<1x128x1xi32>,
    %eq3A_1594 = vector.broadcast %broadcast_in_dim3A_1582 : vector<128x1xf32> to vector<128x4096xf32>
    %eq3A_1595 = arith.cmpf oeq, %convert_element_type3A_69, %eq3A_1594 : vector<128x4096xf32>
    %jit3A_1596 = arith.constant 0x7F800000 : f32
    %broadcast_in_dim3A_1597 = vector.broadcast %jit3A_1596 : f32 to vector<128x4096xf32>
    %select_n3A_1598 = arith.select %eq3A_1595, %broadcast_in_dim3A_1597, %select_n3A_1571 : vector<128x4096xi1>, vector<128x4096xf32>
    %reduce_min3A_1599 = arith.constant dense<0x7F800000> : vector<128xf32>
    %reduce_min3A_1600 = vector.multi_reduction <minimumf>, %select_n3A_1598, %reduce_min3A_1599 [1] : vector<128x4096xf32> to vector<128xf32>
    %broadcast_in_dim3A_1601 = vector.shape_cast %reduce_min3A_1600 : vector<128xf32> to vector<128x1xf32>
    %eq3A_1602 = vector.broadcast %broadcast_in_dim3A_1601 : vector<128x1xf32> to vector<128x4096xf32>
    %eq3A_1603 = arith.cmpf oeq, %select_n3A_1598, %eq3A_1602 : vector<128x4096xf32>
    %jit3A_1604 = arith.constant 4.096000e+03 : f32
    %broadcast_in_dim3A_1605 = vector.broadcast %jit3A_1604 : f32 to vector<128x4096xf32>
    %select_n3A_1606 = arith.select %eq3A_1603, %convert_element_type3A_69, %broadcast_in_dim3A_1605 : vector<128x4096xi1>, vector<128x4096xf32>
    %reduce_min3A_1607 = arith.constant dense<0x7F800000> : vector<128xf32>
    %reduce_min3A_1608 = vector.multi_reduction <minimumf>, %select_n3A_1606, %reduce_min3A_1607 [1] : vector<128x4096xf32> to vector<128xf32>
    %broadcast_in_dim3A_1609 = vector.shape_cast %reduce_min3A_1608 : vector<128xf32> to vector<128x1xf32>
    %le3A_1610 = arith.constant 4.000000e-02 : f32
    %le3A_1611 = vector.broadcast %le3A_1610 : f32 to vector<128x1xf32>
    %le3A_1612 = arith.cmpf ole, %broadcast_in_dim3A_1601, %le3A_1611 : vector<128x1xf32>
    %select_n3A_1613 = arith.select %le3A_1612, %broadcast_in_dim3A_1609, %broadcast_in_dim3A_76 : vector<128x1xi1>, vector<128x1xf32>
    %convert_element_type3A_1614 = arith.fptosi %select_n3A_1613 : vector<128x1xf32> to vector<128x1xi32>
    %swap3A_1615 = arith.constant 0 : index
    %swap3A_1616 = arith.constant 0 : index
    %swap3A_1617 = arith.constant 57 : index
    %swap3A_1618 = vector.load %arg4[%swap3A_1615, %swap3A_1616, %swap3A_1617] : memref<1x128x64xi32, #tpu.memory_space<vmem>>, vector<1x128x1xi32>
    %swap3A_1619 = vector.shape_cast %swap3A_1618 : vector<1x128x1xi32> to vector<128x1xi32>
    %swap3A_1620 = vector.shape_cast %convert_element_type3A_1614 : vector<128x1xi32> to vector<1x128x1xi32>
    tpu.vector_store %arg4[%swap3A_1615, %swap3A_1616, %swap3A_1617], %swap3A_1620 {strides = array<i32>} : memref<1x128x64xi32, #tpu.memory_space<vmem>>, vector<1x128x1xi32>,
    %eq3A_1621 = vector.broadcast %broadcast_in_dim3A_1609 : vector<128x1xf32> to vector<128x4096xf32>
    %eq3A_1622 = arith.cmpf oeq, %convert_element_type3A_69, %eq3A_1621 : vector<128x4096xf32>
    %jit3A_1623 = arith.constant 0x7F800000 : f32
    %broadcast_in_dim3A_1624 = vector.broadcast %jit3A_1623 : f32 to vector<128x4096xf32>
    %select_n3A_1625 = arith.select %eq3A_1622, %broadcast_in_dim3A_1624, %select_n3A_1598 : vector<128x4096xi1>, vector<128x4096xf32>
    %reduce_min3A_1626 = arith.constant dense<0x7F800000> : vector<128xf32>
    %reduce_min3A_1627 = vector.multi_reduction <minimumf>, %select_n3A_1625, %reduce_min3A_1626 [1] : vector<128x4096xf32> to vector<128xf32>
    %broadcast_in_dim3A_1628 = vector.shape_cast %reduce_min3A_1627 : vector<128xf32> to vector<128x1xf32>
    %eq3A_1629 = vector.broadcast %broadcast_in_dim3A_1628 : vector<128x1xf32> to vector<128x4096xf32>
    %eq3A_1630 = arith.cmpf oeq, %select_n3A_1625, %eq3A_1629 : vector<128x4096xf32>
    %jit3A_1631 = arith.constant 4.096000e+03 : f32
    %broadcast_in_dim3A_1632 = vector.broadcast %jit3A_1631 : f32 to vector<128x4096xf32>
    %select_n3A_1633 = arith.select %eq3A_1630, %convert_element_type3A_69, %broadcast_in_dim3A_1632 : vector<128x4096xi1>, vector<128x4096xf32>
    %reduce_min3A_1634 = arith.constant dense<0x7F800000> : vector<128xf32>
    %reduce_min3A_1635 = vector.multi_reduction <minimumf>, %select_n3A_1633, %reduce_min3A_1634 [1] : vector<128x4096xf32> to vector<128xf32>
    %broadcast_in_dim3A_1636 = vector.shape_cast %reduce_min3A_1635 : vector<128xf32> to vector<128x1xf32>
    %le3A_1637 = arith.constant 4.000000e-02 : f32
    %le3A_1638 = vector.broadcast %le3A_1637 : f32 to vector<128x1xf32>
    %le3A_1639 = arith.cmpf ole, %broadcast_in_dim3A_1628, %le3A_1638 : vector<128x1xf32>
    %select_n3A_1640 = arith.select %le3A_1639, %broadcast_in_dim3A_1636, %broadcast_in_dim3A_76 : vector<128x1xi1>, vector<128x1xf32>
    %convert_element_type3A_1641 = arith.fptosi %select_n3A_1640 : vector<128x1xf32> to vector<128x1xi32>
    %swap3A_1642 = arith.constant 0 : index
    %swap3A_1643 = arith.constant 0 : index
    %swap3A_1644 = arith.constant 58 : index
    %swap3A_1645 = vector.load %arg4[%swap3A_1642, %swap3A_1643, %swap3A_1644] : memref<1x128x64xi32, #tpu.memory_space<vmem>>, vector<1x128x1xi32>
    %swap3A_1646 = vector.shape_cast %swap3A_1645 : vector<1x128x1xi32> to vector<128x1xi32>
    %swap3A_1647 = vector.shape_cast %convert_element_type3A_1641 : vector<128x1xi32> to vector<1x128x1xi32>
    tpu.vector_store %arg4[%swap3A_1642, %swap3A_1643, %swap3A_1644], %swap3A_1647 {strides = array<i32>} : memref<1x128x64xi32, #tpu.memory_space<vmem>>, vector<1x128x1xi32>,
    %eq3A_1648 = vector.broadcast %broadcast_in_dim3A_1636 : vector<128x1xf32> to vector<128x4096xf32>
    %eq3A_1649 = arith.cmpf oeq, %convert_element_type3A_69, %eq3A_1648 : vector<128x4096xf32>
    %jit3A_1650 = arith.constant 0x7F800000 : f32
    %broadcast_in_dim3A_1651 = vector.broadcast %jit3A_1650 : f32 to vector<128x4096xf32>
    %select_n3A_1652 = arith.select %eq3A_1649, %broadcast_in_dim3A_1651, %select_n3A_1625 : vector<128x4096xi1>, vector<128x4096xf32>
    %reduce_min3A_1653 = arith.constant dense<0x7F800000> : vector<128xf32>
    %reduce_min3A_1654 = vector.multi_reduction <minimumf>, %select_n3A_1652, %reduce_min3A_1653 [1] : vector<128x4096xf32> to vector<128xf32>
    %broadcast_in_dim3A_1655 = vector.shape_cast %reduce_min3A_1654 : vector<128xf32> to vector<128x1xf32>
    %eq3A_1656 = vector.broadcast %broadcast_in_dim3A_1655 : vector<128x1xf32> to vector<128x4096xf32>
    %eq3A_1657 = arith.cmpf oeq, %select_n3A_1652, %eq3A_1656 : vector<128x4096xf32>
    %jit3A_1658 = arith.constant 4.096000e+03 : f32
    %broadcast_in_dim3A_1659 = vector.broadcast %jit3A_1658 : f32 to vector<128x4096xf32>
    %select_n3A_1660 = arith.select %eq3A_1657, %convert_element_type3A_69, %broadcast_in_dim3A_1659 : vector<128x4096xi1>, vector<128x4096xf32>
    %reduce_min3A_1661 = arith.constant dense<0x7F800000> : vector<128xf32>
    %reduce_min3A_1662 = vector.multi_reduction <minimumf>, %select_n3A_1660, %reduce_min3A_1661 [1] : vector<128x4096xf32> to vector<128xf32>
    %broadcast_in_dim3A_1663 = vector.shape_cast %reduce_min3A_1662 : vector<128xf32> to vector<128x1xf32>
    %le3A_1664 = arith.constant 4.000000e-02 : f32
    %le3A_1665 = vector.broadcast %le3A_1664 : f32 to vector<128x1xf32>
    %le3A_1666 = arith.cmpf ole, %broadcast_in_dim3A_1655, %le3A_1665 : vector<128x1xf32>
    %select_n3A_1667 = arith.select %le3A_1666, %broadcast_in_dim3A_1663, %broadcast_in_dim3A_76 : vector<128x1xi1>, vector<128x1xf32>
    %convert_element_type3A_1668 = arith.fptosi %select_n3A_1667 : vector<128x1xf32> to vector<128x1xi32>
    %swap3A_1669 = arith.constant 0 : index
    %swap3A_1670 = arith.constant 0 : index
    %swap3A_1671 = arith.constant 59 : index
    %swap3A_1672 = vector.load %arg4[%swap3A_1669, %swap3A_1670, %swap3A_1671] : memref<1x128x64xi32, #tpu.memory_space<vmem>>, vector<1x128x1xi32>
    %swap3A_1673 = vector.shape_cast %swap3A_1672 : vector<1x128x1xi32> to vector<128x1xi32>
    %swap3A_1674 = vector.shape_cast %convert_element_type3A_1668 : vector<128x1xi32> to vector<1x128x1xi32>
    tpu.vector_store %arg4[%swap3A_1669, %swap3A_1670, %swap3A_1671], %swap3A_1674 {strides = array<i32>} : memref<1x128x64xi32, #tpu.memory_space<vmem>>, vector<1x128x1xi32>,
    %eq3A_1675 = vector.broadcast %broadcast_in_dim3A_1663 : vector<128x1xf32> to vector<128x4096xf32>
    %eq3A_1676 = arith.cmpf oeq, %convert_element_type3A_69, %eq3A_1675 : vector<128x4096xf32>
    %jit3A_1677 = arith.constant 0x7F800000 : f32
    %broadcast_in_dim3A_1678 = vector.broadcast %jit3A_1677 : f32 to vector<128x4096xf32>
    %select_n3A_1679 = arith.select %eq3A_1676, %broadcast_in_dim3A_1678, %select_n3A_1652 : vector<128x4096xi1>, vector<128x4096xf32>
    %reduce_min3A_1680 = arith.constant dense<0x7F800000> : vector<128xf32>
    %reduce_min3A_1681 = vector.multi_reduction <minimumf>, %select_n3A_1679, %reduce_min3A_1680 [1] : vector<128x4096xf32> to vector<128xf32>
    %broadcast_in_dim3A_1682 = vector.shape_cast %reduce_min3A_1681 : vector<128xf32> to vector<128x1xf32>
    %eq3A_1683 = vector.broadcast %broadcast_in_dim3A_1682 : vector<128x1xf32> to vector<128x4096xf32>
    %eq3A_1684 = arith.cmpf oeq, %select_n3A_1679, %eq3A_1683 : vector<128x4096xf32>
    %jit3A_1685 = arith.constant 4.096000e+03 : f32
    %broadcast_in_dim3A_1686 = vector.broadcast %jit3A_1685 : f32 to vector<128x4096xf32>
    %select_n3A_1687 = arith.select %eq3A_1684, %convert_element_type3A_69, %broadcast_in_dim3A_1686 : vector<128x4096xi1>, vector<128x4096xf32>
    %reduce_min3A_1688 = arith.constant dense<0x7F800000> : vector<128xf32>
    %reduce_min3A_1689 = vector.multi_reduction <minimumf>, %select_n3A_1687, %reduce_min3A_1688 [1] : vector<128x4096xf32> to vector<128xf32>
    %broadcast_in_dim3A_1690 = vector.shape_cast %reduce_min3A_1689 : vector<128xf32> to vector<128x1xf32>
    %le3A_1691 = arith.constant 4.000000e-02 : f32
    %le3A_1692 = vector.broadcast %le3A_1691 : f32 to vector<128x1xf32>
    %le3A_1693 = arith.cmpf ole, %broadcast_in_dim3A_1682, %le3A_1692 : vector<128x1xf32>
    %select_n3A_1694 = arith.select %le3A_1693, %broadcast_in_dim3A_1690, %broadcast_in_dim3A_76 : vector<128x1xi1>, vector<128x1xf32>
    %convert_element_type3A_1695 = arith.fptosi %select_n3A_1694 : vector<128x1xf32> to vector<128x1xi32>
    %swap3A_1696 = arith.constant 0 : index
    %swap3A_1697 = arith.constant 0 : index
    %swap3A_1698 = arith.constant 60 : index
    %swap3A_1699 = vector.load %arg4[%swap3A_1696, %swap3A_1697, %swap3A_1698] : memref<1x128x64xi32, #tpu.memory_space<vmem>>, vector<1x128x1xi32>
    %swap3A_1700 = vector.shape_cast %swap3A_1699 : vector<1x128x1xi32> to vector<128x1xi32>
    %swap3A_1701 = vector.shape_cast %convert_element_type3A_1695 : vector<128x1xi32> to vector<1x128x1xi32>
    tpu.vector_store %arg4[%swap3A_1696, %swap3A_1697, %swap3A_1698], %swap3A_1701 {strides = array<i32>} : memref<1x128x64xi32, #tpu.memory_space<vmem>>, vector<1x128x1xi32>,
    %eq3A_1702 = vector.broadcast %broadcast_in_dim3A_1690 : vector<128x1xf32> to vector<128x4096xf32>
    %eq3A_1703 = arith.cmpf oeq, %convert_element_type3A_69, %eq3A_1702 : vector<128x4096xf32>
    %jit3A_1704 = arith.constant 0x7F800000 : f32
    %broadcast_in_dim3A_1705 = vector.broadcast %jit3A_1704 : f32 to vector<128x4096xf32>
    %select_n3A_1706 = arith.select %eq3A_1703, %broadcast_in_dim3A_1705, %select_n3A_1679 : vector<128x4096xi1>, vector<128x4096xf32>
    %reduce_min3A_1707 = arith.constant dense<0x7F800000> : vector<128xf32>
    %reduce_min3A_1708 = vector.multi_reduction <minimumf>, %select_n3A_1706, %reduce_min3A_1707 [1] : vector<128x4096xf32> to vector<128xf32>
    %broadcast_in_dim3A_1709 = vector.shape_cast %reduce_min3A_1708 : vector<128xf32> to vector<128x1xf32>
    %eq3A_1710 = vector.broadcast %broadcast_in_dim3A_1709 : vector<128x1xf32> to vector<128x4096xf32>
    %eq3A_1711 = arith.cmpf oeq, %select_n3A_1706, %eq3A_1710 : vector<128x4096xf32>
    %jit3A_1712 = arith.constant 4.096000e+03 : f32
    %broadcast_in_dim3A_1713 = vector.broadcast %jit3A_1712 : f32 to vector<128x4096xf32>
    %select_n3A_1714 = arith.select %eq3A_1711, %convert_element_type3A_69, %broadcast_in_dim3A_1713 : vector<128x4096xi1>, vector<128x4096xf32>
    %reduce_min3A_1715 = arith.constant dense<0x7F800000> : vector<128xf32>
    %reduce_min3A_1716 = vector.multi_reduction <minimumf>, %select_n3A_1714, %reduce_min3A_1715 [1] : vector<128x4096xf32> to vector<128xf32>
    %broadcast_in_dim3A_1717 = vector.shape_cast %reduce_min3A_1716 : vector<128xf32> to vector<128x1xf32>
    %le3A_1718 = arith.constant 4.000000e-02 : f32
    %le3A_1719 = vector.broadcast %le3A_1718 : f32 to vector<128x1xf32>
    %le3A_1720 = arith.cmpf ole, %broadcast_in_dim3A_1709, %le3A_1719 : vector<128x1xf32>
    %select_n3A_1721 = arith.select %le3A_1720, %broadcast_in_dim3A_1717, %broadcast_in_dim3A_76 : vector<128x1xi1>, vector<128x1xf32>
    %convert_element_type3A_1722 = arith.fptosi %select_n3A_1721 : vector<128x1xf32> to vector<128x1xi32>
    %swap3A_1723 = arith.constant 0 : index
    %swap3A_1724 = arith.constant 0 : index
    %swap3A_1725 = arith.constant 61 : index
    %swap3A_1726 = vector.load %arg4[%swap3A_1723, %swap3A_1724, %swap3A_1725] : memref<1x128x64xi32, #tpu.memory_space<vmem>>, vector<1x128x1xi32>
    %swap3A_1727 = vector.shape_cast %swap3A_1726 : vector<1x128x1xi32> to vector<128x1xi32>
    %swap3A_1728 = vector.shape_cast %convert_element_type3A_1722 : vector<128x1xi32> to vector<1x128x1xi32>
    tpu.vector_store %arg4[%swap3A_1723, %swap3A_1724, %swap3A_1725], %swap3A_1728 {strides = array<i32>} : memref<1x128x64xi32, #tpu.memory_space<vmem>>, vector<1x128x1xi32>,
    %eq3A_1729 = vector.broadcast %broadcast_in_dim3A_1717 : vector<128x1xf32> to vector<128x4096xf32>
    %eq3A_1730 = arith.cmpf oeq, %convert_element_type3A_69, %eq3A_1729 : vector<128x4096xf32>
    %jit3A_1731 = arith.constant 0x7F800000 : f32
    %broadcast_in_dim3A_1732 = vector.broadcast %jit3A_1731 : f32 to vector<128x4096xf32>
    %select_n3A_1733 = arith.select %eq3A_1730, %broadcast_in_dim3A_1732, %select_n3A_1706 : vector<128x4096xi1>, vector<128x4096xf32>
    %reduce_min3A_1734 = arith.constant dense<0x7F800000> : vector<128xf32>
    %reduce_min3A_1735 = vector.multi_reduction <minimumf>, %select_n3A_1733, %reduce_min3A_1734 [1] : vector<128x4096xf32> to vector<128xf32>
    %broadcast_in_dim3A_1736 = vector.shape_cast %reduce_min3A_1735 : vector<128xf32> to vector<128x1xf32>
    %eq3A_1737 = vector.broadcast %broadcast_in_dim3A_1736 : vector<128x1xf32> to vector<128x4096xf32>
    %eq3A_1738 = arith.cmpf oeq, %select_n3A_1733, %eq3A_1737 : vector<128x4096xf32>
    %jit3A_1739 = arith.constant 4.096000e+03 : f32
    %broadcast_in_dim3A_1740 = vector.broadcast %jit3A_1739 : f32 to vector<128x4096xf32>
    %select_n3A_1741 = arith.select %eq3A_1738, %convert_element_type3A_69, %broadcast_in_dim3A_1740 : vector<128x4096xi1>, vector<128x4096xf32>
    %reduce_min3A_1742 = arith.constant dense<0x7F800000> : vector<128xf32>
    %reduce_min3A_1743 = vector.multi_reduction <minimumf>, %select_n3A_1741, %reduce_min3A_1742 [1] : vector<128x4096xf32> to vector<128xf32>
    %broadcast_in_dim3A_1744 = vector.shape_cast %reduce_min3A_1743 : vector<128xf32> to vector<128x1xf32>
    %le3A_1745 = arith.constant 4.000000e-02 : f32
    %le3A_1746 = vector.broadcast %le3A_1745 : f32 to vector<128x1xf32>
    %le3A_1747 = arith.cmpf ole, %broadcast_in_dim3A_1736, %le3A_1746 : vector<128x1xf32>
    %select_n3A_1748 = arith.select %le3A_1747, %broadcast_in_dim3A_1744, %broadcast_in_dim3A_76 : vector<128x1xi1>, vector<128x1xf32>
    %convert_element_type3A_1749 = arith.fptosi %select_n3A_1748 : vector<128x1xf32> to vector<128x1xi32>
    %swap3A_1750 = arith.constant 0 : index
    %swap3A_1751 = arith.constant 0 : index
    %swap3A_1752 = arith.constant 62 : index
    %swap3A_1753 = vector.load %arg4[%swap3A_1750, %swap3A_1751, %swap3A_1752] : memref<1x128x64xi32, #tpu.memory_space<vmem>>, vector<1x128x1xi32>
    %swap3A_1754 = vector.shape_cast %swap3A_1753 : vector<1x128x1xi32> to vector<128x1xi32>
    %swap3A_1755 = vector.shape_cast %convert_element_type3A_1749 : vector<128x1xi32> to vector<1x128x1xi32>
    tpu.vector_store %arg4[%swap3A_1750, %swap3A_1751, %swap3A_1752], %swap3A_1755 {strides = array<i32>} : memref<1x128x64xi32, #tpu.memory_space<vmem>>, vector<1x128x1xi32>,
    %eq3A_1756 = vector.broadcast %broadcast_in_dim3A_1744 : vector<128x1xf32> to vector<128x4096xf32>
    %eq3A_1757 = arith.cmpf oeq, %convert_element_type3A_69, %eq3A_1756 : vector<128x4096xf32>
    %jit3A_1758 = arith.constant 0x7F800000 : f32
    %broadcast_in_dim3A_1759 = vector.broadcast %jit3A_1758 : f32 to vector<128x4096xf32>
    %select_n3A_1760 = arith.select %eq3A_1757, %broadcast_in_dim3A_1759, %select_n3A_1733 : vector<128x4096xi1>, vector<128x4096xf32>
    %reduce_min3A_1761 = arith.constant dense<0x7F800000> : vector<128xf32>
    %reduce_min3A_1762 = vector.multi_reduction <minimumf>, %select_n3A_1760, %reduce_min3A_1761 [1] : vector<128x4096xf32> to vector<128xf32>
    %broadcast_in_dim3A_1763 = vector.shape_cast %reduce_min3A_1762 : vector<128xf32> to vector<128x1xf32>
    %eq3A_1764 = vector.broadcast %broadcast_in_dim3A_1763 : vector<128x1xf32> to vector<128x4096xf32>
    %eq3A_1765 = arith.cmpf oeq, %select_n3A_1760, %eq3A_1764 : vector<128x4096xf32>
    %jit3A_1766 = arith.constant 4.096000e+03 : f32
    %broadcast_in_dim3A_1767 = vector.broadcast %jit3A_1766 : f32 to vector<128x4096xf32>
    %select_n3A_1768 = arith.select %eq3A_1765, %convert_element_type3A_69, %broadcast_in_dim3A_1767 : vector<128x4096xi1>, vector<128x4096xf32>
    %reduce_min3A_1769 = arith.constant dense<0x7F800000> : vector<128xf32>
    %reduce_min3A_1770 = vector.multi_reduction <minimumf>, %select_n3A_1768, %reduce_min3A_1769 [1] : vector<128x4096xf32> to vector<128xf32>
    %broadcast_in_dim3A_1771 = vector.shape_cast %reduce_min3A_1770 : vector<128xf32> to vector<128x1xf32>
    %le3A_1772 = arith.constant 4.000000e-02 : f32
    %le3A_1773 = vector.broadcast %le3A_1772 : f32 to vector<128x1xf32>
    %le3A_1774 = arith.cmpf ole, %broadcast_in_dim3A_1763, %le3A_1773 : vector<128x1xf32>
    %select_n3A_1775 = arith.select %le3A_1774, %broadcast_in_dim3A_1771, %broadcast_in_dim3A_76 : vector<128x1xi1>, vector<128x1xf32>
    %convert_element_type3A_1776 = arith.fptosi %select_n3A_1775 : vector<128x1xf32> to vector<128x1xi32>
    %swap3A_1777 = arith.constant 0 : index
    %swap3A_1778 = arith.constant 0 : index
    %swap3A_1779 = arith.constant 63 : index
    %swap3A_1780 = vector.load %arg4[%swap3A_1777, %swap3A_1778, %swap3A_1779] : memref<1x128x64xi32, #tpu.memory_space<vmem>>, vector<1x128x1xi32>
    %swap3A_1781 = vector.shape_cast %swap3A_1780 : vector<1x128x1xi32> to vector<128x1xi32>
    %swap3A_1782 = vector.shape_cast %convert_element_type3A_1776 : vector<128x1xi32> to vector<1x128x1xi32>
    tpu.vector_store %arg4[%swap3A_1777, %swap3A_1778, %swap3A_1779], %swap3A_1782 {strides = array<i32>} : memref<1x128x64xi32, #tpu.memory_space<vmem>>, vector<1x128x1xi32>,
    return
  }
  func.func @transform_0(%arg0: i32, %arg1: i32) -> (i32, i32, i32) {
    %c0_i32 = arith.constant 0 : i32
    %c0_i32_0 = arith.constant 0 : i32
    %c0_i32_1 = arith.constant 0 : i32
    return %arg0, %c0_i32, %c0_i32_0 : i32, i32, i32
  }
  func.func @transform_1(%arg0: i32, %arg1: i32) -> (i32, i32, i32) {
    %c0_i32 = arith.constant 0 : i32
    %c0_i32_0 = arith.constant 0 : i32
    return %arg0, %arg1, %c0_i32 : i32, i32, i32
  }
  func.func @transform_2(%arg0: i32, %arg1: i32) -> (i32, i32, i32) {
    %c0_i32 = arith.constant 0 : i32
    %c0_i32_0 = arith.constant 0 : i32
    return %arg0, %arg1, %c0_i32 : i32, i32, i32
  }
}

module attributes {stable_mosaic.version = 14 : i64} {
  func.func @_dconv_body(%arg0: i32, %arg1: memref<2048x256xf32, #tpu.memory_space<vmem>>, %arg2: memref<32x3xf32, #tpu.memory_space<vmem>>, %arg3: memref<256x256xf32, #tpu.memory_space<vmem>>, %arg4: memref<1x256xf32, #tpu.memory_space<vmem>>, %arg5: memref<256x256xf32, #tpu.memory_space<vmem>>, %arg6: memref<1x256xf32, #tpu.memory_space<vmem>>, %arg7: memref<1x32x256xf32, #tpu.memory_space<vmem>>, %arg8: memref<2048x256xf32, #tpu.memory_space<vmem>>) attributes {dimension_semantics = [#tpu.dimension_semantics<arbitrary>], iteration_bounds = array<i64: 128>, scalar_prefetch = 0 : i64, scratch_operands = 1 : i64, tpu.core_type = #tpu.core_type<tc>, window_params = [{transform_indices = @transform_0, window_bounds = array<i64: 2048, 256>}, {transform_indices = @transform_1, window_bounds = array<i64: 32, 3>}, {pipeline_mode = #tpu.pipeline_mode<synchronous>, transform_indices = @transform_2, window_bounds = array<i64: 256, 256>}, {pipeline_mode = #tpu.pipeline_mode<synchronous>, transform_indices = @transform_3, window_bounds = array<i64: 1, 256>}, {pipeline_mode = #tpu.pipeline_mode<synchronous>, transform_indices = @transform_4, window_bounds = array<i64: 256, 256>}, {pipeline_mode = #tpu.pipeline_mode<synchronous>, transform_indices = @transform_5, window_bounds = array<i64: 1, 256>}, {transform_indices = @transform_6, window_bounds = array<i64: 1, 32, 256>}]} {
    %get3A = arith.constant 0 : index
    %get3A_0 = arith.constant 0 : index
    %get3A_1 = vector.load %arg1[%get3A, %get3A_0] : memref<2048x256xf32, #tpu.memory_space<vmem>>, vector<2048x256xf32>
    %swap3A = arith.constant 0 : index
    %swap3A_2 = arith.constant 0 : index
    %swap3A_3 = vector.load %arg8[%swap3A, %swap3A_2] : memref<2048x256xf32, #tpu.memory_space<vmem>>, vector<2048x256xf32>
    tpu.vector_store %arg8[%swap3A, %swap3A_2], %get3A_1 {strides = array<i32>} : memref<2048x256xf32, #tpu.memory_space<vmem>>, vector<2048x256xf32>,
    %get3A_4 = arith.constant 0 : index
    %get3A_5 = arith.constant 0 : index
    %get3A_6 = vector.load %arg2[%get3A_4, %get3A_5] : memref<32x3xf32, #tpu.memory_space<vmem>>, vector<1x3xf32>
    %get3A_7 = arith.constant 0 : index
    %get3A_8 = arith.constant 128 : index
    %get3A_9 = vector.load %arg8[%get3A_7, %get3A_8] : memref<2048x256xf32, #tpu.memory_space<vmem>>, vector<64x3xf32>
    %sub3A = vector.broadcast %get3A_6 : vector<1x3xf32> to vector<64x3xf32>
    %sub3A_10 = arith.subf %get3A_9, %sub3A : vector<64x3xf32>
    %swap3A_11 = arith.constant 0 : index
    %swap3A_12 = arith.constant 128 : index
    %swap3A_13 = vector.load %arg8[%swap3A_11, %swap3A_12] : memref<2048x256xf32, #tpu.memory_space<vmem>>, vector<64x3xf32>
    tpu.vector_store %arg8[%swap3A_11, %swap3A_12], %sub3A_10 {strides = array<i32>} : memref<2048x256xf32, #tpu.memory_space<vmem>>, vector<64x3xf32>,
    %get3A_14 = arith.constant 1 : index
    %get3A_15 = arith.constant 0 : index
    %get3A_16 = vector.load %arg2[%get3A_14, %get3A_15] : memref<32x3xf32, #tpu.memory_space<vmem>>, vector<1x3xf32>
    %get3A_17 = arith.constant 64 : index
    %get3A_18 = arith.constant 128 : index
    %get3A_19 = vector.load %arg8[%get3A_17, %get3A_18] : memref<2048x256xf32, #tpu.memory_space<vmem>>, vector<64x3xf32>
    %sub3A_20 = vector.broadcast %get3A_16 : vector<1x3xf32> to vector<64x3xf32>
    %sub3A_21 = arith.subf %get3A_19, %sub3A_20 : vector<64x3xf32>
    %swap3A_22 = arith.constant 64 : index
    %swap3A_23 = arith.constant 128 : index
    %swap3A_24 = vector.load %arg8[%swap3A_22, %swap3A_23] : memref<2048x256xf32, #tpu.memory_space<vmem>>, vector<64x3xf32>
    tpu.vector_store %arg8[%swap3A_22, %swap3A_23], %sub3A_21 {strides = array<i32>} : memref<2048x256xf32, #tpu.memory_space<vmem>>, vector<64x3xf32>,
    %get3A_25 = arith.constant 2 : index
    %get3A_26 = arith.constant 0 : index
    %get3A_27 = vector.load %arg2[%get3A_25, %get3A_26] : memref<32x3xf32, #tpu.memory_space<vmem>>, vector<1x3xf32>
    %get3A_28 = arith.constant 128 : index
    %get3A_29 = arith.constant 128 : index
    %get3A_30 = vector.load %arg8[%get3A_28, %get3A_29] : memref<2048x256xf32, #tpu.memory_space<vmem>>, vector<64x3xf32>
    %sub3A_31 = vector.broadcast %get3A_27 : vector<1x3xf32> to vector<64x3xf32>
    %sub3A_32 = arith.subf %get3A_30, %sub3A_31 : vector<64x3xf32>
    %swap3A_33 = arith.constant 128 : index
    %swap3A_34 = arith.constant 128 : index
    %swap3A_35 = vector.load %arg8[%swap3A_33, %swap3A_34] : memref<2048x256xf32, #tpu.memory_space<vmem>>, vector<64x3xf32>
    tpu.vector_store %arg8[%swap3A_33, %swap3A_34], %sub3A_32 {strides = array<i32>} : memref<2048x256xf32, #tpu.memory_space<vmem>>, vector<64x3xf32>,
    %get3A_36 = arith.constant 3 : index
    %get3A_37 = arith.constant 0 : index
    %get3A_38 = vector.load %arg2[%get3A_36, %get3A_37] : memref<32x3xf32, #tpu.memory_space<vmem>>, vector<1x3xf32>
    %get3A_39 = arith.constant 192 : index
    %get3A_40 = arith.constant 128 : index
    %get3A_41 = vector.load %arg8[%get3A_39, %get3A_40] : memref<2048x256xf32, #tpu.memory_space<vmem>>, vector<64x3xf32>
    %sub3A_42 = vector.broadcast %get3A_38 : vector<1x3xf32> to vector<64x3xf32>
    %sub3A_43 = arith.subf %get3A_41, %sub3A_42 : vector<64x3xf32>
    %swap3A_44 = arith.constant 192 : index
    %swap3A_45 = arith.constant 128 : index
    %swap3A_46 = vector.load %arg8[%swap3A_44, %swap3A_45] : memref<2048x256xf32, #tpu.memory_space<vmem>>, vector<64x3xf32>
    tpu.vector_store %arg8[%swap3A_44, %swap3A_45], %sub3A_43 {strides = array<i32>} : memref<2048x256xf32, #tpu.memory_space<vmem>>, vector<64x3xf32>,
    %get3A_47 = arith.constant 4 : index
    %get3A_48 = arith.constant 0 : index
    %get3A_49 = vector.load %arg2[%get3A_47, %get3A_48] : memref<32x3xf32, #tpu.memory_space<vmem>>, vector<1x3xf32>
    %get3A_50 = arith.constant 256 : index
    %get3A_51 = arith.constant 128 : index
    %get3A_52 = vector.load %arg8[%get3A_50, %get3A_51] : memref<2048x256xf32, #tpu.memory_space<vmem>>, vector<64x3xf32>
    %sub3A_53 = vector.broadcast %get3A_49 : vector<1x3xf32> to vector<64x3xf32>
    %sub3A_54 = arith.subf %get3A_52, %sub3A_53 : vector<64x3xf32>
    %swap3A_55 = arith.constant 256 : index
    %swap3A_56 = arith.constant 128 : index
    %swap3A_57 = vector.load %arg8[%swap3A_55, %swap3A_56] : memref<2048x256xf32, #tpu.memory_space<vmem>>, vector<64x3xf32>
    tpu.vector_store %arg8[%swap3A_55, %swap3A_56], %sub3A_54 {strides = array<i32>} : memref<2048x256xf32, #tpu.memory_space<vmem>>, vector<64x3xf32>,
    %get3A_58 = arith.constant 5 : index
    %get3A_59 = arith.constant 0 : index
    %get3A_60 = vector.load %arg2[%get3A_58, %get3A_59] : memref<32x3xf32, #tpu.memory_space<vmem>>, vector<1x3xf32>
    %get3A_61 = arith.constant 320 : index
    %get3A_62 = arith.constant 128 : index
    %get3A_63 = vector.load %arg8[%get3A_61, %get3A_62] : memref<2048x256xf32, #tpu.memory_space<vmem>>, vector<64x3xf32>
    %sub3A_64 = vector.broadcast %get3A_60 : vector<1x3xf32> to vector<64x3xf32>
    %sub3A_65 = arith.subf %get3A_63, %sub3A_64 : vector<64x3xf32>
    %swap3A_66 = arith.constant 320 : index
    %swap3A_67 = arith.constant 128 : index
    %swap3A_68 = vector.load %arg8[%swap3A_66, %swap3A_67] : memref<2048x256xf32, #tpu.memory_space<vmem>>, vector<64x3xf32>
    tpu.vector_store %arg8[%swap3A_66, %swap3A_67], %sub3A_65 {strides = array<i32>} : memref<2048x256xf32, #tpu.memory_space<vmem>>, vector<64x3xf32>,
    %get3A_69 = arith.constant 6 : index
    %get3A_70 = arith.constant 0 : index
    %get3A_71 = vector.load %arg2[%get3A_69, %get3A_70] : memref<32x3xf32, #tpu.memory_space<vmem>>, vector<1x3xf32>
    %get3A_72 = arith.constant 384 : index
    %get3A_73 = arith.constant 128 : index
    %get3A_74 = vector.load %arg8[%get3A_72, %get3A_73] : memref<2048x256xf32, #tpu.memory_space<vmem>>, vector<64x3xf32>
    %sub3A_75 = vector.broadcast %get3A_71 : vector<1x3xf32> to vector<64x3xf32>
    %sub3A_76 = arith.subf %get3A_74, %sub3A_75 : vector<64x3xf32>
    %swap3A_77 = arith.constant 384 : index
    %swap3A_78 = arith.constant 128 : index
    %swap3A_79 = vector.load %arg8[%swap3A_77, %swap3A_78] : memref<2048x256xf32, #tpu.memory_space<vmem>>, vector<64x3xf32>
    tpu.vector_store %arg8[%swap3A_77, %swap3A_78], %sub3A_76 {strides = array<i32>} : memref<2048x256xf32, #tpu.memory_space<vmem>>, vector<64x3xf32>,
    %get3A_80 = arith.constant 7 : index
    %get3A_81 = arith.constant 0 : index
    %get3A_82 = vector.load %arg2[%get3A_80, %get3A_81] : memref<32x3xf32, #tpu.memory_space<vmem>>, vector<1x3xf32>
    %get3A_83 = arith.constant 448 : index
    %get3A_84 = arith.constant 128 : index
    %get3A_85 = vector.load %arg8[%get3A_83, %get3A_84] : memref<2048x256xf32, #tpu.memory_space<vmem>>, vector<64x3xf32>
    %sub3A_86 = vector.broadcast %get3A_82 : vector<1x3xf32> to vector<64x3xf32>
    %sub3A_87 = arith.subf %get3A_85, %sub3A_86 : vector<64x3xf32>
    %swap3A_88 = arith.constant 448 : index
    %swap3A_89 = arith.constant 128 : index
    %swap3A_90 = vector.load %arg8[%swap3A_88, %swap3A_89] : memref<2048x256xf32, #tpu.memory_space<vmem>>, vector<64x3xf32>
    tpu.vector_store %arg8[%swap3A_88, %swap3A_89], %sub3A_87 {strides = array<i32>} : memref<2048x256xf32, #tpu.memory_space<vmem>>, vector<64x3xf32>,
    %get3A_91 = arith.constant 8 : index
    %get3A_92 = arith.constant 0 : index
    %get3A_93 = vector.load %arg2[%get3A_91, %get3A_92] : memref<32x3xf32, #tpu.memory_space<vmem>>, vector<1x3xf32>
    %get3A_94 = arith.constant 512 : index
    %get3A_95 = arith.constant 128 : index
    %get3A_96 = vector.load %arg8[%get3A_94, %get3A_95] : memref<2048x256xf32, #tpu.memory_space<vmem>>, vector<64x3xf32>
    %sub3A_97 = vector.broadcast %get3A_93 : vector<1x3xf32> to vector<64x3xf32>
    %sub3A_98 = arith.subf %get3A_96, %sub3A_97 : vector<64x3xf32>
    %swap3A_99 = arith.constant 512 : index
    %swap3A_100 = arith.constant 128 : index
    %swap3A_101 = vector.load %arg8[%swap3A_99, %swap3A_100] : memref<2048x256xf32, #tpu.memory_space<vmem>>, vector<64x3xf32>
    tpu.vector_store %arg8[%swap3A_99, %swap3A_100], %sub3A_98 {strides = array<i32>} : memref<2048x256xf32, #tpu.memory_space<vmem>>, vector<64x3xf32>,
    %get3A_102 = arith.constant 9 : index
    %get3A_103 = arith.constant 0 : index
    %get3A_104 = vector.load %arg2[%get3A_102, %get3A_103] : memref<32x3xf32, #tpu.memory_space<vmem>>, vector<1x3xf32>
    %get3A_105 = arith.constant 576 : index
    %get3A_106 = arith.constant 128 : index
    %get3A_107 = vector.load %arg8[%get3A_105, %get3A_106] : memref<2048x256xf32, #tpu.memory_space<vmem>>, vector<64x3xf32>
    %sub3A_108 = vector.broadcast %get3A_104 : vector<1x3xf32> to vector<64x3xf32>
    %sub3A_109 = arith.subf %get3A_107, %sub3A_108 : vector<64x3xf32>
    %swap3A_110 = arith.constant 576 : index
    %swap3A_111 = arith.constant 128 : index
    %swap3A_112 = vector.load %arg8[%swap3A_110, %swap3A_111] : memref<2048x256xf32, #tpu.memory_space<vmem>>, vector<64x3xf32>
    tpu.vector_store %arg8[%swap3A_110, %swap3A_111], %sub3A_109 {strides = array<i32>} : memref<2048x256xf32, #tpu.memory_space<vmem>>, vector<64x3xf32>,
    %get3A_113 = arith.constant 10 : index
    %get3A_114 = arith.constant 0 : index
    %get3A_115 = vector.load %arg2[%get3A_113, %get3A_114] : memref<32x3xf32, #tpu.memory_space<vmem>>, vector<1x3xf32>
    %get3A_116 = arith.constant 640 : index
    %get3A_117 = arith.constant 128 : index
    %get3A_118 = vector.load %arg8[%get3A_116, %get3A_117] : memref<2048x256xf32, #tpu.memory_space<vmem>>, vector<64x3xf32>
    %sub3A_119 = vector.broadcast %get3A_115 : vector<1x3xf32> to vector<64x3xf32>
    %sub3A_120 = arith.subf %get3A_118, %sub3A_119 : vector<64x3xf32>
    %swap3A_121 = arith.constant 640 : index
    %swap3A_122 = arith.constant 128 : index
    %swap3A_123 = vector.load %arg8[%swap3A_121, %swap3A_122] : memref<2048x256xf32, #tpu.memory_space<vmem>>, vector<64x3xf32>
    tpu.vector_store %arg8[%swap3A_121, %swap3A_122], %sub3A_120 {strides = array<i32>} : memref<2048x256xf32, #tpu.memory_space<vmem>>, vector<64x3xf32>,
    %get3A_124 = arith.constant 11 : index
    %get3A_125 = arith.constant 0 : index
    %get3A_126 = vector.load %arg2[%get3A_124, %get3A_125] : memref<32x3xf32, #tpu.memory_space<vmem>>, vector<1x3xf32>
    %get3A_127 = arith.constant 704 : index
    %get3A_128 = arith.constant 128 : index
    %get3A_129 = vector.load %arg8[%get3A_127, %get3A_128] : memref<2048x256xf32, #tpu.memory_space<vmem>>, vector<64x3xf32>
    %sub3A_130 = vector.broadcast %get3A_126 : vector<1x3xf32> to vector<64x3xf32>
    %sub3A_131 = arith.subf %get3A_129, %sub3A_130 : vector<64x3xf32>
    %swap3A_132 = arith.constant 704 : index
    %swap3A_133 = arith.constant 128 : index
    %swap3A_134 = vector.load %arg8[%swap3A_132, %swap3A_133] : memref<2048x256xf32, #tpu.memory_space<vmem>>, vector<64x3xf32>
    tpu.vector_store %arg8[%swap3A_132, %swap3A_133], %sub3A_131 {strides = array<i32>} : memref<2048x256xf32, #tpu.memory_space<vmem>>, vector<64x3xf32>,
    %get3A_135 = arith.constant 12 : index
    %get3A_136 = arith.constant 0 : index
    %get3A_137 = vector.load %arg2[%get3A_135, %get3A_136] : memref<32x3xf32, #tpu.memory_space<vmem>>, vector<1x3xf32>
    %get3A_138 = arith.constant 768 : index
    %get3A_139 = arith.constant 128 : index
    %get3A_140 = vector.load %arg8[%get3A_138, %get3A_139] : memref<2048x256xf32, #tpu.memory_space<vmem>>, vector<64x3xf32>
    %sub3A_141 = vector.broadcast %get3A_137 : vector<1x3xf32> to vector<64x3xf32>
    %sub3A_142 = arith.subf %get3A_140, %sub3A_141 : vector<64x3xf32>
    %swap3A_143 = arith.constant 768 : index
    %swap3A_144 = arith.constant 128 : index
    %swap3A_145 = vector.load %arg8[%swap3A_143, %swap3A_144] : memref<2048x256xf32, #tpu.memory_space<vmem>>, vector<64x3xf32>
    tpu.vector_store %arg8[%swap3A_143, %swap3A_144], %sub3A_142 {strides = array<i32>} : memref<2048x256xf32, #tpu.memory_space<vmem>>, vector<64x3xf32>,
    %get3A_146 = arith.constant 13 : index
    %get3A_147 = arith.constant 0 : index
    %get3A_148 = vector.load %arg2[%get3A_146, %get3A_147] : memref<32x3xf32, #tpu.memory_space<vmem>>, vector<1x3xf32>
    %get3A_149 = arith.constant 832 : index
    %get3A_150 = arith.constant 128 : index
    %get3A_151 = vector.load %arg8[%get3A_149, %get3A_150] : memref<2048x256xf32, #tpu.memory_space<vmem>>, vector<64x3xf32>
    %sub3A_152 = vector.broadcast %get3A_148 : vector<1x3xf32> to vector<64x3xf32>
    %sub3A_153 = arith.subf %get3A_151, %sub3A_152 : vector<64x3xf32>
    %swap3A_154 = arith.constant 832 : index
    %swap3A_155 = arith.constant 128 : index
    %swap3A_156 = vector.load %arg8[%swap3A_154, %swap3A_155] : memref<2048x256xf32, #tpu.memory_space<vmem>>, vector<64x3xf32>
    tpu.vector_store %arg8[%swap3A_154, %swap3A_155], %sub3A_153 {strides = array<i32>} : memref<2048x256xf32, #tpu.memory_space<vmem>>, vector<64x3xf32>,
    %get3A_157 = arith.constant 14 : index
    %get3A_158 = arith.constant 0 : index
    %get3A_159 = vector.load %arg2[%get3A_157, %get3A_158] : memref<32x3xf32, #tpu.memory_space<vmem>>, vector<1x3xf32>
    %get3A_160 = arith.constant 896 : index
    %get3A_161 = arith.constant 128 : index
    %get3A_162 = vector.load %arg8[%get3A_160, %get3A_161] : memref<2048x256xf32, #tpu.memory_space<vmem>>, vector<64x3xf32>
    %sub3A_163 = vector.broadcast %get3A_159 : vector<1x3xf32> to vector<64x3xf32>
    %sub3A_164 = arith.subf %get3A_162, %sub3A_163 : vector<64x3xf32>
    %swap3A_165 = arith.constant 896 : index
    %swap3A_166 = arith.constant 128 : index
    %swap3A_167 = vector.load %arg8[%swap3A_165, %swap3A_166] : memref<2048x256xf32, #tpu.memory_space<vmem>>, vector<64x3xf32>
    tpu.vector_store %arg8[%swap3A_165, %swap3A_166], %sub3A_164 {strides = array<i32>} : memref<2048x256xf32, #tpu.memory_space<vmem>>, vector<64x3xf32>,
    %get3A_168 = arith.constant 15 : index
    %get3A_169 = arith.constant 0 : index
    %get3A_170 = vector.load %arg2[%get3A_168, %get3A_169] : memref<32x3xf32, #tpu.memory_space<vmem>>, vector<1x3xf32>
    %get3A_171 = arith.constant 960 : index
    %get3A_172 = arith.constant 128 : index
    %get3A_173 = vector.load %arg8[%get3A_171, %get3A_172] : memref<2048x256xf32, #tpu.memory_space<vmem>>, vector<64x3xf32>
    %sub3A_174 = vector.broadcast %get3A_170 : vector<1x3xf32> to vector<64x3xf32>
    %sub3A_175 = arith.subf %get3A_173, %sub3A_174 : vector<64x3xf32>
    %swap3A_176 = arith.constant 960 : index
    %swap3A_177 = arith.constant 128 : index
    %swap3A_178 = vector.load %arg8[%swap3A_176, %swap3A_177] : memref<2048x256xf32, #tpu.memory_space<vmem>>, vector<64x3xf32>
    tpu.vector_store %arg8[%swap3A_176, %swap3A_177], %sub3A_175 {strides = array<i32>} : memref<2048x256xf32, #tpu.memory_space<vmem>>, vector<64x3xf32>,
    %get3A_179 = arith.constant 16 : index
    %get3A_180 = arith.constant 0 : index
    %get3A_181 = vector.load %arg2[%get3A_179, %get3A_180] : memref<32x3xf32, #tpu.memory_space<vmem>>, vector<1x3xf32>
    %get3A_182 = arith.constant 1024 : index
    %get3A_183 = arith.constant 128 : index
    %get3A_184 = vector.load %arg8[%get3A_182, %get3A_183] : memref<2048x256xf32, #tpu.memory_space<vmem>>, vector<64x3xf32>
    %sub3A_185 = vector.broadcast %get3A_181 : vector<1x3xf32> to vector<64x3xf32>
    %sub3A_186 = arith.subf %get3A_184, %sub3A_185 : vector<64x3xf32>
    %swap3A_187 = arith.constant 1024 : index
    %swap3A_188 = arith.constant 128 : index
    %swap3A_189 = vector.load %arg8[%swap3A_187, %swap3A_188] : memref<2048x256xf32, #tpu.memory_space<vmem>>, vector<64x3xf32>
    tpu.vector_store %arg8[%swap3A_187, %swap3A_188], %sub3A_186 {strides = array<i32>} : memref<2048x256xf32, #tpu.memory_space<vmem>>, vector<64x3xf32>,
    %get3A_190 = arith.constant 17 : index
    %get3A_191 = arith.constant 0 : index
    %get3A_192 = vector.load %arg2[%get3A_190, %get3A_191] : memref<32x3xf32, #tpu.memory_space<vmem>>, vector<1x3xf32>
    %get3A_193 = arith.constant 1088 : index
    %get3A_194 = arith.constant 128 : index
    %get3A_195 = vector.load %arg8[%get3A_193, %get3A_194] : memref<2048x256xf32, #tpu.memory_space<vmem>>, vector<64x3xf32>
    %sub3A_196 = vector.broadcast %get3A_192 : vector<1x3xf32> to vector<64x3xf32>
    %sub3A_197 = arith.subf %get3A_195, %sub3A_196 : vector<64x3xf32>
    %swap3A_198 = arith.constant 1088 : index
    %swap3A_199 = arith.constant 128 : index
    %swap3A_200 = vector.load %arg8[%swap3A_198, %swap3A_199] : memref<2048x256xf32, #tpu.memory_space<vmem>>, vector<64x3xf32>
    tpu.vector_store %arg8[%swap3A_198, %swap3A_199], %sub3A_197 {strides = array<i32>} : memref<2048x256xf32, #tpu.memory_space<vmem>>, vector<64x3xf32>,
    %get3A_201 = arith.constant 18 : index
    %get3A_202 = arith.constant 0 : index
    %get3A_203 = vector.load %arg2[%get3A_201, %get3A_202] : memref<32x3xf32, #tpu.memory_space<vmem>>, vector<1x3xf32>
    %get3A_204 = arith.constant 1152 : index
    %get3A_205 = arith.constant 128 : index
    %get3A_206 = vector.load %arg8[%get3A_204, %get3A_205] : memref<2048x256xf32, #tpu.memory_space<vmem>>, vector<64x3xf32>
    %sub3A_207 = vector.broadcast %get3A_203 : vector<1x3xf32> to vector<64x3xf32>
    %sub3A_208 = arith.subf %get3A_206, %sub3A_207 : vector<64x3xf32>
    %swap3A_209 = arith.constant 1152 : index
    %swap3A_210 = arith.constant 128 : index
    %swap3A_211 = vector.load %arg8[%swap3A_209, %swap3A_210] : memref<2048x256xf32, #tpu.memory_space<vmem>>, vector<64x3xf32>
    tpu.vector_store %arg8[%swap3A_209, %swap3A_210], %sub3A_208 {strides = array<i32>} : memref<2048x256xf32, #tpu.memory_space<vmem>>, vector<64x3xf32>,
    %get3A_212 = arith.constant 19 : index
    %get3A_213 = arith.constant 0 : index
    %get3A_214 = vector.load %arg2[%get3A_212, %get3A_213] : memref<32x3xf32, #tpu.memory_space<vmem>>, vector<1x3xf32>
    %get3A_215 = arith.constant 1216 : index
    %get3A_216 = arith.constant 128 : index
    %get3A_217 = vector.load %arg8[%get3A_215, %get3A_216] : memref<2048x256xf32, #tpu.memory_space<vmem>>, vector<64x3xf32>
    %sub3A_218 = vector.broadcast %get3A_214 : vector<1x3xf32> to vector<64x3xf32>
    %sub3A_219 = arith.subf %get3A_217, %sub3A_218 : vector<64x3xf32>
    %swap3A_220 = arith.constant 1216 : index
    %swap3A_221 = arith.constant 128 : index
    %swap3A_222 = vector.load %arg8[%swap3A_220, %swap3A_221] : memref<2048x256xf32, #tpu.memory_space<vmem>>, vector<64x3xf32>
    tpu.vector_store %arg8[%swap3A_220, %swap3A_221], %sub3A_219 {strides = array<i32>} : memref<2048x256xf32, #tpu.memory_space<vmem>>, vector<64x3xf32>,
    %get3A_223 = arith.constant 20 : index
    %get3A_224 = arith.constant 0 : index
    %get3A_225 = vector.load %arg2[%get3A_223, %get3A_224] : memref<32x3xf32, #tpu.memory_space<vmem>>, vector<1x3xf32>
    %get3A_226 = arith.constant 1280 : index
    %get3A_227 = arith.constant 128 : index
    %get3A_228 = vector.load %arg8[%get3A_226, %get3A_227] : memref<2048x256xf32, #tpu.memory_space<vmem>>, vector<64x3xf32>
    %sub3A_229 = vector.broadcast %get3A_225 : vector<1x3xf32> to vector<64x3xf32>
    %sub3A_230 = arith.subf %get3A_228, %sub3A_229 : vector<64x3xf32>
    %swap3A_231 = arith.constant 1280 : index
    %swap3A_232 = arith.constant 128 : index
    %swap3A_233 = vector.load %arg8[%swap3A_231, %swap3A_232] : memref<2048x256xf32, #tpu.memory_space<vmem>>, vector<64x3xf32>
    tpu.vector_store %arg8[%swap3A_231, %swap3A_232], %sub3A_230 {strides = array<i32>} : memref<2048x256xf32, #tpu.memory_space<vmem>>, vector<64x3xf32>,
    %get3A_234 = arith.constant 21 : index
    %get3A_235 = arith.constant 0 : index
    %get3A_236 = vector.load %arg2[%get3A_234, %get3A_235] : memref<32x3xf32, #tpu.memory_space<vmem>>, vector<1x3xf32>
    %get3A_237 = arith.constant 1344 : index
    %get3A_238 = arith.constant 128 : index
    %get3A_239 = vector.load %arg8[%get3A_237, %get3A_238] : memref<2048x256xf32, #tpu.memory_space<vmem>>, vector<64x3xf32>
    %sub3A_240 = vector.broadcast %get3A_236 : vector<1x3xf32> to vector<64x3xf32>
    %sub3A_241 = arith.subf %get3A_239, %sub3A_240 : vector<64x3xf32>
    %swap3A_242 = arith.constant 1344 : index
    %swap3A_243 = arith.constant 128 : index
    %swap3A_244 = vector.load %arg8[%swap3A_242, %swap3A_243] : memref<2048x256xf32, #tpu.memory_space<vmem>>, vector<64x3xf32>
    tpu.vector_store %arg8[%swap3A_242, %swap3A_243], %sub3A_241 {strides = array<i32>} : memref<2048x256xf32, #tpu.memory_space<vmem>>, vector<64x3xf32>,
    %get3A_245 = arith.constant 22 : index
    %get3A_246 = arith.constant 0 : index
    %get3A_247 = vector.load %arg2[%get3A_245, %get3A_246] : memref<32x3xf32, #tpu.memory_space<vmem>>, vector<1x3xf32>
    %get3A_248 = arith.constant 1408 : index
    %get3A_249 = arith.constant 128 : index
    %get3A_250 = vector.load %arg8[%get3A_248, %get3A_249] : memref<2048x256xf32, #tpu.memory_space<vmem>>, vector<64x3xf32>
    %sub3A_251 = vector.broadcast %get3A_247 : vector<1x3xf32> to vector<64x3xf32>
    %sub3A_252 = arith.subf %get3A_250, %sub3A_251 : vector<64x3xf32>
    %swap3A_253 = arith.constant 1408 : index
    %swap3A_254 = arith.constant 128 : index
    %swap3A_255 = vector.load %arg8[%swap3A_253, %swap3A_254] : memref<2048x256xf32, #tpu.memory_space<vmem>>, vector<64x3xf32>
    tpu.vector_store %arg8[%swap3A_253, %swap3A_254], %sub3A_252 {strides = array<i32>} : memref<2048x256xf32, #tpu.memory_space<vmem>>, vector<64x3xf32>,
    %get3A_256 = arith.constant 23 : index
    %get3A_257 = arith.constant 0 : index
    %get3A_258 = vector.load %arg2[%get3A_256, %get3A_257] : memref<32x3xf32, #tpu.memory_space<vmem>>, vector<1x3xf32>
    %get3A_259 = arith.constant 1472 : index
    %get3A_260 = arith.constant 128 : index
    %get3A_261 = vector.load %arg8[%get3A_259, %get3A_260] : memref<2048x256xf32, #tpu.memory_space<vmem>>, vector<64x3xf32>
    %sub3A_262 = vector.broadcast %get3A_258 : vector<1x3xf32> to vector<64x3xf32>
    %sub3A_263 = arith.subf %get3A_261, %sub3A_262 : vector<64x3xf32>
    %swap3A_264 = arith.constant 1472 : index
    %swap3A_265 = arith.constant 128 : index
    %swap3A_266 = vector.load %arg8[%swap3A_264, %swap3A_265] : memref<2048x256xf32, #tpu.memory_space<vmem>>, vector<64x3xf32>
    tpu.vector_store %arg8[%swap3A_264, %swap3A_265], %sub3A_263 {strides = array<i32>} : memref<2048x256xf32, #tpu.memory_space<vmem>>, vector<64x3xf32>,
    %get3A_267 = arith.constant 24 : index
    %get3A_268 = arith.constant 0 : index
    %get3A_269 = vector.load %arg2[%get3A_267, %get3A_268] : memref<32x3xf32, #tpu.memory_space<vmem>>, vector<1x3xf32>
    %get3A_270 = arith.constant 1536 : index
    %get3A_271 = arith.constant 128 : index
    %get3A_272 = vector.load %arg8[%get3A_270, %get3A_271] : memref<2048x256xf32, #tpu.memory_space<vmem>>, vector<64x3xf32>
    %sub3A_273 = vector.broadcast %get3A_269 : vector<1x3xf32> to vector<64x3xf32>
    %sub3A_274 = arith.subf %get3A_272, %sub3A_273 : vector<64x3xf32>
    %swap3A_275 = arith.constant 1536 : index
    %swap3A_276 = arith.constant 128 : index
    %swap3A_277 = vector.load %arg8[%swap3A_275, %swap3A_276] : memref<2048x256xf32, #tpu.memory_space<vmem>>, vector<64x3xf32>
    tpu.vector_store %arg8[%swap3A_275, %swap3A_276], %sub3A_274 {strides = array<i32>} : memref<2048x256xf32, #tpu.memory_space<vmem>>, vector<64x3xf32>,
    %get3A_278 = arith.constant 25 : index
    %get3A_279 = arith.constant 0 : index
    %get3A_280 = vector.load %arg2[%get3A_278, %get3A_279] : memref<32x3xf32, #tpu.memory_space<vmem>>, vector<1x3xf32>
    %get3A_281 = arith.constant 1600 : index
    %get3A_282 = arith.constant 128 : index
    %get3A_283 = vector.load %arg8[%get3A_281, %get3A_282] : memref<2048x256xf32, #tpu.memory_space<vmem>>, vector<64x3xf32>
    %sub3A_284 = vector.broadcast %get3A_280 : vector<1x3xf32> to vector<64x3xf32>
    %sub3A_285 = arith.subf %get3A_283, %sub3A_284 : vector<64x3xf32>
    %swap3A_286 = arith.constant 1600 : index
    %swap3A_287 = arith.constant 128 : index
    %swap3A_288 = vector.load %arg8[%swap3A_286, %swap3A_287] : memref<2048x256xf32, #tpu.memory_space<vmem>>, vector<64x3xf32>
    tpu.vector_store %arg8[%swap3A_286, %swap3A_287], %sub3A_285 {strides = array<i32>} : memref<2048x256xf32, #tpu.memory_space<vmem>>, vector<64x3xf32>,
    %get3A_289 = arith.constant 26 : index
    %get3A_290 = arith.constant 0 : index
    %get3A_291 = vector.load %arg2[%get3A_289, %get3A_290] : memref<32x3xf32, #tpu.memory_space<vmem>>, vector<1x3xf32>
    %get3A_292 = arith.constant 1664 : index
    %get3A_293 = arith.constant 128 : index
    %get3A_294 = vector.load %arg8[%get3A_292, %get3A_293] : memref<2048x256xf32, #tpu.memory_space<vmem>>, vector<64x3xf32>
    %sub3A_295 = vector.broadcast %get3A_291 : vector<1x3xf32> to vector<64x3xf32>
    %sub3A_296 = arith.subf %get3A_294, %sub3A_295 : vector<64x3xf32>
    %swap3A_297 = arith.constant 1664 : index
    %swap3A_298 = arith.constant 128 : index
    %swap3A_299 = vector.load %arg8[%swap3A_297, %swap3A_298] : memref<2048x256xf32, #tpu.memory_space<vmem>>, vector<64x3xf32>
    tpu.vector_store %arg8[%swap3A_297, %swap3A_298], %sub3A_296 {strides = array<i32>} : memref<2048x256xf32, #tpu.memory_space<vmem>>, vector<64x3xf32>,
    %get3A_300 = arith.constant 27 : index
    %get3A_301 = arith.constant 0 : index
    %get3A_302 = vector.load %arg2[%get3A_300, %get3A_301] : memref<32x3xf32, #tpu.memory_space<vmem>>, vector<1x3xf32>
    %get3A_303 = arith.constant 1728 : index
    %get3A_304 = arith.constant 128 : index
    %get3A_305 = vector.load %arg8[%get3A_303, %get3A_304] : memref<2048x256xf32, #tpu.memory_space<vmem>>, vector<64x3xf32>
    %sub3A_306 = vector.broadcast %get3A_302 : vector<1x3xf32> to vector<64x3xf32>
    %sub3A_307 = arith.subf %get3A_305, %sub3A_306 : vector<64x3xf32>
    %swap3A_308 = arith.constant 1728 : index
    %swap3A_309 = arith.constant 128 : index
    %swap3A_310 = vector.load %arg8[%swap3A_308, %swap3A_309] : memref<2048x256xf32, #tpu.memory_space<vmem>>, vector<64x3xf32>
    tpu.vector_store %arg8[%swap3A_308, %swap3A_309], %sub3A_307 {strides = array<i32>} : memref<2048x256xf32, #tpu.memory_space<vmem>>, vector<64x3xf32>,
    %get3A_311 = arith.constant 28 : index
    %get3A_312 = arith.constant 0 : index
    %get3A_313 = vector.load %arg2[%get3A_311, %get3A_312] : memref<32x3xf32, #tpu.memory_space<vmem>>, vector<1x3xf32>
    %get3A_314 = arith.constant 1792 : index
    %get3A_315 = arith.constant 128 : index
    %get3A_316 = vector.load %arg8[%get3A_314, %get3A_315] : memref<2048x256xf32, #tpu.memory_space<vmem>>, vector<64x3xf32>
    %sub3A_317 = vector.broadcast %get3A_313 : vector<1x3xf32> to vector<64x3xf32>
    %sub3A_318 = arith.subf %get3A_316, %sub3A_317 : vector<64x3xf32>
    %swap3A_319 = arith.constant 1792 : index
    %swap3A_320 = arith.constant 128 : index
    %swap3A_321 = vector.load %arg8[%swap3A_319, %swap3A_320] : memref<2048x256xf32, #tpu.memory_space<vmem>>, vector<64x3xf32>
    tpu.vector_store %arg8[%swap3A_319, %swap3A_320], %sub3A_318 {strides = array<i32>} : memref<2048x256xf32, #tpu.memory_space<vmem>>, vector<64x3xf32>,
    %get3A_322 = arith.constant 29 : index
    %get3A_323 = arith.constant 0 : index
    %get3A_324 = vector.load %arg2[%get3A_322, %get3A_323] : memref<32x3xf32, #tpu.memory_space<vmem>>, vector<1x3xf32>
    %get3A_325 = arith.constant 1856 : index
    %get3A_326 = arith.constant 128 : index
    %get3A_327 = vector.load %arg8[%get3A_325, %get3A_326] : memref<2048x256xf32, #tpu.memory_space<vmem>>, vector<64x3xf32>
    %sub3A_328 = vector.broadcast %get3A_324 : vector<1x3xf32> to vector<64x3xf32>
    %sub3A_329 = arith.subf %get3A_327, %sub3A_328 : vector<64x3xf32>
    %swap3A_330 = arith.constant 1856 : index
    %swap3A_331 = arith.constant 128 : index
    %swap3A_332 = vector.load %arg8[%swap3A_330, %swap3A_331] : memref<2048x256xf32, #tpu.memory_space<vmem>>, vector<64x3xf32>
    tpu.vector_store %arg8[%swap3A_330, %swap3A_331], %sub3A_329 {strides = array<i32>} : memref<2048x256xf32, #tpu.memory_space<vmem>>, vector<64x3xf32>,
    %get3A_333 = arith.constant 30 : index
    %get3A_334 = arith.constant 0 : index
    %get3A_335 = vector.load %arg2[%get3A_333, %get3A_334] : memref<32x3xf32, #tpu.memory_space<vmem>>, vector<1x3xf32>
    %get3A_336 = arith.constant 1920 : index
    %get3A_337 = arith.constant 128 : index
    %get3A_338 = vector.load %arg8[%get3A_336, %get3A_337] : memref<2048x256xf32, #tpu.memory_space<vmem>>, vector<64x3xf32>
    %sub3A_339 = vector.broadcast %get3A_335 : vector<1x3xf32> to vector<64x3xf32>
    %sub3A_340 = arith.subf %get3A_338, %sub3A_339 : vector<64x3xf32>
    %swap3A_341 = arith.constant 1920 : index
    %swap3A_342 = arith.constant 128 : index
    %swap3A_343 = vector.load %arg8[%swap3A_341, %swap3A_342] : memref<2048x256xf32, #tpu.memory_space<vmem>>, vector<64x3xf32>
    tpu.vector_store %arg8[%swap3A_341, %swap3A_342], %sub3A_340 {strides = array<i32>} : memref<2048x256xf32, #tpu.memory_space<vmem>>, vector<64x3xf32>,
    %get3A_344 = arith.constant 31 : index
    %get3A_345 = arith.constant 0 : index
    %get3A_346 = vector.load %arg2[%get3A_344, %get3A_345] : memref<32x3xf32, #tpu.memory_space<vmem>>, vector<1x3xf32>
    %get3A_347 = arith.constant 1984 : index
    %get3A_348 = arith.constant 128 : index
    %get3A_349 = vector.load %arg8[%get3A_347, %get3A_348] : memref<2048x256xf32, #tpu.memory_space<vmem>>, vector<64x3xf32>
    %sub3A_350 = vector.broadcast %get3A_346 : vector<1x3xf32> to vector<64x3xf32>
    %sub3A_351 = arith.subf %get3A_349, %sub3A_350 : vector<64x3xf32>
    %swap3A_352 = arith.constant 1984 : index
    %swap3A_353 = arith.constant 128 : index
    %swap3A_354 = vector.load %arg8[%swap3A_352, %swap3A_353] : memref<2048x256xf32, #tpu.memory_space<vmem>>, vector<64x3xf32>
    tpu.vector_store %arg8[%swap3A_352, %swap3A_353], %sub3A_351 {strides = array<i32>} : memref<2048x256xf32, #tpu.memory_space<vmem>>, vector<64x3xf32>,
    %get3A_355 = arith.constant 0 : index
    %get3A_356 = arith.constant 0 : index
    %get3A_357 = vector.load %arg8[%get3A_355, %get3A_356] : memref<2048x256xf32, #tpu.memory_space<vmem>>, vector<2048x256xf32>
    %get3A_358 = arith.constant 0 : index
    %get3A_359 = arith.constant 0 : index
    %get3A_360 = vector.load %arg3[%get3A_358, %get3A_359] : memref<256x256xf32, #tpu.memory_space<vmem>>, vector<256x256xf32>
    %dot_general3A = arith.constant dense<0.000000e+00> : vector<2048x256xf32>
    %dot_general3A_361 = tpu.matmul %get3A_357, %get3A_360, %dot_general3A {dimension_numbers = #tpu.dot_dimension_numbers<[1], [0], [0], [1], [0, 0, 1, 1], [], []>, transpose_lhs_hint = false} : vector<2048x256xf32>, vector<256x256xf32>, vector<2048x256xf32> -> vector<2048x256xf32>
    %get3A_362 = arith.constant 0 : index
    %get3A_363 = arith.constant 0 : index
    %get3A_364 = vector.load %arg4[%get3A_362, %get3A_363] : memref<1x256xf32, #tpu.memory_space<vmem>>, vector<1x256xf32>
    %add3A = vector.broadcast %get3A_364 : vector<1x256xf32> to vector<2048x256xf32>
    %add3A_365 = arith.addf %dot_general3A_361, %add3A : vector<2048x256xf32>
    %max3A = arith.constant 0.000000e+00 : f32
    %max3A_366 = vector.broadcast %max3A : f32 to vector<2048x256xf32>
    %max3A_367 = arith.maximumf %add3A_365, %max3A_366 : vector<2048x256xf32>
    %get3A_368 = arith.constant 0 : index
    %get3A_369 = arith.constant 0 : index
    %get3A_370 = vector.load %arg5[%get3A_368, %get3A_369] : memref<256x256xf32, #tpu.memory_space<vmem>>, vector<256x256xf32>
    %dot_general3A_371 = arith.constant dense<0.000000e+00> : vector<2048x256xf32>
    %dot_general3A_372 = tpu.matmul %max3A_367, %get3A_370, %dot_general3A_371 {dimension_numbers = #tpu.dot_dimension_numbers<[1], [0], [0], [1], [0, 0, 1, 1], [], []>, transpose_lhs_hint = false} : vector<2048x256xf32>, vector<256x256xf32>, vector<2048x256xf32> -> vector<2048x256xf32>
    %get3A_373 = arith.constant 0 : index
    %get3A_374 = arith.constant 0 : index
    %get3A_375 = vector.load %arg6[%get3A_373, %get3A_374] : memref<1x256xf32, #tpu.memory_space<vmem>>, vector<1x256xf32>
    %add3A_376 = vector.broadcast %get3A_375 : vector<1x256xf32> to vector<2048x256xf32>
    %add3A_377 = arith.addf %dot_general3A_372, %add3A_376 : vector<2048x256xf32>
    %max3A_378 = arith.constant 0.000000e+00 : f32
    %max3A_379 = vector.broadcast %max3A_378 : f32 to vector<2048x256xf32>
    %max3A_380 = arith.maximumf %add3A_377, %max3A_379 : vector<2048x256xf32>
    %reshape3A = vector.shape_cast %max3A_380 : vector<2048x256xf32> to vector<32x64x256xf32>
    %reduce_max3A = arith.constant dense<0xFF800000> : vector<32x256xf32>
    %reduce_max3A_381 = vector.multi_reduction <maximumf>, %reshape3A, %reduce_max3A [1] : vector<32x64x256xf32> to vector<32x256xf32>
    %swap3A_382 = arith.constant 0 : index
    %swap3A_383 = arith.constant 0 : index
    %swap3A_384 = arith.constant 0 : index
    %swap3A_385 = vector.load %arg7[%swap3A_382, %swap3A_383, %swap3A_384] : memref<1x32x256xf32, #tpu.memory_space<vmem>>, vector<1x32x256xf32>
    %swap3A_386 = vector.shape_cast %swap3A_385 : vector<1x32x256xf32> to vector<32x256xf32>
    %swap3A_387 = vector.shape_cast %reduce_max3A_381 : vector<32x256xf32> to vector<1x32x256xf32>
    tpu.vector_store %arg7[%swap3A_382, %swap3A_383, %swap3A_384], %swap3A_387 {strides = array<i32>} : memref<1x32x256xf32, #tpu.memory_space<vmem>>, vector<1x32x256xf32>,
    return
  }
  func.func @transform_0(%arg0: i32) -> (i32, i32) {
    %c0_i32 = arith.constant 0 : i32
    %c0_i32_0 = arith.constant 0 : i32
    return %arg0, %c0_i32 : i32, i32
  }
  func.func @transform_1(%arg0: i32) -> (i32, i32) {
    %c0_i32 = arith.constant 0 : i32
    %c0_i32_0 = arith.constant 0 : i32
    return %arg0, %c0_i32 : i32, i32
  }
  func.func @transform_2(%arg0: i32) -> (i32, i32) {
    %c0_i32 = arith.constant 0 : i32
    %c0_i32_0 = arith.constant 0 : i32
    %c0_i32_1 = arith.constant 0 : i32
    return %c0_i32, %c0_i32_0 : i32, i32
  }
  func.func @transform_3(%arg0: i32) -> (i32, i32) {
    %c0_i32 = arith.constant 0 : i32
    %c0_i32_0 = arith.constant 0 : i32
    %c0_i32_1 = arith.constant 0 : i32
    return %c0_i32, %c0_i32_0 : i32, i32
  }
  func.func @transform_4(%arg0: i32) -> (i32, i32) {
    %c0_i32 = arith.constant 0 : i32
    %c0_i32_0 = arith.constant 0 : i32
    %c0_i32_1 = arith.constant 0 : i32
    return %c0_i32, %c0_i32_0 : i32, i32
  }
  func.func @transform_5(%arg0: i32) -> (i32, i32) {
    %c0_i32 = arith.constant 0 : i32
    %c0_i32_0 = arith.constant 0 : i32
    %c0_i32_1 = arith.constant 0 : i32
    return %c0_i32, %c0_i32_0 : i32, i32
  }
  func.func @transform_6(%arg0: i32) -> (i32, i32, i32) {
    %c0_i32 = arith.constant 0 : i32
    %c0_i32_0 = arith.constant 0 : i32
    %c0_i32_1 = arith.constant 0 : i32
    return %arg0, %c0_i32, %c0_i32_0 : i32, i32, i32
  }
}

</mosaic_0001>

<sc_bundles>
// kernel: kernel.6.cloned.1.call-start
scs
__scs_entry_jumppad:
0x0: {  	(pc) =	sbr.rel $0x88, $3  }
0x1: {  	(tag) =	ssettag $0x0;
	lr =	simm.s32 $0x1  }
0x2: {  	[smem:$0x3F9B] =	sst lr;
	_ =	strace $0xD0000000  }
0x3: {  	_ = 	snop  }
0x4: {  	_ = 	snop  }
0x5: {  	_ = 	snop  }
0x6: {  	_ = 	snop  }
0x7: {  	_ = 	snop  }
__scs_overlays_trampoline_lowered:
0x8: {  	[smem:$0x3FAA] =	sst s0  }
0x9: {  	[smem:$0x3FAB] =	sst s1  }
0xa: {  	[smem:$0x3FAC] =	sst s2  }
0xb: {  	[smem:$0x3FAD] =	sst s3  }
0xc: {  	[smem:$0x3FAE] =	sst s4  }
0xd: {  	[smem:$0x3FAF] =	sst s5  }
0xe: {  	[smem:$0x3FB0] =	sst s6  }
0xf: {  	[smem:$0x3FB1] =	sst s7  }
0x10: {  	[smem:$0x3FB2] =	sst s8  }
0x11: {  	[smem:$0x3FB3] =	sst s9;
	s0 =	simm.s32 @!p0 $0x0  }
0x12: {  	s1 =	sld [smem:$0x3F99];
	s0 =	simm.s32 @p0 $0x1  }
0x13: {  	[smem:$0x3FB4] =	sst s0;
	s0 =	simm.s32 @!p1 $0x0  }
0x14: {  	s2 =	sld [smem:$0x3F98];
	s0 =	simm.s32 @p1 $0x1  }
0x15: {  	[smem:$0x3FB5] =	sst s0;
	s0 =	simm.s32 @!p2 $0x0  }
0x16: {  	s3 =	sld [smem:$0x3FDB];
	s0 =	simm.s32 @p2 $0x1  }
0x17: {  	s4 =	simm.s32 $0x1BF5;
	[smem:$0x3FB7] =	sst s0  }
0x18: {  	s0 =	sld [smem:$0x3F9A];
	_ =	swait.ge [sflag:s4], $0x0  }
0x19: {  	s7 =	sld [smem:$0x3F9B]  }
0x1a: {  	s8 =	sadd.s32 $0xFFFFE003, lr  }
0x1b: {  	s9 =	sadd.s32 $0xFFFFFEF7, lr;
	s5 =	simm.s32 $0xFFFFFFFF;
	p2 =	slt.u32 s8, $0xFFFFF086  }
0x1c: {  	p1 =	slt.u32 s9, $0xF7A;
	s5 =	simm.s32 @!p2 $0x0  }
0x1d: {  	s5 =	simm.s32 @p1 $0x1;
	p0 =	seq.s32 s7, s2  }
0x1e: {  	s7 =	smul.u32 @!p0 $0xF7A, s2;
	p2 =	seq.s32 @!p0 s5, $0x0  }
0x1f: {  	s9 =	smul.u32 $0xF7A, s1;
	s8 =	simm.s32 @!p0 $0x1BF5;
	p2 =	por !p2, p0  }
0x20: {  	[sflag:s8] =	ssyncset.s32 @!p0 $0xFFFFF086;
	s6 =	sadd.s32 @!p0 s3, s7;
	s7 =	simm.s32 @!p0 $0x108  }
0x21: {  	s3 =	sadd.s32 s3, s9;
	s6 =	sadd.s32 @!p0 $0x88, s6;
	s7 =	simm.s32 @p2 $0x1082  }
0x22: {  	[simem:s7], [sflag:s8] =	dma.local @!p0 [hbm:s6], $0xF7A  }
0x23: {  	s9 =	sor.u32 $0xD0000000, s2;
	s6 =	simm.s32 $0x108;
	_ =	swait.ge @!p0 [sflag:s8], $0x0  }
0x24: {  	s3 =	sadd.s32 $0x88, s3;
	s6 =	simm.s32 @!p1 $0x1082;
	[sflag:s4] =	ssyncset.s32 $0xFFFFF086  }
0x25: {  	[simem:s6], [sflag:s4] =	dma.local [hbm:s3], $0xF7A  }
0x26: {  	[smem:$0x3F9B] =	sst s1;
	(tag) =	ssettag s2;
	_ =	strace s9  }
0x27: {  	s1 =	sld [smem:$0x3FAB]  }
0x28: {  	s2 =	sld [smem:$0x3FAC]  }
0x29: {  	s4 =	sld [smem:$0x3FAE]  }
0x2a: {  	p0 =	seq.s32 s5, $0x0;
	s5 =	sld [smem:$0x3FAF]  }
0x2b: {  	s6 =	sld [smem:$0x3FB0]  }
0x2c: {  	s7 =	sld [smem:$0x3FB1]  }
0x2d: {  	s3 =	simm.s32 $0x108;
	s8 =	sld [smem:$0x3FB2]  }
0x2e: {  	s3 =	simm.s32 @!p0 $0x1082;
	s9 =	sld [smem:$0x3FB3]  }
0x2f: {  	lr =	sadd.s32 s0, s3;
	s0 =	sld [smem:$0x3FAA]  }
0x30: {  	s3 =	sld [smem:$0x3FAD]  }
0x31: {  	[smem:$0x3FB6] =	sst s10  }
0x32: {  	s10 =	sld [smem:$0x3FB4];
	_ =	sdelay $0x3  }
0x33: {  	p0 =	seq.s32 s10, $0x1;
	s10 =	sld [smem:$0x3FB6];
	_ =	sdelay $0x3  }
0x34: {  	[smem:$0x3FB6] =	sst s10  }
0x35: {  	s10 =	sld [smem:$0x3FB5];
	_ =	sdelay $0x3  }
0x36: {  	p1 =	seq.s32 s10, $0x1;
	s10 =	sld [smem:$0x3FB6];
	_ =	sdelay $0x3  }
0x37: {  	[smem:$0x3FB6] =	sst s10  }
0x38: {  	s10 =	sld [smem:$0x3FB7]  }
0x39: {  	_ = 	snop;
	(pc) =	sbr.ind lr, $3  }
0x3a: {  	_ = 	snop  }
0x3b: {  	_ = 	snop  }
0x3c: {  	p2 =	seq.s32 s10, $0x1;
	s10 =	sld [smem:$0x3FB6]  }
0x3d: {  	_ =	shalt  }
0x3e: {  	_ =	shalt  }
0x3f: {  	_ =	shalt  }
0x40: {  	_ =	shalt  }
0x41: {  	_ =	shalt  }
0x42: {  	_ =	shalt  }
0x43: {  	_ =	shalt  }
0x44: {  	_ =	shalt  }
0x45: {  	_ =	shalt  }
0x46: {  	_ =	shalt  }
0x47: {  	_ =	shalt  }
0x48: {  	_ =	shalt  }
0x49: {  	_ =	shalt  }
0x4a: {  	_ =	shalt  }
0x4b: {  	_ =	shalt  }
0x4c: {  	_ =	shalt  }
0x4d: {  	_ =	shalt  }
0x4e: {  	_ =	shalt  }
0x4f: {  	_ =	shalt  }
0x50: {  	_ =	shalt  }
0x51: {  	_ =	shalt  }
0x52: {  	_ =	shalt  }
0x53: {  	_ =	shalt  }
0x54: {  	_ =	shalt  }
0x55: {  	_ =	shalt  }
0x56: {  	_ =	shalt  }
0x57: {  	_ =	shalt  }
0x58: {  	_ =	shalt  }
0x59: {  	_ =	shalt  }
0x5a: {  	_ =	shalt  }
0x5b: {  	_ =	shalt  }
0x5c: {  	_ =	shalt  }
0x5d: {  	_ =	shalt  }
0x5e: {  	_ =	shalt  }
0x5f: {  	_ =	shalt  }
0x60: {  	_ =	shalt  }
0x61: {  	_ =	shalt  }
0x62: {  	_ =	shalt  }
0x63: {  	_ =	shalt  }
0x64: {  	_ =	shalt  }
0x65: {  	_ =	shalt  }
0x66: {  	_ =	shalt  }
0x67: {  	_ =	shalt  }
0x68: {  	_ =	shalt  }
0x69: {  	_ =	shalt  }
0x6a: {  	_ =	shalt  }
0x6b: {  	_ =	shalt  }
0x6c: {  	_ =	shalt  }
0x6d: {  	_ =	shalt  }
0x6e: {  	_ =	shalt  }
0x6f: {  	_ =	shalt  }
0x70: {  	_ =	shalt  }
0x71: {  	_ =	shalt  }
0x72: {  	_ =	shalt  }
0x73: {  	_ =	shalt  }
0x74: {  	_ =	shalt  }
0x75: {  	_ =	shalt  }
0x76: {  	_ =	shalt  }
0x77: {  	_ =	shalt  }
0x78: {  	_ =	shalt  }
0x79: {  	_ =	shalt  }
0x7a: {  	_ =	shalt  }
0x7b: {  	_ =	shalt  }
0x7c: {  	_ =	shalt  }
0x7d: {  	_ =	shalt  }
0x7e: {  	_ =	shalt  }
0x7f: {  	_ =	shalt  }
0x80: {  	_ =	shalt  }
0x81: {  	_ =	shalt  }
0x82: {  	_ =	shalt  }
0x83: {  	_ =	shalt  }
0x84: {  	_ =	shalt  }
0x85: {  	_ =	shalt  }
0x86: {  	_ =	shalt  }
0x87: {  	_ =	shalt  }
.Lfunc_end0:
.L_simem_size_0:
called_computation_lowered:
.L_overlay_start_0:
0x88: {  	s2 =	sld [smem:$0x3FD9]  }
0x89: {  	s3 =	sld [smem:$0x3FFE];
	_ =	sdelay $0x1  }
0x8a: {  	s1 =	srdreg.scid  }
0x8b: {  	s0 =	sand.u32 $0x1, s1  }
0x8c: {  	s16 =	sshll.u32 s0, $0xA;
	s2 =	sadd.s32 s3, s2  }
0x8d: {  	s2 =	sadd.s32 s2, s16  }
0x8e: {  	[smem:$0x3FC2] =	sst s2  }
0x8f: {  	_ = 	snop  }
0x90: {  	(tm) =	ssettm $0x1  }
0x91: {  	s17 =	sld [smem:$0x3FFB];
	_ =	sdelay $0x3  }
0x92: {  	_ =	strace s17  }
0x93: {  	s2 =	sld [smem:$0x3FFC];
	_ =	sdelay $0x3  }
0x94: {  	_ =	strace s2  }
0x95: {  	s2 =	sld [smem:$0x3FFD];
	_ =	sdelay $0x3  }
0x96: {  	_ =	strace s2  }
0x97: {  	_ =	strace $0x8FFFFFFF  }
0x98: {  	s18 =	sld [smem:$0x3FDB];
	_ =	sdelay $0x1  }
0x99: {  	s19 =	simm.s32 $_scs_section_size  }
0x9a: {  	s4 =	simm.s32 $_size__tile_overlayer_lowered;
	s5 =	simm.s32 $_tile_overlayer_lowered  }
0x9b: {  	s22 =	simm.s32 $0x1BFF;
	s21 =	sshll.u32 s5, $0x1;
	s2 =	sadd.s32 s19, s18  }
0x9c: {  	s6 =	simm.s32 $0x0;
	s20 =	sshll.u32 s4, $0x1;
	s4 =	sadd.s32 s21, s2  }
0x9d: {  	[timem:s6], [sflag:s22] =	dma.local [hbm:s4], s20  }
0x9e: {  	_ =	swait.ge [sflag:s22], s20  }
0x9f: {  	s3 =	ssub.s32 $0x0, s20;
	[sflag:s22] =	ssyncset.done $0x0  }
0xa0: {  	[sflag:s22] =	ssyncadd.s32 s3;
	_ =	sdelay $0x1  }
0xa1: {  	s23 =	simm.s32 $0x1B8B  }
0xa2: {  	_ =	swait.ge [sflag:s23], $0x1  }
0xa3: {  	[sflag:s23] =	ssyncset.done $0x0  }
0xa4: {  	s25 =	simm.s32 $0x1B8E;
	s24 =	sld [smem:$0x3FFE];
	[sflag:s23] =	ssyncadd.s32 $0xFFFFFFFF  }
0xa5: {  	s26 =	simm.s32 $execute0_lowered;
	[smem:$0x3FD2] =	sst s25  }
0xa6: {  	s4 =	sshll.u32 s26, $0x1;
	_ =	strace $0x80000046;
	[dreg:$0x1] =	wrdreg $0xFFFFFFFF  }
0xa7: {  	s28 =	simm.s32 $_size_execute0_lowered;
	s2 =	sadd.s32 s2, s4;
	[dreg:$0x0] =	wrdreg $0x0  }
0xa8: {  	s4 =	sshll.u32 s28, $0x1;
	[dreg:$0x2] =	wrdreg s2  }
0xa9: {  	[dreg:$0x3] =	wrdreg s4  }
0xaa: {  	[dreg:$0x4] =	wrdreg $0xC0  }
0xab: {  	_ =	task [dreg:s6], $0x5FFFF  }
0xac: {  	[dreg:$0x1] =	wrdreg $0xFFFFFFFF  }
0xad: {  	[dreg:$0x0] =	wrdreg $0x60  }
0xae: {  	[dreg:$0x2] =	wrdreg s24  }
0xaf: {  	[dreg:$0x3] =	wrdreg $0x9  }
0xb0: {  	_ =	task.clear_ibuf [dreg:s6], $0x4FFFF;
	_ =	strace $0x90000046  }
0xb1: {  	s29 =	simm.s32 $0x9;
	_ =	strace $0x80000048  }
0xb2: {  	_ =	swait.ge [sflag:s29], $0x1  }
0xb3: {  	[sflag:s29] =	ssyncadd.s32 $0xFFFFFFFF  }
0xb4: {  	_ =	strace $0x90000048  }
0xb5: {  	_ =	sfence  }
0xb6: {  	s30 =	sld [smem:$0x0];
	_ =	sdelay $0x2  }
0xb7: {  	s31 =	sshll.u32 s1, $0xD;
	s1 =	sshrl.u32 s1, $0x2  }
0xb8: {  	s3 =	sand.u32 $0x4000, s31;
	s1 =	sadd.s32 s1, s30  }
0xb9: {  	s0 =	sor.u32 s3, s0;
	s1 =	sshll.u32 s1, $0x11  }
0xba: {  	s0 =	sor.u32 s1, s0  }
0xbb: {  	s0 =	sadd.s32 $0x8F2B, s0  }
0xbc: {  	[sflag:s0] =	ssyncadd.remote.s32 $0x1  }
0xbd: {  	_ =	sfence.sel $0xFFFF  }
0xbe: {  	[dreg:$0x0] =	wrdreg $0xFFFFFFFF;
	(pc) =	sbr.abs _section_cstart, $3  }
0xbf: {  	[dreg:$0x1] =	wrdreg $0xFFFFFFFF  }
0xc0: {  	_ =	task.clear_ibuf [dreg:s6], $0x2FFFF;
	_ =	strace $0x9FFFFFFF  }
0xc1: {  	(tm) =	ssettm $0x7FFFFFFF  }
tec
execute0_lowered:
.L_overlay_start_1:
0x0: {  	(tag) =	ssettag $0x1  }
0x1: {  	s0 =	rddreg [dreg:$0x0];
	s1 =	srdreg.scid;
	s2 =	simm.s32 $0x0  }
0x2: {  	s6 =	stileid.u32;
	s8 =	simm.s32 $0x2000;
	s20 =	simm.s32 $0x8000  }
0x3: {  	s21 =	simm.s32 $0x8800;
	s22 =	simm.s32 $0x9000;
	s28 =	simm.s32 $0xB800  }
0x4: {  	s29 =	simm.s32 $0xC000;
	s30 =	simm.s32 $0xC800;
	s31 =	simm.s32 $0xD000  }
0x5: {  	s9 =	simm.s32 $0xF800;
	s10 =	simm.s32 $0x10000;
	s11 =	simm.s32 $0x10800  }
0x6: {  	s12 =	simm.s32 $0x11000;
	s13 =	simm.s32 $0x11800;
	s14 =	simm.s32 $0x1  }
0x7: {  	s15 =	simm.s32 $0x2;
	s17 =	simm.s32 $0x0;
	s1 =	sand.u32 $0x1, s1  }
0x8: {  	[smem:$0x7FF] =	sst s2;
	s4 =	sshll.u32 s6, $0xE;
	s3 =	sadd.s32 $0x9A00, s0  }
0x9: {  	s23 =	sshll.u32 s6, $0x13;
	s5 =	sshll.u32 s1, $0xD;
	_ =	strace $0x80000047  }
0xa: {  	s24 =	ssub.s32 $0x2, s1;
	s1 =	sshll.u32 s1, $0x12;
	s4 =	sor.u32 s5, s4  }
0xb: {  	s5 =	sadd.s32 s23, s0;
	s7 =	sshrl.u32 s24, $0x1;
	s23 =	simm.s32 $0x9800  }
0xc: {  	s4 =	sshrl.u32 s4, $0x3;
	s25 =	ssub.s32 s24, s7;
	s1 =	sadd.s32 s1, s5  }
.Ltmp0:
0xd: {  	s7 =	simm.s32 $0x3;
	s24 =	simm.s32 $0xA000;
	(pc) =	sbr.rel .LBB2_1-.Ltmp0, $4  }
0xe: {  	s5 =	simm.s32 $0xF000;
	s0 =	sadd.s32 s4, s0;
	s26 =	smax.u32 s25, $0x1  }
0xf: {  	v2 =	vlaneseq.u32;
	s6 =	sadd.s32 $0x89A00, s1;
	s25 =	simm.s32 $0xA800;
	s1 =	simm.s32 $0xE000  }
0x10: {  	vm0 =	vmmov $0xffff;
	v1 =	vshrl.u32 v2, $0x3;
	s4 =	simm.s32 $0xE800;
	s0 =	sadd.s32 $0x1A00, s0;
	[dreg:$0x3] =	wrdreg s26  }
0x11: {  	v0 =	vand.u32 $0x7, v2;
	v2 =	vor.u32 $0x8, v2;
	v1 =	vmul.u32 $0x8, v1;
	s26 =	simm.s32 $0xB000;
	[dreg:$0x2] =	wrdreg s0;
	s0 =	simm.s32 $0xD800  }
.LBB2_5:
0x12: {  	s17 =	rddreg [dreg:$0x4]  }
0x13: {  	s16 =	rddreg [dreg:$0x3];
	s17 =	sadd.s32 $0x1, s17  }
0x14: {  	p0 =	sne.s32 s17, s16  }
.Ltmp1:
0x15: {  	_ = 	snop;
	(pc) =	sbr.rel @!p0 .LBB2_6-.Ltmp1, $1  }
0x16: {  	_ =	sdelay $0x3  }
.LBB2_1:
0x17: {  	[dreg:$0x4] =	wrdreg s17  }
0x18: {  	s16 =	rddreg [dreg:$0x2]  }
0x19: {  	[tilespmem:s2], [sflag:$0x3] =	stream.linear.gather [hbm4b:s16+s2], $0x2000, $0x38;
	[tilespmem:$0x12000] =	vst v63  }
0x1a: {  	_ =	swait.ge [sflag:s7], $0x2000  }
0x1b: {  	[sflag:s7] =	ssyncset.done $0x0  }
0x1c: {  	[sflag:s7] =	ssyncadd.s32 $0xFFFFE000  }
0x1d: {  	v3 =	vld [tilespmem:$0x0];
	_ =	sdelay $0x4  }
0x1e: {  	v4 =	vshll.u32 v3, $0x1  }
0x1f: {  	v3 =	vand.u32 $0x7, v3;
	v4 =	vand.u32 $0xFFFFFFF0, v4  }
0x20: {  	v3 =	vor.u32 v3, v4  }
0x21: {  	v4 =	vperm.xlane v3, v0;
	_ =	sdelay $0x1  }
0x22: {  	v3 =	vperm.xlane v3, v2;
	v4 =	vadd.s32 v1, v4;
	_ =	sdelay $0x1  }
0x23: {  	v3 =	vadd.s32 v1, v3;
	_ =	sdelay $0x2  }
0x24: {  	[tilespmem:s8], [sflag:$0x1] =	stream.indirect_vreg.gather [hbm4b:s3+s2], $0x80, v4, vm0, $0xb8;
	[tilespmem:$0x12000] =	vst v63  }
0x25: {  	s18 =	simm.s32 $0x2800  }
0x26: {  	[tilespmem:s18], [sflag:$0x1] =	stream.indirect_vreg.gather [hbm4b:s3+s2], $0x80, v3, vm0, $0xb8;
	[tilespmem:$0x12000] =	vst v63  }
0x27: {  	v3 =	vld [tilespmem:$0x10];
	_ =	sdelay $0x4  }
0x28: {  	v57 =	vshll.u32 v3, $0x1  }
0x29: {  	v3 =	vand.u32 $0x7, v3;
	v4 =	vand.u32 $0xFFFFFFF0, v57  }
0x2a: {  	v3 =	vor.u32 v3, v4  }
0x2b: {  	v4 =	vperm.xlane v3, v0;
	_ =	sdelay $0x1  }
0x2c: {  	v3 =	vperm.xlane v3, v2;
	v4 =	vadd.s32 v1, v4;
	_ =	sdelay $0x1  }
0x2d: {  	v3 =	vadd.s32 v1, v3;
	_ =	sdelay $0x1  }
0x2e: {  	s19 =	simm.s32 $0x3000  }
0x2f: {  	[tilespmem:s19], [sflag:$0x1] =	stream.indirect_vreg.gather [hbm4b:s3+s2], $0x80, v4, vm0, $0xb8;
	[tilespmem:$0x12000] =	vst v63  }
0x30: {  	s17 =	simm.s32 $0x3800  }
0x31: {  	[tilespmem:s17], [sflag:$0x1] =	stream.indirect_vreg.gather [hbm4b:s3+s2], $0x80, v3, vm0, $0xb8;
	[tilespmem:$0x12000] =	vst v63  }
0x32: {  	v3 =	vld [tilespmem:$0x20];
	_ =	sdelay $0x4  }
0x33: {  	v58 =	vshll.u32 v3, $0x1  }
0x34: {  	v3 =	vand.u32 $0x7, v3;
	v4 =	vand.u32 $0xFFFFFFF0, v58  }
0x35: {  	v3 =	vor.u32 v3, v4  }
0x36: {  	v4 =	vperm.xlane v3, v0;
	_ =	sdelay $0x1  }
0x37: {  	v3 =	vperm.xlane v3, v2;
	v4 =	vadd.s32 v1, v4;
	_ =	sdelay $0x1  }
0x38: {  	v3 =	vadd.s32 v1, v3;
	_ =	sdelay $0x1  }
0x39: {  	s18 =	simm.s32 $0x4000  }
0x3a: {  	[tilespmem:s18], [sflag:$0x1] =	stream.indirect_vreg.gather [hbm4b:s3+s2], $0x80, v4, vm0, $0xb8;
	[tilespmem:$0x12000] =	vst v63  }
0x3b: {  	s19 =	simm.s32 $0x4800  }
0x3c: {  	[tilespmem:s19], [sflag:$0x1] =	stream.indirect_vreg.gather [hbm4b:s3+s2], $0x80, v3, vm0, $0xb8;
	[tilespmem:$0x12000] =	vst v63  }
0x3d: {  	v3 =	vld [tilespmem:$0x30];
	_ =	sdelay $0x4  }
0x3e: {  	v59 =	vshll.u32 v3, $0x1  }
0x3f: {  	v3 =	vand.u32 $0x7, v3;
	v4 =	vand.u32 $0xFFFFFFF0, v59  }
0x40: {  	v3 =	vor.u32 v3, v4  }
0x41: {  	v4 =	vperm.xlane v3, v0;
	_ =	sdelay $0x1  }
0x42: {  	v3 =	vperm.xlane v3, v2;
	v4 =	vadd.s32 v1, v4;
	_ =	sdelay $0x1  }
0x43: {  	v3 =	vadd.s32 v1, v3;
	_ =	sdelay $0x1  }
0x44: {  	s17 =	simm.s32 $0x5000  }
0x45: {  	[tilespmem:s17], [sflag:$0x1] =	stream.indirect_vreg.gather [hbm4b:s3+s2], $0x80, v4, vm0, $0xb8;
	[tilespmem:$0x12000] =	vst v63  }
0x46: {  	s18 =	simm.s32 $0x5800  }
0x47: {  	[tilespmem:s18], [sflag:$0x1] =	stream.indirect_vreg.gather [hbm4b:s3+s2], $0x80, v3, vm0, $0xb8;
	[tilespmem:$0x12000] =	vst v63  }
0x48: {  	v3 =	vld [tilespmem:$0x40];
	_ =	sdelay $0x4  }
0x49: {  	v60 =	vshll.u32 v3, $0x1  }
0x4a: {  	v3 =	vand.u32 $0x7, v3;
	v4 =	vand.u32 $0xFFFFFFF0, v60  }
0x4b: {  	v3 =	vor.u32 v3, v4  }
0x4c: {  	v4 =	vperm.xlane v3, v0;
	_ =	sdelay $0x1  }
0x4d: {  	v3 =	vperm.xlane v3, v2;
	v4 =	vadd.s32 v1, v4;
	_ =	sdelay $0x1  }
0x4e: {  	v3 =	vadd.s32 v1, v3;
	_ =	sdelay $0x1  }
0x4f: {  	s19 =	simm.s32 $0x6000  }
0x50: {  	[tilespmem:s19], [sflag:$0x1] =	stream.indirect_vreg.gather [hbm4b:s3+s2], $0x80, v4, vm0, $0xb8;
	[tilespmem:$0x12000] =	vst v63  }
0x51: {  	s17 =	simm.s32 $0x6800  }
0x52: {  	[tilespmem:s17], [sflag:$0x1] =	stream.indirect_vreg.gather [hbm4b:s3+s2], $0x80, v3, vm0, $0xb8;
	[tilespmem:$0x12000] =	vst v63  }
0x53: {  	v3 =	vld [tilespmem:$0x50];
	_ =	sdelay $0x4  }
0x54: {  	v61 =	vshll.u32 v3, $0x1  }
0x55: {  	v3 =	vand.u32 $0x7, v3;
	v4 =	vand.u32 $0xFFFFFFF0, v61  }
0x56: {  	v3 =	vor.u32 v3, v4  }
0x57: {  	v4 =	vperm.xlane v3, v0;
	_ =	sdelay $0x1  }
0x58: {  	v3 =	vperm.xlane v3, v2;
	v4 =	vadd.s32 v1, v4;
	_ =	sdelay $0x1  }
0x59: {  	v3 =	vadd.s32 v1, v3;
	_ =	sdelay $0x1  }
0x5a: {  	s18 =	simm.s32 $0x7000  }
0x5b: {  	[tilespmem:s18], [sflag:$0x1] =	stream.indirect_vreg.gather [hbm4b:s3+s2], $0x80, v4, vm0, $0xb8;
	[tilespmem:$0x12000] =	vst v63  }
0x5c: {  	s19 =	simm.s32 $0x7800  }
0x5d: {  	[tilespmem:s19], [sflag:$0x1] =	stream.indirect_vreg.gather [hbm4b:s3+s2], $0x80, v3, vm0, $0xb8;
	[tilespmem:$0x12000] =	vst v63  }
0x5e: {  	v3 =	vld [tilespmem:$0x60];
	_ =	sdelay $0x4  }
0x5f: {  	v62 =	vshll.u32 v3, $0x1  }
0x60: {  	v3 =	vand.u32 $0x7, v3;
	v4 =	vand.u32 $0xFFFFFFF0, v62  }
0x61: {  	v3 =	vor.u32 v3, v4  }
0x62: {  	v4 =	vperm.xlane v3, v0;
	_ =	sdelay $0x1  }
0x63: {  	v3 =	vperm.xlane v3, v2;
	v4 =	vadd.s32 v1, v4;
	_ =	sdelay $0x1  }
0x64: {  	v3 =	vadd.s32 v1, v3;
	_ =	sdelay $0x2  }
0x65: {  	[tilespmem:s20], [sflag:$0x1] =	stream.indirect_vreg.gather [hbm4b:s3+s2], $0x80, v4, vm0, $0xb8;
	[tilespmem:$0x12000] =	vst v63  }
0x66: {  	_ = 	snop  }
0x67: {  	[tilespmem:s21], [sflag:$0x1] =	stream.indirect_vreg.gather [hbm4b:s3+s2], $0x80, v3, vm0, $0xb8;
	[tilespmem:$0x12000] =	vst v63  }
0x68: {  	v3 =	vld [tilespmem:$0x70];
	_ =	sdelay $0x4  }
0x69: {  	v63 =	vshll.u32 v3, $0x1  }
0x6a: {  	v3 =	vand.u32 $0x7, v3;
	v4 =	vand.u32 $0xFFFFFFF0, v63  }
0x6b: {  	v3 =	vor.u32 v3, v4  }
0x6c: {  	v4 =	vperm.xlane v3, v0;
	_ =	sdelay $0x1  }
0x6d: {  	v3 =	vperm.xlane v3, v2;
	v4 =	vadd.s32 v1, v4;
	_ =	sdelay $0x1  }
0x6e: {  	v3 =	vadd.s32 v1, v3  }
.Ltmp2:
0x6f: {  	_ = 	snop;
	(pc) =	sbr.rel .LBB2_2-.Ltmp2, $4  }
0x70: {  	_ = 	snop  }
0x71: {  	[tilespmem:s22], [sflag:$0x1] =	stream.indirect_vreg.gather [hbm4b:s3+s2], $0x80, v4, vm0, $0xb8;
	[tilespmem:$0x12000] =	vst v63  }
0x72: {  	s16 =	simm.s32 $0xC0;
	s17 =	simm.s32 $0x0  }
0x73: {  	[tilespmem:s23], [sflag:$0x1] =	stream.indirect_vreg.gather [hbm4b:s3+s2], $0x80, v3, vm0, $0xb8;
	[tilespmem:$0x12000] =	vst v63  }
.LBB2_4:
0x74: {  	_ =	swait.ge [sflag:s15], $0x8000;
	s17 =	sadd.s32 $0x2000, s17  }
0x75: {  	[sflag:s15] =	ssyncset.done $0x0;
	p0 =	sne.s32 s17, $0x40000  }
.Ltmp3:
0x76: {  	s18 =	sadd.s32 $0x1000, s18;
	[sflag:s15] =	ssyncadd.s32 $0xFFFF8000;
	(pc) =	sbr.rel @!p0 .LBB2_5-.Ltmp3, $4  }
0x77: {  	[hbm4b:s18+s2] =	stream.linear.scatter [tilespmem:s24], [sflag:$0x3], $0x8000, $0x38;
	[tilespmem:$0x12000] =	vst v63  }
0x78: {  	_ =	swait.ge [sflag:s7], $0x8000  }
0x79: {  	[sflag:s7] =	ssyncset.done $0x0  }
0x7a: {  	s16 =	sadd.s32 $0x100, s16;
	[sflag:s7] =	ssyncadd.s32 $0xFFFF8000  }
.LBB2_2:
0x7b: {  	v3 =	vld [tilespmem:s16+$0xFFFFFFC0];
	_ =	sdelay $0x4  }
0x7c: {  	v4 =	vshll.u32 v3, $0x1  }
0x7d: {  	v3 =	vand.u32 $0x7, v3;
	v4 =	vand.u32 $0xFFFFFFF0, v4  }
0x7e: {  	v3 =	vor.u32 v3, v4  }
0x7f: {  	v4 =	vperm.xlane v3, v0;
	_ =	sdelay $0x1  }
0x80: {  	v3 =	vperm.xlane v3, v2;
	v4 =	vadd.s32 v1, v4;
	_ =	sdelay $0x1  }
0x81: {  	v3 =	vadd.s32 v1, v3;
	_ =	sdelay $0x2  }
0x82: {  	[tilespmem:s24], [sflag:$0x2] =	stream.indirect_vreg.gather [hbm4b:s3+s2], $0x80, v4, vm0, $0xb8;
	[tilespmem:$0x12000] =	vst v63  }
0x83: {  	_ = 	snop  }
0x84: {  	[tilespmem:s25], [sflag:$0x2] =	stream.indirect_vreg.gather [hbm4b:s3+s2], $0x80, v3, vm0, $0xb8;
	[tilespmem:$0x12000] =	vst v63  }
0x85: {  	v3 =	vld [tilespmem:s16+$0xFFFFFFD0];
	_ =	sdelay $0x4  }
0x86: {  	v57 =	vshll.u32 v3, $0x1  }
0x87: {  	v3 =	vand.u32 $0x7, v3;
	v4 =	vand.u32 $0xFFFFFFF0, v57  }
0x88: {  	v3 =	vor.u32 v3, v4  }
0x89: {  	v4 =	vperm.xlane v3, v0;
	_ =	sdelay $0x1  }
0x8a: {  	v3 =	vperm.xlane v3, v2;
	v4 =	vadd.s32 v1, v4;
	_ =	sdelay $0x1  }
0x8b: {  	v3 =	vadd.s32 v1, v3;
	_ =	sdelay $0x2  }
0x8c: {  	[tilespmem:s26], [sflag:$0x2] =	stream.indirect_vreg.gather [hbm4b:s3+s2], $0x80, v4, vm0, $0xb8;
	[tilespmem:$0x12000] =	vst v63  }
0x8d: {  	_ = 	snop  }
0x8e: {  	[tilespmem:s28], [sflag:$0x2] =	stream.indirect_vreg.gather [hbm4b:s3+s2], $0x80, v3, vm0, $0xb8;
	[tilespmem:$0x12000] =	vst v63  }
0x8f: {  	v3 =	vld [tilespmem:s16+$0xFFFFFFE0];
	_ =	sdelay $0x4  }
0x90: {  	v58 =	vshll.u32 v3, $0x1  }
0x91: {  	v3 =	vand.u32 $0x7, v3;
	v4 =	vand.u32 $0xFFFFFFF0, v58  }
0x92: {  	v3 =	vor.u32 v3, v4  }
0x93: {  	v4 =	vperm.xlane v3, v0;
	_ =	sdelay $0x1  }
0x94: {  	v3 =	vperm.xlane v3, v2;
	v4 =	vadd.s32 v1, v4;
	_ =	sdelay $0x1  }
0x95: {  	v3 =	vadd.s32 v1, v3;
	_ =	sdelay $0x2  }
0x96: {  	[tilespmem:s29], [sflag:$0x2] =	stream.indirect_vreg.gather [hbm4b:s3+s2], $0x80, v4, vm0, $0xb8;
	[tilespmem:$0x12000] =	vst v63  }
0x97: {  	_ = 	snop  }
0x98: {  	[tilespmem:s30], [sflag:$0x2] =	stream.indirect_vreg.gather [hbm4b:s3+s2], $0x80, v3, vm0, $0xb8;
	[tilespmem:$0x12000] =	vst v63  }
0x99: {  	v3 =	vld [tilespmem:s16+$0xFFFFFFF0];
	_ =	sdelay $0x4  }
0x9a: {  	v59 =	vshll.u32 v3, $0x1  }
0x9b: {  	v3 =	vand.u32 $0x7, v3;
	v4 =	vand.u32 $0xFFFFFFF0, v59  }
0x9c: {  	v3 =	vor.u32 v3, v4  }
0x9d: {  	v4 =	vperm.xlane v3, v0;
	_ =	sdelay $0x1  }
0x9e: {  	v3 =	vperm.xlane v3, v2;
	v4 =	vadd.s32 v1, v4;
	_ =	sdelay $0x1  }
0x9f: {  	v3 =	vadd.s32 v1, v3;
	_ =	sdelay $0x2  }
0xa0: {  	[tilespmem:s31], [sflag:$0x2] =	stream.indirect_vreg.gather [hbm4b:s3+s2], $0x80, v4, vm0, $0xb8;
	[tilespmem:$0x12000] =	vst v63  }
0xa1: {  	_ = 	snop  }
0xa2: {  	[tilespmem:s0], [sflag:$0x2] =	stream.indirect_vreg.gather [hbm4b:s3+s2], $0x80, v3, vm0, $0xb8;
	[tilespmem:$0x12000] =	vst v63  }
0xa3: {  	v3 =	vld [tilespmem:s16+$0x0];
	_ =	sdelay $0x4  }
0xa4: {  	v60 =	vshll.u32 v3, $0x1  }
0xa5: {  	v3 =	vand.u32 $0x7, v3;
	v4 =	vand.u32 $0xFFFFFFF0, v60  }
0xa6: {  	v3 =	vor.u32 v3, v4  }
0xa7: {  	v4 =	vperm.xlane v3, v0;
	_ =	sdelay $0x1  }
0xa8: {  	v3 =	vperm.xlane v3, v2;
	v4 =	vadd.s32 v1, v4;
	_ =	sdelay $0x1  }
0xa9: {  	v3 =	vadd.s32 v1, v3;
	_ =	sdelay $0x2  }
0xaa: {  	[tilespmem:s1], [sflag:$0x2] =	stream.indirect_vreg.gather [hbm4b:s3+s2], $0x80, v4, vm0, $0xb8;
	[tilespmem:$0x12000] =	vst v63  }
0xab: {  	_ = 	snop  }
0xac: {  	[tilespmem:s4], [sflag:$0x2] =	stream.indirect_vreg.gather [hbm4b:s3+s2], $0x80, v3, vm0, $0xb8;
	[tilespmem:$0x12000] =	vst v63  }
0xad: {  	v3 =	vld [tilespmem:s16+$0x10];
	_ =	sdelay $0x4  }
0xae: {  	v61 =	vshll.u32 v3, $0x1  }
0xaf: {  	v3 =	vand.u32 $0x7, v3;
	v4 =	vand.u32 $0xFFFFFFF0, v61  }
0xb0: {  	v3 =	vor.u32 v3, v4  }
0xb1: {  	v4 =	vperm.xlane v3, v0;
	_ =	sdelay $0x1  }
0xb2: {  	v3 =	vperm.xlane v3, v2;
	v4 =	vadd.s32 v1, v4;
	_ =	sdelay $0x1  }
0xb3: {  	v3 =	vadd.s32 v1, v3;
	_ =	sdelay $0x2  }
0xb4: {  	[tilespmem:s5], [sflag:$0x2] =	stream.indirect_vreg.gather [hbm4b:s3+s2], $0x80, v4, vm0, $0xb8;
	[tilespmem:$0x12000] =	vst v63  }
0xb5: {  	_ = 	snop  }
0xb6: {  	[tilespmem:s9], [sflag:$0x2] =	stream.indirect_vreg.gather [hbm4b:s3+s2], $0x80, v3, vm0, $0xb8;
	[tilespmem:$0x12000] =	vst v63  }
0xb7: {  	v3 =	vld [tilespmem:s16+$0x20];
	_ =	sdelay $0x4  }
0xb8: {  	v62 =	vshll.u32 v3, $0x1  }
0xb9: {  	v3 =	vand.u32 $0x7, v3;
	v4 =	vand.u32 $0xFFFFFFF0, v62  }
0xba: {  	v3 =	vor.u32 v3, v4  }
0xbb: {  	v4 =	vperm.xlane v3, v0;
	_ =	sdelay $0x1  }
0xbc: {  	v3 =	vperm.xlane v3, v2;
	v4 =	vadd.s32 v1, v4;
	_ =	sdelay $0x1  }
0xbd: {  	v3 =	vadd.s32 v1, v3;
	_ =	sdelay $0x2  }
0xbe: {  	[tilespmem:s10], [sflag:$0x2] =	stream.indirect_vreg.gather [hbm4b:s3+s2], $0x80, v4, vm0, $0xb8;
	[tilespmem:$0x12000] =	vst v63  }
0xbf: {  	_ = 	snop  }
0xc0: {  	[tilespmem:s11], [sflag:$0x2] =	stream.indirect_vreg.gather [hbm4b:s3+s2], $0x80, v3, vm0, $0xb8;
	[tilespmem:$0x12000] =	vst v63  }
0xc1: {  	v3 =	vld [tilespmem:s16+$0x30];
	_ =	sdelay $0x4  }
0xc2: {  	v63 =	vshll.u32 v3, $0x1  }
0xc3: {  	v3 =	vand.u32 $0x7, v3;
	v4 =	vand.u32 $0xFFFFFFF0, v63  }
0xc4: {  	v3 =	vor.u32 v3, v4  }
0xc5: {  	v4 =	vperm.xlane v3, v0;
	_ =	sdelay $0x1  }
0xc6: {  	v3 =	vperm.xlane v3, v2;
	v4 =	vadd.s32 v1, v4;
	_ =	sdelay $0x1  }
0xc7: {  	v3 =	vadd.s32 v1, v3;
	_ =	sdelay $0x2  }
0xc8: {  	[tilespmem:s12], [sflag:$0x2] =	stream.indirect_vreg.gather [hbm4b:s3+s2], $0x80, v4, vm0, $0xb8;
	[tilespmem:$0x12000] =	vst v63  }
0xc9: {  	_ = 	snop  }
0xca: {  	[tilespmem:s13], [sflag:$0x2] =	stream.indirect_vreg.gather [hbm4b:s3+s2], $0x80, v3, vm0, $0xb8;
	[tilespmem:$0x12000] =	vst v63  }
0xcb: {  	_ =	swait.ge [sflag:s14], $0x8000  }
0xcc: {  	p0 =	seq.s32 s17, $0x3E000;
	[sflag:s14] =	ssyncset.done $0x0  }
.Ltmp4:
0xcd: {  	s18 =	sadd.s32 s17, s6;
	[sflag:s14] =	ssyncadd.s32 $0xFFFF8000;
	(pc) =	sbr.rel @p0 .LBB2_4-.Ltmp4, $4  }
0xce: {  	[hbm4b:s18+s2] =	stream.linear.scatter [tilespmem:s8], [sflag:$0x3], $0x8000, $0x38;
	[tilespmem:$0x12000] =	vst v63  }
0xcf: {  	_ =	swait.ge [sflag:s7], $0x8000  }
0xd0: {  	[sflag:s7] =	ssyncset.done $0x0  }
0xd1: {  	[sflag:s7] =	ssyncadd.s32 $0xFFFF8000  }
0xd2: {  	v3 =	vld [tilespmem:s16+$0x40];
	_ =	sdelay $0x4  }
0xd3: {  	v4 =	vshll.u32 v3, $0x1  }
0xd4: {  	v3 =	vand.u32 $0x7, v3;
	v4 =	vand.u32 $0xFFFFFFF0, v4  }
0xd5: {  	v3 =	vor.u32 v3, v4  }
0xd6: {  	v4 =	vperm.xlane v3, v0;
	_ =	sdelay $0x1  }
0xd7: {  	v3 =	vperm.xlane v3, v2;
	v4 =	vadd.s32 v1, v4;
	_ =	sdelay $0x1  }
0xd8: {  	v3 =	vadd.s32 v1, v3;
	_ =	sdelay $0x2  }
0xd9: {  	[tilespmem:s8], [sflag:$0x1] =	stream.indirect_vreg.gather [hbm4b:s3+s2], $0x80, v4, vm0, $0xb8;
	[tilespmem:$0x12000] =	vst v63  }
0xda: {  	s19 =	simm.s32 $0x2800  }
0xdb: {  	[tilespmem:s19], [sflag:$0x1] =	stream.indirect_vreg.gather [hbm4b:s3+s2], $0x80, v3, vm0, $0xb8;
	[tilespmem:$0x12000] =	vst v63  }
0xdc: {  	v3 =	vld [tilespmem:s16+$0x50];
	_ =	sdelay $0x4  }
0xdd: {  	v57 =	vshll.u32 v3, $0x1  }
0xde: {  	v3 =	vand.u32 $0x7, v3;
	v4 =	vand.u32 $0xFFFFFFF0, v57  }
0xdf: {  	v3 =	vor.u32 v3, v4  }
0xe0: {  	v4 =	vperm.xlane v3, v0;
	_ =	sdelay $0x1  }
0xe1: {  	v3 =	vperm.xlane v3, v2;
	v4 =	vadd.s32 v1, v4;
	_ =	sdelay $0x1  }
0xe2: {  	v3 =	vadd.s32 v1, v3;
	_ =	sdelay $0x1  }
0xe3: {  	s19 =	simm.s32 $0x3000  }
0xe4: {  	[tilespmem:s19], [sflag:$0x1] =	stream.indirect_vreg.gather [hbm4b:s3+s2], $0x80, v4, vm0, $0xb8;
	[tilespmem:$0x12000] =	vst v63  }
0xe5: {  	s19 =	simm.s32 $0x3800  }
0xe6: {  	[tilespmem:s19], [sflag:$0x1] =	stream.indirect_vreg.gather [hbm4b:s3+s2], $0x80, v3, vm0, $0xb8;
	[tilespmem:$0x12000] =	vst v63  }
0xe7: {  	v3 =	vld [tilespmem:s16+$0x60];
	_ =	sdelay $0x4  }
0xe8: {  	v58 =	vshll.u32 v3, $0x1  }
0xe9: {  	v3 =	vand.u32 $0x7, v3;
	v4 =	vand.u32 $0xFFFFFFF0, v58  }
0xea: {  	v3 =	vor.u32 v3, v4  }
0xeb: {  	v4 =	vperm.xlane v3, v0;
	_ =	sdelay $0x1  }
0xec: {  	v3 =	vperm.xlane v3, v2;
	v4 =	vadd.s32 v1, v4;
	_ =	sdelay $0x1  }
0xed: {  	v3 =	vadd.s32 v1, v3;
	_ =	sdelay $0x1  }
0xee: {  	s19 =	simm.s32 $0x4000  }
0xef: {  	[tilespmem:s19], [sflag:$0x1] =	stream.indirect_vreg.gather [hbm4b:s3+s2], $0x80, v4, vm0, $0xb8;
	[tilespmem:$0x12000] =	vst v63  }
0xf0: {  	s19 =	simm.s32 $0x4800  }
0xf1: {  	[tilespmem:s19], [sflag:$0x1] =	stream.indirect_vreg.gather [hbm4b:s3+s2], $0x80, v3, vm0, $0xb8;
	[tilespmem:$0x12000] =	vst v63  }
0xf2: {  	v3 =	vld [tilespmem:s16+$0x70];
	_ =	sdelay $0x4  }
0xf3: {  	v59 =	vshll.u32 v3, $0x1  }
0xf4: {  	v3 =	vand.u32 $0x7, v3;
	v4 =	vand.u32 $0xFFFFFFF0, v59  }
0xf5: {  	v3 =	vor.u32 v3, v4  }
0xf6: {  	v4 =	vperm.xlane v3, v0;
	_ =	sdelay $0x1  }
0xf7: {  	v3 =	vperm.xlane v3, v2;
	v4 =	vadd.s32 v1, v4;
	_ =	sdelay $0x1  }
0xf8: {  	v3 =	vadd.s32 v1, v3;
	_ =	sdelay $0x1  }
0xf9: {  	s19 =	simm.s32 $0x5000  }
0xfa: {  	[tilespmem:s19], [sflag:$0x1] =	stream.indirect_vreg.gather [hbm4b:s3+s2], $0x80, v4, vm0, $0xb8;
	[tilespmem:$0x12000] =	vst v63  }
0xfb: {  	s19 =	simm.s32 $0x5800  }
0xfc: {  	[tilespmem:s19], [sflag:$0x1] =	stream.indirect_vreg.gather [hbm4b:s3+s2], $0x80, v3, vm0, $0xb8;
	[tilespmem:$0x12000] =	vst v63  }
0xfd: {  	v3 =	vld [tilespmem:s16+$0x80];
	_ =	sdelay $0x4  }
0xfe: {  	v60 =	vshll.u32 v3, $0x1  }
0xff: {  	v3 =	vand.u32 $0x7, v3;
	v4 =	vand.u32 $0xFFFFFFF0, v60  }
0x100: {  	v3 =	vor.u32 v3, v4  }
0x101: {  	v4 =	vperm.xlane v3, v0;
	_ =	sdelay $0x1  }
0x102: {  	v3 =	vperm.xlane v3, v2;
	v4 =	vadd.s32 v1, v4;
	_ =	sdelay $0x1  }
0x103: {  	v3 =	vadd.s32 v1, v3;
	_ =	sdelay $0x1  }
0x104: {  	s19 =	simm.s32 $0x6000  }
0x105: {  	[tilespmem:s19], [sflag:$0x1] =	stream.indirect_vreg.gather [hbm4b:s3+s2], $0x80, v4, vm0, $0xb8;
	[tilespmem:$0x12000] =	vst v63  }
0x106: {  	s19 =	simm.s32 $0x6800  }
0x107: {  	[tilespmem:s19], [sflag:$0x1] =	stream.indirect_vreg.gather [hbm4b:s3+s2], $0x80, v3, vm0, $0xb8;
	[tilespmem:$0x12000] =	vst v63  }
0x108: {  	v3 =	vld [tilespmem:s16+$0x90];
	_ =	sdelay $0x4  }
0x109: {  	v61 =	vshll.u32 v3, $0x1  }
0x10a: {  	v3 =	vand.u32 $0x7, v3;
	v4 =	vand.u32 $0xFFFFFFF0, v61  }
0x10b: {  	v3 =	vor.u32 v3, v4  }
0x10c: {  	v4 =	vperm.xlane v3, v0;
	_ =	sdelay $0x1  }
0x10d: {  	v3 =	vperm.xlane v3, v2;
	v4 =	vadd.s32 v1, v4;
	_ =	sdelay $0x1  }
0x10e: {  	v3 =	vadd.s32 v1, v3;
	_ =	sdelay $0x1  }
0x10f: {  	s19 =	simm.s32 $0x7000  }
0x110: {  	[tilespmem:s19], [sflag:$0x1] =	stream.indirect_vreg.gather [hbm4b:s3+s2], $0x80, v4, vm0, $0xb8;
	[tilespmem:$0x12000] =	vst v63  }
0x111: {  	s19 =	simm.s32 $0x7800  }
0x112: {  	[tilespmem:s19], [sflag:$0x1] =	stream.indirect_vreg.gather [hbm4b:s3+s2], $0x80, v3, vm0, $0xb8;
	[tilespmem:$0x12000] =	vst v63  }
0x113: {  	v3 =	vld [tilespmem:s16+$0xA0];
	_ =	sdelay $0x4  }
0x114: {  	v62 =	vshll.u32 v3, $0x1  }
0x115: {  	v3 =	vand.u32 $0x7, v3;
	v4 =	vand.u32 $0xFFFFFFF0, v62  }
0x116: {  	v3 =	vor.u32 v3, v4  }
0x117: {  	v4 =	vperm.xlane v3, v0;
	_ =	sdelay $0x1  }
0x118: {  	v3 =	vperm.xlane v3, v2;
	v4 =	vadd.s32 v1, v4;
	_ =	sdelay $0x1  }
0x119: {  	v3 =	vadd.s32 v1, v3;
	_ =	sdelay $0x2  }
0x11a: {  	[tilespmem:s20], [sflag:$0x1] =	stream.indirect_vreg.gather [hbm4b:s3+s2], $0x80, v4, vm0, $0xb8;
	[tilespmem:$0x12000] =	vst v63  }
0x11b: {  	_ = 	snop  }
0x11c: {  	[tilespmem:s21], [sflag:$0x1] =	stream.indirect_vreg.gather [hbm4b:s3+s2], $0x80, v3, vm0, $0xb8;
	[tilespmem:$0x12000] =	vst v63  }
0x11d: {  	v3 =	vld [tilespmem:s16+$0xB0];
	_ =	sdelay $0x4  }
0x11e: {  	v63 =	vshll.u32 v3, $0x1  }
0x11f: {  	v3 =	vand.u32 $0x7, v3;
	v4 =	vand.u32 $0xFFFFFFF0, v63  }
0x120: {  	v3 =	vor.u32 v3, v4  }
0x121: {  	v4 =	vperm.xlane v3, v0;
	_ =	sdelay $0x1  }
0x122: {  	v3 =	vperm.xlane v3, v2;
	v4 =	vadd.s32 v1, v4;
	_ =	sdelay $0x1  }
0x123: {  	v3 =	vadd.s32 v1, v3  }
.Ltmp5:
0x124: {  	_ = 	snop;
	(pc) =	sbr.rel .LBB2_4-.Ltmp5, $4  }
0x125: {  	_ = 	snop  }
0x126: {  	[tilespmem:s22], [sflag:$0x1] =	stream.indirect_vreg.gather [hbm4b:s3+s2], $0x80, v4, vm0, $0xb8;
	[tilespmem:$0x12000] =	vst v63  }
0x127: {  	_ = 	snop  }
0x128: {  	[tilespmem:s23], [sflag:$0x1] =	stream.indirect_vreg.gather [hbm4b:s3+s2], $0x80, v3, vm0, $0xb8;
	[tilespmem:$0x12000] =	vst v63  }
.LBB2_6:
0x129: {  	_ =	sfence.sel $0x180000  }
0x12a: {  	[bflag:$0x0] =	sbarrier.arrive $0xFFFF  }
0x12b: {  	_ =	strace $0x90000047  }
0x12c: {  	s0 =	stileid.u32;
	[bflag:$0x2] =	sbarrier.arrive $0xFFFF  }
0x12d: {  	p0 =	sne.s32 s0, $0x0;
	s0 =	rddreg [dreg:$0x1]  }
0x12e: {  	s0 =	sadd.s32 @!p0 $0x100000, s0  }
0x12f: {  	[sflag:s0] =	ssyncadd.tile.s32 @!p0 $0x1;
	_ =	shalt  }
.Lfunc_end2:
_tile_overlayer_lowered:
.L_overlay_start_2:
0x130: {  	(tag) =	ssettag $0x2  }
0x131: {  	s0 =	rddreg [dreg:$0x0];
	s2 =	stileid.u32  }
0x132: {  	s1 =	rddreg [dreg:$0x1];
	p0 =	sne.s32 s2, $0x0  }
0x133: {  	s3 =	rddreg [dreg:$0x2];
	[bflag:$0x3] =	sbarrier.arrive $0xFFFF;
	s2 =	simm.s32 @!p0 $0x1C03  }
0x134: {  	[timem:s3], [sflag:s2] =	dma.local @!p0 [hbm:s0], s1  }
0x135: {  	s0 =	simm.s32 @!p0 $0x3  }
0x136: {  	_ =	swait.ge @!p0 [sflag:s0], s1  }
0x137: {  	s1 =	ssub.s32 @!p0 $0x0, s1;
	[sflag:s0] =	ssyncset.done @!p0 $0x0  }
0x138: {  	[sflag:s0] =	ssyncadd.s32 @!p0 s1  }
0x139: {  	[bflag:$0x3] =	sbarrier.arrive $0xFFFF  }
0x13a: {  	_ =	shalt  }

</sc_bundles>
